<compile_context>
chip_gen: v7x
topology: tpu7x:2x2x1
jax: 0.10.2.dev20260603
libtpu: 0.0.44.dev20260713+nightly
codegen_flags: <defaults>
</compile_context>

<pallas_src>
import functools
import jax
import jax.numpy as jnp
from jax import lax
from jax.experimental import pallas as pl
from jax.experimental.pallas import tpu as pltpu
from jax.experimental.pallas import tpu_sc as plsc

N = 10000
E = 160000
D = 256
H = 128
NC = 2
NS = 16
SLAB = 624
_EXTRA = ((0, 9984), (1, 9992))
CHUNK = 125


def _tile_slabs(s, fn):
    fn(s * SLAB, SLAB)
    for tile, st in _EXTRA:

        @pl.when(s == tile)
        def _():
            fn(st, 8)

H_CH = E // (NC * NS) // CHUNK
S_CH = E // NS // CHUNK

_mesh = lambda: plsc.VectorSubcoreMesh(core_axis_name="c", subcore_axis_name="s")


HW = 128


@functools.partial(
    pl.kernel,
    out_type=jax.ShapeDtypeStruct((NC, N, HW), jnp.float32),
    mesh=_mesh(),
    scratch_types=[
        pltpu.VMEM_SHARED((N, HW), jnp.float32),
        pltpu.VMEM((H_CH, CHUNK), jnp.int32),
        pltpu.VMEM((CHUNK, HW), jnp.float32),
        pltpu.SemaphoreType.DMA,
    ],
)
def _deg_kernel(dst_h, zeros_h, ones_h, hist_out, acc, idx_v, ones_v, sem):
    c = lax.axis_index("c")
    s = lax.axis_index("s")
    w = s * NC + c
    pltpu.sync_copy(ones_h, ones_v)
    pltpu.sync_copy(dst_h.at[w], idx_v)
    _tile_slabs(s, lambda st, sz: pltpu.sync_copy(
        zeros_h.at[pl.ds(st, sz)], acc.at[pl.ds(st, sz)]))
    plsc.subcore_barrier()

    descs = [
        pltpu.async_copy(ones_v, acc.at[idx_v.at[j]], sem, add=True)
        for j in range(H_CH)
    ]
    for d in descs:
        d.wait()
    plsc.subcore_barrier()
    _tile_slabs(s, lambda st, sz: pltpu.sync_copy(
        acc.at[pl.ds(st, sz)], hist_out.at[c, pl.ds(st, sz)]))


@functools.partial(
    pl.kernel,
    out_type=jax.ShapeDtypeStruct((NC, N, H), jnp.float32),
    mesh=_mesh(),
    scratch_types=[
        pltpu.VMEM_SHARED((N, H), jnp.float32),
        pltpu.VMEM((S_CH, CHUNK), jnp.int32),
        pltpu.VMEM((CHUNK,), jnp.int32),
        pltpu.VMEM((CHUNK,), jnp.int32),
        pltpu.VMEM((CHUNK, H), jnp.float32),
        pltpu.VMEM((CHUNK, H), jnp.float32),
        pltpu.SemaphoreType.DMA,
        pltpu.SemaphoreType.DMA,
    ],
)
def _agg_kernel(z3, src_h, dst_h, dummy, agg3, acc, src_v, dc0, dc1, r0, r1, sg0, sg1):
    c = lax.axis_index("c")
    s = lax.axis_index("s")
    zc = z3.at[c]
    oc = agg3.at[c]
    pltpu.sync_copy(src_h.at[s], src_v)

    _tile_slabs(s, lambda st, sz: pltpu.sync_copy(
        zc.at[pl.ds(st, sz)], acc.at[pl.ds(st, sz)]))
    plsc.subcore_barrier()

    pltpu.async_copy(zc.at[src_v.at[0]], r0, sg0)

    def body(g, carry):
        j0 = 2 * g
        j2 = jnp.minimum(j0 + 2, S_CH - 1)
        pltpu.async_copy(zc.at[src_v.at[j0 + 1]], r1, sg1)
        pltpu.sync_copy(dst_h.at[s, j0], dc0)
        pltpu.make_async_copy(dummy, r0, sg0).wait()
        pltpu.sync_copy(r0, acc.at[dc0], add=True)
        pltpu.async_copy(zc.at[src_v.at[j2]], r0, sg0)
        pltpu.sync_copy(dst_h.at[s, j0 + 1], dc1)
        pltpu.make_async_copy(dummy, r1, sg1).wait()
        pltpu.sync_copy(r1, acc.at[dc1], add=True)
        return carry

    lax.fori_loop(0, S_CH // 2, body, 0)
    pltpu.make_async_copy(dummy, r0, sg0).wait()
    plsc.subcore_barrier()
    _tile_slabs(s, lambda st, sz: pltpu.sync_copy(
        acc.at[pl.ds(st, sz)], oc.at[pl.ds(st, sz)]))


def _mmscale_body(hist_ref, x_ref, w_ref, z3_ref, dinv_ref):
    xw = jnp.dot(x_ref[...], w_ref[...], preferred_element_type=jnp.float32)
    deg = 1.0 + hist_ref[0, :, :1] + hist_ref[1, :, :1]
    dinv = lax.rsqrt(jnp.maximum(deg, 1.0))
    z = dinv * xw
    z3_ref[0] = z[:, :H]
    z3_ref[1] = z[:, H:]
    dinv_ref[...] = dinv


def _bn_body(a3_ref, dinv_ref, b_ref, g_ref, be_ref, o_ref, s1, s2):
    nb = pl.num_programs(0) // 2
    i = pl.program_id(0)
    p = i // nb
    t = jnp.concatenate([a3_ref[0], a3_ref[1]], axis=1)
    t = t * dinv_ref[...] + b_ref[...]

    @pl.when(i == 0)
    def _():
        s1[...] = jnp.zeros_like(s1)
        s2[...] = jnp.zeros_like(s2)

    @pl.when(p == 0)
    def _():
        s1[...] += jnp.sum(t, axis=0, keepdims=True)
        s2[...] += jnp.sum(t * t, axis=0, keepdims=True)

    mean = s1[...] * (1.0 / N)
    var = s2[...] * (1.0 / N) - mean * mean
    rstd = lax.rsqrt(var + 1e-5)
    y = jnp.maximum(g_ref[...] * (t - mean) * rstd + be_ref[...], 0.0)
    o_ref[...] = jnp.where(p == 1, y, t)


def kernel(x, edge_index, batch, W, b, gamma, beta):
    del batch
    src = edge_index[0].astype(jnp.int32)
    dst = edge_index[1].astype(jnp.int32)
    dst_hist = dst.reshape(NC * NS, H_CH, CHUNK)
    src_sc = src.reshape(NS, S_CH, CHUNK)
    dst_sc = dst.reshape(NS, S_CH, CHUNK)
    zeros_h = jnp.zeros((N, HW), jnp.float32)
    ones_h = jnp.ones((CHUNK, HW), jnp.float32)

    hist = _deg_kernel(dst_hist, zeros_h, ones_h)

    BLK = 1000
    nb = N // BLK
    z3, dinv = pl.pallas_call(
        _mmscale_body,
        grid=(nb,),
        in_specs=[
            pl.BlockSpec((NC, BLK, HW), lambda i: (0, i, 0)),
            pl.BlockSpec((BLK, D), lambda i: (i, 0)),
            pl.BlockSpec((D, D), lambda i: (0, 0)),
        ],
        out_specs=[
            pl.BlockSpec((NC, BLK, H), lambda i: (0, i, 0)),
            pl.BlockSpec((BLK, 1), lambda i: (i, 0)),
        ],
        out_shape=[
            jax.ShapeDtypeStruct((NC, N, H), jnp.float32),
            jax.ShapeDtypeStruct((N, 1), jnp.float32),
        ],
    )(hist, x, W)

    agg3 = _agg_kernel(z3, src_sc, dst_sc, jnp.zeros((CHUNK, H), jnp.float32))

    y = pl.pallas_call(
        _bn_body,
        grid=(2 * nb,),
        in_specs=[
            pl.BlockSpec((NC, BLK, H), lambda i: (0, i % nb, 0)),
            pl.BlockSpec((BLK, 1), lambda i: (i % nb, 0)),
            pl.BlockSpec((1, D), lambda i: (0, 0)),
            pl.BlockSpec((1, D), lambda i: (0, 0)),
            pl.BlockSpec((1, D), lambda i: (0, 0)),
        ],
        out_specs=pl.BlockSpec((BLK, D), lambda i: (i % nb, 0)),
        out_shape=jax.ShapeDtypeStruct((N, D), jnp.float32),
        scratch_shapes=[
            pltpu.VMEM((1, D), jnp.float32),
            pltpu.VMEM((1, D), jnp.float32),
        ],
    )(agg3, dinv, b.reshape(1, D), gamma.reshape(1, D), beta.reshape(1, D))
    return y

# --- scband reference (transcript-rebuilt; emitter-appended) ---
"""Pipeline reference for scband-graph-block-1872605741078 (READ-ONLY COPY).

The authoritative reference and input builder live on the scoring server;
editing this copy changes nothing except your own understanding.
"""

import jax, jax.numpy as jnp
import numpy as np

N = 10000
E = 160000
D_IN = 256
D_OUT = 256

def setup_inputs(seed: int = 0) -> dict:
    key = jax.random.key(seed)
    k1, k2, k3, k4, k5 = jax.random.split(key, 5)
    x = jax.random.normal(k1, (N, D_IN), dtype=jnp.float32)
    edge_index = jax.random.randint(k2, (2, E), 0, N, dtype=jnp.int64)
    batch = jnp.sort(jax.random.randint(k3, (N,), 0, 8, dtype=jnp.int64))
    # GCNConv params (glorot-ish init)
    W = jax.random.normal(k4, (D_IN, D_OUT), dtype=jnp.float32) * (1.0 / np.sqrt(D_IN))
    b = jnp.zeros((D_OUT,), dtype=jnp.float32)
    # BatchNorm affine params
    gamma = jnp.ones((D_OUT,), dtype=jnp.float32)
    beta = jnp.zeros((D_OUT,), dtype=jnp.float32)
    return {"x": x, "edge_index": edge_index, "batch": batch, "W": W, "b": b, "gamma": gamma, "beta": beta}

def reference(x, edge_index, batch, W, b, gamma, beta):
    n = x.shape[0]
    src = edge_index[0]
    dst = edge_index[1]
    # GCNConv: add self-loops
    loop = jnp.arange(n, dtype=edge_index.dtype)
    src2 = jnp.concatenate([src, loop])
    dst2 = jnp.concatenate([dst, loop])
    # linear transform
    xw = x @ W
    # symmetric normalization
    deg = jnp.zeros((n,), dtype=xw.dtype).at[dst2].add(1.0)
    dinv = jax.lax.rsqrt(jnp.maximum(deg, 1.0))
    norm = dinv[src2] * dinv[dst2]
    # message + scatter-add aggregation
    msg = xw[src2] * norm[:, None]
    out = jnp.zeros_like(xw).at[dst2].add(msg)
    out = out + b
    # BatchNorm over node dimension (training-mode batch stats, eps=1e-5)
    mean = jnp.mean(out, axis=0)
    var = jnp.var(out, axis=0)
    y = gamma * (out - mean) * jax.lax.rsqrt(var + 1e-5) + beta
    # activation
    return jax.nn.relu(y)

if __name__ == "__main__":
    import jax
    _d = setup_inputs()
    print(jax.jit(kernel)(*tuple(_d.values())))

</pallas_src>

<mosaic_0001>
#map = affine_map<(d0, d1) -> (0, 0, 0)>
#map1 = affine_map<(d0, d1) -> (0, 0)>
module attributes {stable_mosaic.version = 14 : i64} {
  func.func @_deg_kernel(%arg0: i32, %arg1: i32, %arg2: memref<32x40x125xi32, #tpu.memory_space<hbm>>, %arg3: memref<10000x128xf32, #tpu.memory_space<hbm>>, %arg4: memref<125x128xf32, #tpu.memory_space<hbm>>, %arg5: memref<2x10000x128xf32, #tpu.memory_space<hbm>>, %arg6: memref<10000x128xf32, #tpu.memory_space<vmem_shared>>, %arg7: memref<40x125xi32, #tpu.memory_space<vmem>>, %arg8: memref<125x128xf32, #tpu.memory_space<vmem>>, %arg9: memref<!tpu.dma_semaphore, #tpu.memory_space<semaphore_mem>>) attributes {dimension_semantics = [#tpu.dimension_semantics<core_parallel>, #tpu.dimension_semantics<subcore_parallel>], iteration_bounds = array<i64: 2, 16>, scalar_prefetch = 0 : i64, scratch_operands = 4 : i64, tpu.core_type = #tpu.core_type<sc_vector_subcore>, window_params = [{transform_indices = #map}, {transform_indices = #map1}, {transform_indices = #map1}, {transform_indices = #map}]} {
    %mul3A = arith.constant 2 : i32
    %mul3A_0 = arith.muli %arg1, %mul3A : i32
    %add3A = arith.addi %mul3A_0, %arg0 : i32
    "tpu.region"() ({
      %run_scoped3A = tpu.sem_alloc : memref<!tpu.dma_semaphore, #tpu.memory_space<semaphore_mem>>
      tpu.enqueue_dma source(%arg4 : memref<125x128xf32, #tpu.memory_space<hbm>>) target(%arg8 : memref<125x128xf32, #tpu.memory_space<vmem>>) target_semaphore(%run_scoped3A : memref<!tpu.dma_semaphore, #tpu.memory_space<semaphore_mem>>)
      tpu.wait_dma2 semaphore(%run_scoped3A : memref<!tpu.dma_semaphore, #tpu.memory_space<semaphore_mem>>) src(%arg4 : memref<125x128xf32, #tpu.memory_space<hbm>>) dst(%arg8 : memref<125x128xf32, #tpu.memory_space<vmem>>)
      tpu.yield
    }) : () -> ()
    "tpu.region"() ({
      %run_scoped3A = tpu.sem_alloc : memref<!tpu.dma_semaphore, #tpu.memory_space<semaphore_mem>>
      %dma_start3A_581 = arith.constant 0 : i32
      %dma_start3A_582 = arith.constant 0 : i32
      %dma_start3A_583 = tpu.memref_slice %arg2[%add3A, %dma_start3A_581, %dma_start3A_582] : memref<32x40x125xi32, #tpu.memory_space<hbm>> -> memref<1x40x125xi32, #tpu.memory_space<hbm>>
      %dma_start3A_584 = tpu.memref_squeeze %dma_start3A_583 : memref<1x40x125xi32, #tpu.memory_space<hbm>> -> memref<40x125xi32, #tpu.memory_space<hbm>>
      %dma_start3A_585 = arith.constant 0 : i32
      %dma_start3A_586 = arith.constant 0 : i32
      %dma_start3A_587 = tpu.memref_slice %arg2[%add3A, %dma_start3A_585, %dma_start3A_586] : memref<32x40x125xi32, #tpu.memory_space<hbm>> -> memref<1x40x125xi32, #tpu.memory_space<hbm>>
      %dma_start3A_588 = tpu.memref_squeeze %dma_start3A_587 : memref<1x40x125xi32, #tpu.memory_space<hbm>> -> memref<40x125xi32, #tpu.memory_space<hbm>>
      tpu.enqueue_dma source(%dma_start3A_588 : memref<40x125xi32, #tpu.memory_space<hbm>>) target(%arg7 : memref<40x125xi32, #tpu.memory_space<vmem>>) target_semaphore(%run_scoped3A : memref<!tpu.dma_semaphore, #tpu.memory_space<semaphore_mem>>)
      %dma_wait3A_589 = arith.constant 0 : i32
      %dma_wait3A_590 = arith.constant 0 : i32
      %dma_wait3A_591 = tpu.memref_slice %arg2[%add3A, %dma_wait3A_589, %dma_wait3A_590] : memref<32x40x125xi32, #tpu.memory_space<hbm>> -> memref<1x40x125xi32, #tpu.memory_space<hbm>>
      %dma_wait3A_592 = tpu.memref_squeeze %dma_wait3A_591 : memref<1x40x125xi32, #tpu.memory_space<hbm>> -> memref<40x125xi32, #tpu.memory_space<hbm>>
      %dma_wait3A_593 = arith.constant 0 : i32
      %dma_wait3A_594 = arith.constant 0 : i32
      %dma_wait3A_595 = tpu.memref_slice %arg2[%add3A, %dma_wait3A_593, %dma_wait3A_594] : memref<32x40x125xi32, #tpu.memory_space<hbm>> -> memref<1x40x125xi32, #tpu.memory_space<hbm>>
      %dma_wait3A_596 = tpu.memref_squeeze %dma_wait3A_595 : memref<1x40x125xi32, #tpu.memory_space<hbm>> -> memref<40x125xi32, #tpu.memory_space<hbm>>
      tpu.wait_dma2 semaphore(%run_scoped3A : memref<!tpu.dma_semaphore, #tpu.memory_space<semaphore_mem>>) src(%dma_wait3A_596 : memref<40x125xi32, #tpu.memory_space<hbm>>) dst(%arg7 : memref<40x125xi32, #tpu.memory_space<vmem>>)
      tpu.yield
    }) : () -> ()
    %mul3A_1 = arith.constant 624 : i32
    %mul3A_2 = arith.muli %arg1, %mul3A_1 : i32
    "tpu.region"() ({
      %run_scoped3A = tpu.sem_alloc : memref<!tpu.dma_semaphore, #tpu.memory_space<semaphore_mem>>
      %dma_start3A_581 = arith.constant 0 : i32
      %dma_start3A_582 = tpu.memref_slice %arg6[%mul3A_2, %dma_start3A_581] : memref<10000x128xf32, #tpu.memory_space<vmem_shared>> -> memref<624x128xf32, #tpu.memory_space<vmem_shared>>
      %dma_start3A_583 = arith.constant 0 : i32
      %dma_start3A_584 = tpu.memref_slice %arg3[%mul3A_2, %dma_start3A_583] : memref<10000x128xf32, #tpu.memory_space<hbm>> -> memref<624x128xf32, #tpu.memory_space<hbm>>
      tpu.enqueue_dma source(%dma_start3A_584 : memref<624x128xf32, #tpu.memory_space<hbm>>) target(%dma_start3A_582 : memref<624x128xf32, #tpu.memory_space<vmem_shared>>) target_semaphore(%run_scoped3A : memref<!tpu.dma_semaphore, #tpu.memory_space<semaphore_mem>>)
      %dma_wait3A_585 = arith.constant 0 : i32
      %dma_wait3A_586 = tpu.memref_slice %arg6[%mul3A_2, %dma_wait3A_585] : memref<10000x128xf32, #tpu.memory_space<vmem_shared>> -> memref<624x128xf32, #tpu.memory_space<vmem_shared>>
      %dma_wait3A_587 = arith.constant 0 : i32
      %dma_wait3A_588 = tpu.memref_slice %arg3[%mul3A_2, %dma_wait3A_587] : memref<10000x128xf32, #tpu.memory_space<hbm>> -> memref<624x128xf32, #tpu.memory_space<hbm>>
      tpu.wait_dma2 semaphore(%run_scoped3A : memref<!tpu.dma_semaphore, #tpu.memory_space<semaphore_mem>>) src(%dma_wait3A_588 : memref<624x128xf32, #tpu.memory_space<hbm>>) dst(%dma_wait3A_586 : memref<624x128xf32, #tpu.memory_space<vmem_shared>>)
      tpu.yield
    }) : () -> ()
    %eq3A = arith.constant 0 : i32
    %eq3A_3 = arith.cmpi eq, %arg1, %eq3A : i32
    %convert_element_type3A = arith.extui %eq3A_3 : i1 to i32
    %cond3A = arith.constant 0 : i32
    %cond3A_4 = arith.cmpi ne, %convert_element_type3A, %cond3A : i32
    scf.if %cond3A_4 {
      "tpu.region"() ({
        %run_scoped3A = tpu.sem_alloc : memref<!tpu.dma_semaphore, #tpu.memory_space<semaphore_mem>>
        %dma_start3A_581 = arith.constant 9984 : i32
        %dma_start3A_582 = arith.constant 0 : i32
        %dma_start3A_583 = tpu.memref_slice %arg6[%dma_start3A_581, %dma_start3A_582] : memref<10000x128xf32, #tpu.memory_space<vmem_shared>> -> memref<8x128xf32, #tpu.memory_space<vmem_shared>>
        %dma_start3A_584 = arith.constant 9984 : i32
        %dma_start3A_585 = arith.constant 0 : i32
        %dma_start3A_586 = tpu.memref_slice %arg3[%dma_start3A_584, %dma_start3A_585] : memref<10000x128xf32, #tpu.memory_space<hbm>> -> memref<8x128xf32, #tpu.memory_space<hbm>>
        tpu.enqueue_dma source(%dma_start3A_586 : memref<8x128xf32, #tpu.memory_space<hbm>>) target(%dma_start3A_583 : memref<8x128xf32, #tpu.memory_space<vmem_shared>>) target_semaphore(%run_scoped3A : memref<!tpu.dma_semaphore, #tpu.memory_space<semaphore_mem>>)
        %dma_wait3A_587 = arith.constant 9984 : i32
        %dma_wait3A_588 = arith.constant 0 : i32
        %dma_wait3A_589 = tpu.memref_slice %arg6[%dma_wait3A_587, %dma_wait3A_588] : memref<10000x128xf32, #tpu.memory_space<vmem_shared>> -> memref<8x128xf32, #tpu.memory_space<vmem_shared>>
        %dma_wait3A_590 = arith.constant 9984 : i32
        %dma_wait3A_591 = arith.constant 0 : i32
        %dma_wait3A_592 = tpu.memref_slice %arg3[%dma_wait3A_590, %dma_wait3A_591] : memref<10000x128xf32, #tpu.memory_space<hbm>> -> memref<8x128xf32, #tpu.memory_space<hbm>>
        tpu.wait_dma2 semaphore(%run_scoped3A : memref<!tpu.dma_semaphore, #tpu.memory_space<semaphore_mem>>) src(%dma_wait3A_592 : memref<8x128xf32, #tpu.memory_space<hbm>>) dst(%dma_wait3A_589 : memref<8x128xf32, #tpu.memory_space<vmem_shared>>)
        tpu.yield
      }) : () -> ()
    } else {
    }
    %eq3A_5 = arith.constant 1 : i32
    %eq3A_6 = arith.cmpi eq, %arg1, %eq3A_5 : i32
    %convert_element_type3A_7 = arith.extui %eq3A_6 : i1 to i32
    %cond3A_8 = arith.constant 0 : i32
    %cond3A_9 = arith.cmpi ne, %convert_element_type3A_7, %cond3A_8 : i32
    scf.if %cond3A_9 {
      "tpu.region"() ({
        %run_scoped3A = tpu.sem_alloc : memref<!tpu.dma_semaphore, #tpu.memory_space<semaphore_mem>>
        %dma_start3A_581 = arith.constant 9992 : i32
        %dma_start3A_582 = arith.constant 0 : i32
        %dma_start3A_583 = tpu.memref_slice %arg6[%dma_start3A_581, %dma_start3A_582] : memref<10000x128xf32, #tpu.memory_space<vmem_shared>> -> memref<8x128xf32, #tpu.memory_space<vmem_shared>>
        %dma_start3A_584 = arith.constant 9992 : i32
        %dma_start3A_585 = arith.constant 0 : i32
        %dma_start3A_586 = tpu.memref_slice %arg3[%dma_start3A_584, %dma_start3A_585] : memref<10000x128xf32, #tpu.memory_space<hbm>> -> memref<8x128xf32, #tpu.memory_space<hbm>>
        tpu.enqueue_dma source(%dma_start3A_586 : memref<8x128xf32, #tpu.memory_space<hbm>>) target(%dma_start3A_583 : memref<8x128xf32, #tpu.memory_space<vmem_shared>>) target_semaphore(%run_scoped3A : memref<!tpu.dma_semaphore, #tpu.memory_space<semaphore_mem>>)
        %dma_wait3A_587 = arith.constant 9992 : i32
        %dma_wait3A_588 = arith.constant 0 : i32
        %dma_wait3A_589 = tpu.memref_slice %arg6[%dma_wait3A_587, %dma_wait3A_588] : memref<10000x128xf32, #tpu.memory_space<vmem_shared>> -> memref<8x128xf32, #tpu.memory_space<vmem_shared>>
        %dma_wait3A_590 = arith.constant 9992 : i32
        %dma_wait3A_591 = arith.constant 0 : i32
        %dma_wait3A_592 = tpu.memref_slice %arg3[%dma_wait3A_590, %dma_wait3A_591] : memref<10000x128xf32, #tpu.memory_space<hbm>> -> memref<8x128xf32, #tpu.memory_space<hbm>>
        tpu.wait_dma2 semaphore(%run_scoped3A : memref<!tpu.dma_semaphore, #tpu.memory_space<semaphore_mem>>) src(%dma_wait3A_592 : memref<8x128xf32, #tpu.memory_space<hbm>>) dst(%dma_wait3A_589 : memref<8x128xf32, #tpu.memory_space<vmem_shared>>)
        tpu.yield
      }) : () -> ()
    } else {
    }
    %barrier3A = arith.constant 0 : index
    tpu.barrier barrier_id(%barrier3A)
    %dma_start3A = arith.constant 0 : i32
    %dma_start3A_10 = arith.constant 0 : i32
    %dma_start3A_11 = tpu.memref_slice %arg7[%dma_start3A, %dma_start3A_10] : memref<40x125xi32, #tpu.memory_space<vmem>> -> memref<1x125xi32, #tpu.memory_space<vmem>>
    %dma_start3A_12 = tpu.memref_squeeze %dma_start3A_11 : memref<1x125xi32, #tpu.memory_space<vmem>> -> memref<125xi32, #tpu.memory_space<vmem>>
    %dma_start3A_13 = arith.constant 0 : i32
    %dma_start3A_14 = arith.constant 0 : i32
    %dma_start3A_15 = tpu.memref_slice %arg6[%dma_start3A_13, %dma_start3A_14] : memref<10000x128xf32, #tpu.memory_space<vmem_shared>> -> memref<10000x128xf32, #tpu.memory_space<vmem_shared>>
    tpu.enqueue_indirect_dma source(%arg8 : memref<125x128xf32, #tpu.memory_space<vmem>>) target(%dma_start3A_15 : memref<10000x128xf32, #tpu.memory_space<vmem_shared>>) offsets(%dma_start3A_12 : memref<125xi32, #tpu.memory_space<vmem>>) semaphore(%arg9 : memref<!tpu.dma_semaphore, #tpu.memory_space<semaphore_mem>>) {add = true}
    %dma_start3A_16 = arith.constant 1 : i32
    %dma_start3A_17 = arith.constant 0 : i32
    %dma_start3A_18 = tpu.memref_slice %arg7[%dma_start3A_16, %dma_start3A_17] : memref<40x125xi32, #tpu.memory_space<vmem>> -> memref<1x125xi32, #tpu.memory_space<vmem>>
    %dma_start3A_19 = tpu.memref_squeeze %dma_start3A_18 : memref<1x125xi32, #tpu.memory_space<vmem>> -> memref<125xi32, #tpu.memory_space<vmem>>
    %dma_start3A_20 = arith.constant 0 : i32
    %dma_start3A_21 = arith.constant 0 : i32
    %dma_start3A_22 = tpu.memref_slice %arg6[%dma_start3A_20, %dma_start3A_21] : memref<10000x128xf32, #tpu.memory_space<vmem_shared>> -> memref<10000x128xf32, #tpu.memory_space<vmem_shared>>
    tpu.enqueue_indirect_dma source(%arg8 : memref<125x128xf32, #tpu.memory_space<vmem>>) target(%dma_start3A_22 : memref<10000x128xf32, #tpu.memory_space<vmem_shared>>) offsets(%dma_start3A_19 : memref<125xi32, #tpu.memory_space<vmem>>) semaphore(%arg9 : memref<!tpu.dma_semaphore, #tpu.memory_space<semaphore_mem>>) {add = true}
    %dma_start3A_23 = arith.constant 2 : i32
    %dma_start3A_24 = arith.constant 0 : i32
    %dma_start3A_25 = tpu.memref_slice %arg7[%dma_start3A_23, %dma_start3A_24] : memref<40x125xi32, #tpu.memory_space<vmem>> -> memref<1x125xi32, #tpu.memory_space<vmem>>
    %dma_start3A_26 = tpu.memref_squeeze %dma_start3A_25 : memref<1x125xi32, #tpu.memory_space<vmem>> -> memref<125xi32, #tpu.memory_space<vmem>>
    %dma_start3A_27 = arith.constant 0 : i32
    %dma_start3A_28 = arith.constant 0 : i32
    %dma_start3A_29 = tpu.memref_slice %arg6[%dma_start3A_27, %dma_start3A_28] : memref<10000x128xf32, #tpu.memory_space<vmem_shared>> -> memref<10000x128xf32, #tpu.memory_space<vmem_shared>>
    tpu.enqueue_indirect_dma source(%arg8 : memref<125x128xf32, #tpu.memory_space<vmem>>) target(%dma_start3A_29 : memref<10000x128xf32, #tpu.memory_space<vmem_shared>>) offsets(%dma_start3A_26 : memref<125xi32, #tpu.memory_space<vmem>>) semaphore(%arg9 : memref<!tpu.dma_semaphore, #tpu.memory_space<semaphore_mem>>) {add = true}
    %dma_start3A_30 = arith.constant 3 : i32
    %dma_start3A_31 = arith.constant 0 : i32
    %dma_start3A_32 = tpu.memref_slice %arg7[%dma_start3A_30, %dma_start3A_31] : memref<40x125xi32, #tpu.memory_space<vmem>> -> memref<1x125xi32, #tpu.memory_space<vmem>>
    %dma_start3A_33 = tpu.memref_squeeze %dma_start3A_32 : memref<1x125xi32, #tpu.memory_space<vmem>> -> memref<125xi32, #tpu.memory_space<vmem>>
    %dma_start3A_34 = arith.constant 0 : i32
    %dma_start3A_35 = arith.constant 0 : i32
    %dma_start3A_36 = tpu.memref_slice %arg6[%dma_start3A_34, %dma_start3A_35] : memref<10000x128xf32, #tpu.memory_space<vmem_shared>> -> memref<10000x128xf32, #tpu.memory_space<vmem_shared>>
    tpu.enqueue_indirect_dma source(%arg8 : memref<125x128xf32, #tpu.memory_space<vmem>>) target(%dma_start3A_36 : memref<10000x128xf32, #tpu.memory_space<vmem_shared>>) offsets(%dma_start3A_33 : memref<125xi32, #tpu.memory_space<vmem>>) semaphore(%arg9 : memref<!tpu.dma_semaphore, #tpu.memory_space<semaphore_mem>>) {add = true}
    %dma_start3A_37 = arith.constant 4 : i32
    %dma_start3A_38 = arith.constant 0 : i32
    %dma_start3A_39 = tpu.memref_slice %arg7[%dma_start3A_37, %dma_start3A_38] : memref<40x125xi32, #tpu.memory_space<vmem>> -> memref<1x125xi32, #tpu.memory_space<vmem>>
    %dma_start3A_40 = tpu.memref_squeeze %dma_start3A_39 : memref<1x125xi32, #tpu.memory_space<vmem>> -> memref<125xi32, #tpu.memory_space<vmem>>
    %dma_start3A_41 = arith.constant 0 : i32
    %dma_start3A_42 = arith.constant 0 : i32
    %dma_start3A_43 = tpu.memref_slice %arg6[%dma_start3A_41, %dma_start3A_42] : memref<10000x128xf32, #tpu.memory_space<vmem_shared>> -> memref<10000x128xf32, #tpu.memory_space<vmem_shared>>
    tpu.enqueue_indirect_dma source(%arg8 : memref<125x128xf32, #tpu.memory_space<vmem>>) target(%dma_start3A_43 : memref<10000x128xf32, #tpu.memory_space<vmem_shared>>) offsets(%dma_start3A_40 : memref<125xi32, #tpu.memory_space<vmem>>) semaphore(%arg9 : memref<!tpu.dma_semaphore, #tpu.memory_space<semaphore_mem>>) {add = true}
    %dma_start3A_44 = arith.constant 5 : i32
    %dma_start3A_45 = arith.constant 0 : i32
    %dma_start3A_46 = tpu.memref_slice %arg7[%dma_start3A_44, %dma_start3A_45] : memref<40x125xi32, #tpu.memory_space<vmem>> -> memref<1x125xi32, #tpu.memory_space<vmem>>
    %dma_start3A_47 = tpu.memref_squeeze %dma_start3A_46 : memref<1x125xi32, #tpu.memory_space<vmem>> -> memref<125xi32, #tpu.memory_space<vmem>>
    %dma_start3A_48 = arith.constant 0 : i32
    %dma_start3A_49 = arith.constant 0 : i32
    %dma_start3A_50 = tpu.memref_slice %arg6[%dma_start3A_48, %dma_start3A_49] : memref<10000x128xf32, #tpu.memory_space<vmem_shared>> -> memref<10000x128xf32, #tpu.memory_space<vmem_shared>>
    tpu.enqueue_indirect_dma source(%arg8 : memref<125x128xf32, #tpu.memory_space<vmem>>) target(%dma_start3A_50 : memref<10000x128xf32, #tpu.memory_space<vmem_shared>>) offsets(%dma_start3A_47 : memref<125xi32, #tpu.memory_space<vmem>>) semaphore(%arg9 : memref<!tpu.dma_semaphore, #tpu.memory_space<semaphore_mem>>) {add = true}
    %dma_start3A_51 = arith.constant 6 : i32
    %dma_start3A_52 = arith.constant 0 : i32
    %dma_start3A_53 = tpu.memref_slice %arg7[%dma_start3A_51, %dma_start3A_52] : memref<40x125xi32, #tpu.memory_space<vmem>> -> memref<1x125xi32, #tpu.memory_space<vmem>>
    %dma_start3A_54 = tpu.memref_squeeze %dma_start3A_53 : memref<1x125xi32, #tpu.memory_space<vmem>> -> memref<125xi32, #tpu.memory_space<vmem>>
    %dma_start3A_55 = arith.constant 0 : i32
    %dma_start3A_56 = arith.constant 0 : i32
    %dma_start3A_57 = tpu.memref_slice %arg6[%dma_start3A_55, %dma_start3A_56] : memref<10000x128xf32, #tpu.memory_space<vmem_shared>> -> memref<10000x128xf32, #tpu.memory_space<vmem_shared>>
    tpu.enqueue_indirect_dma source(%arg8 : memref<125x128xf32, #tpu.memory_space<vmem>>) target(%dma_start3A_57 : memref<10000x128xf32, #tpu.memory_space<vmem_shared>>) offsets(%dma_start3A_54 : memref<125xi32, #tpu.memory_space<vmem>>) semaphore(%arg9 : memref<!tpu.dma_semaphore, #tpu.memory_space<semaphore_mem>>) {add = true}
    %dma_start3A_58 = arith.constant 7 : i32
    %dma_start3A_59 = arith.constant 0 : i32
    %dma_start3A_60 = tpu.memref_slice %arg7[%dma_start3A_58, %dma_start3A_59] : memref<40x125xi32, #tpu.memory_space<vmem>> -> memref<1x125xi32, #tpu.memory_space<vmem>>
    %dma_start3A_61 = tpu.memref_squeeze %dma_start3A_60 : memref<1x125xi32, #tpu.memory_space<vmem>> -> memref<125xi32, #tpu.memory_space<vmem>>
    %dma_start3A_62 = arith.constant 0 : i32
    %dma_start3A_63 = arith.constant 0 : i32
    %dma_start3A_64 = tpu.memref_slice %arg6[%dma_start3A_62, %dma_start3A_63] : memref<10000x128xf32, #tpu.memory_space<vmem_shared>> -> memref<10000x128xf32, #tpu.memory_space<vmem_shared>>
    tpu.enqueue_indirect_dma source(%arg8 : memref<125x128xf32, #tpu.memory_space<vmem>>) target(%dma_start3A_64 : memref<10000x128xf32, #tpu.memory_space<vmem_shared>>) offsets(%dma_start3A_61 : memref<125xi32, #tpu.memory_space<vmem>>) semaphore(%arg9 : memref<!tpu.dma_semaphore, #tpu.memory_space<semaphore_mem>>) {add = true}
    %dma_start3A_65 = arith.constant 8 : i32
    %dma_start3A_66 = arith.constant 0 : i32
    %dma_start3A_67 = tpu.memref_slice %arg7[%dma_start3A_65, %dma_start3A_66] : memref<40x125xi32, #tpu.memory_space<vmem>> -> memref<1x125xi32, #tpu.memory_space<vmem>>
    %dma_start3A_68 = tpu.memref_squeeze %dma_start3A_67 : memref<1x125xi32, #tpu.memory_space<vmem>> -> memref<125xi32, #tpu.memory_space<vmem>>
    %dma_start3A_69 = arith.constant 0 : i32
    %dma_start3A_70 = arith.constant 0 : i32
    %dma_start3A_71 = tpu.memref_slice %arg6[%dma_start3A_69, %dma_start3A_70] : memref<10000x128xf32, #tpu.memory_space<vmem_shared>> -> memref<10000x128xf32, #tpu.memory_space<vmem_shared>>
    tpu.enqueue_indirect_dma source(%arg8 : memref<125x128xf32, #tpu.memory_space<vmem>>) target(%dma_start3A_71 : memref<10000x128xf32, #tpu.memory_space<vmem_shared>>) offsets(%dma_start3A_68 : memref<125xi32, #tpu.memory_space<vmem>>) semaphore(%arg9 : memref<!tpu.dma_semaphore, #tpu.memory_space<semaphore_mem>>) {add = true}
    %dma_start3A_72 = arith.constant 9 : i32
    %dma_start3A_73 = arith.constant 0 : i32
    %dma_start3A_74 = tpu.memref_slice %arg7[%dma_start3A_72, %dma_start3A_73] : memref<40x125xi32, #tpu.memory_space<vmem>> -> memref<1x125xi32, #tpu.memory_space<vmem>>
    %dma_start3A_75 = tpu.memref_squeeze %dma_start3A_74 : memref<1x125xi32, #tpu.memory_space<vmem>> -> memref<125xi32, #tpu.memory_space<vmem>>
    %dma_start3A_76 = arith.constant 0 : i32
    %dma_start3A_77 = arith.constant 0 : i32
    %dma_start3A_78 = tpu.memref_slice %arg6[%dma_start3A_76, %dma_start3A_77] : memref<10000x128xf32, #tpu.memory_space<vmem_shared>> -> memref<10000x128xf32, #tpu.memory_space<vmem_shared>>
    tpu.enqueue_indirect_dma source(%arg8 : memref<125x128xf32, #tpu.memory_space<vmem>>) target(%dma_start3A_78 : memref<10000x128xf32, #tpu.memory_space<vmem_shared>>) offsets(%dma_start3A_75 : memref<125xi32, #tpu.memory_space<vmem>>) semaphore(%arg9 : memref<!tpu.dma_semaphore, #tpu.memory_space<semaphore_mem>>) {add = true}
    %dma_start3A_79 = arith.constant 10 : i32
    %dma_start3A_80 = arith.constant 0 : i32
    %dma_start3A_81 = tpu.memref_slice %arg7[%dma_start3A_79, %dma_start3A_80] : memref<40x125xi32, #tpu.memory_space<vmem>> -> memref<1x125xi32, #tpu.memory_space<vmem>>
    %dma_start3A_82 = tpu.memref_squeeze %dma_start3A_81 : memref<1x125xi32, #tpu.memory_space<vmem>> -> memref<125xi32, #tpu.memory_space<vmem>>
    %dma_start3A_83 = arith.constant 0 : i32
    %dma_start3A_84 = arith.constant 0 : i32
    %dma_start3A_85 = tpu.memref_slice %arg6[%dma_start3A_83, %dma_start3A_84] : memref<10000x128xf32, #tpu.memory_space<vmem_shared>> -> memref<10000x128xf32, #tpu.memory_space<vmem_shared>>
    tpu.enqueue_indirect_dma source(%arg8 : memref<125x128xf32, #tpu.memory_space<vmem>>) target(%dma_start3A_85 : memref<10000x128xf32, #tpu.memory_space<vmem_shared>>) offsets(%dma_start3A_82 : memref<125xi32, #tpu.memory_space<vmem>>) semaphore(%arg9 : memref<!tpu.dma_semaphore, #tpu.memory_space<semaphore_mem>>) {add = true}
    %dma_start3A_86 = arith.constant 11 : i32
    %dma_start3A_87 = arith.constant 0 : i32
    %dma_start3A_88 = tpu.memref_slice %arg7[%dma_start3A_86, %dma_start3A_87] : memref<40x125xi32, #tpu.memory_space<vmem>> -> memref<1x125xi32, #tpu.memory_space<vmem>>
    %dma_start3A_89 = tpu.memref_squeeze %dma_start3A_88 : memref<1x125xi32, #tpu.memory_space<vmem>> -> memref<125xi32, #tpu.memory_space<vmem>>
    %dma_start3A_90 = arith.constant 0 : i32
    %dma_start3A_91 = arith.constant 0 : i32
    %dma_start3A_92 = tpu.memref_slice %arg6[%dma_start3A_90, %dma_start3A_91] : memref<10000x128xf32, #tpu.memory_space<vmem_shared>> -> memref<10000x128xf32, #tpu.memory_space<vmem_shared>>
    tpu.enqueue_indirect_dma source(%arg8 : memref<125x128xf32, #tpu.memory_space<vmem>>) target(%dma_start3A_92 : memref<10000x128xf32, #tpu.memory_space<vmem_shared>>) offsets(%dma_start3A_89 : memref<125xi32, #tpu.memory_space<vmem>>) semaphore(%arg9 : memref<!tpu.dma_semaphore, #tpu.memory_space<semaphore_mem>>) {add = true}
    %dma_start3A_93 = arith.constant 12 : i32
    %dma_start3A_94 = arith.constant 0 : i32
    %dma_start3A_95 = tpu.memref_slice %arg7[%dma_start3A_93, %dma_start3A_94] : memref<40x125xi32, #tpu.memory_space<vmem>> -> memref<1x125xi32, #tpu.memory_space<vmem>>
    %dma_start3A_96 = tpu.memref_squeeze %dma_start3A_95 : memref<1x125xi32, #tpu.memory_space<vmem>> -> memref<125xi32, #tpu.memory_space<vmem>>
    %dma_start3A_97 = arith.constant 0 : i32
    %dma_start3A_98 = arith.constant 0 : i32
    %dma_start3A_99 = tpu.memref_slice %arg6[%dma_start3A_97, %dma_start3A_98] : memref<10000x128xf32, #tpu.memory_space<vmem_shared>> -> memref<10000x128xf32, #tpu.memory_space<vmem_shared>>
    tpu.enqueue_indirect_dma source(%arg8 : memref<125x128xf32, #tpu.memory_space<vmem>>) target(%dma_start3A_99 : memref<10000x128xf32, #tpu.memory_space<vmem_shared>>) offsets(%dma_start3A_96 : memref<125xi32, #tpu.memory_space<vmem>>) semaphore(%arg9 : memref<!tpu.dma_semaphore, #tpu.memory_space<semaphore_mem>>) {add = true}
    %dma_start3A_100 = arith.constant 13 : i32
    %dma_start3A_101 = arith.constant 0 : i32
    %dma_start3A_102 = tpu.memref_slice %arg7[%dma_start3A_100, %dma_start3A_101] : memref<40x125xi32, #tpu.memory_space<vmem>> -> memref<1x125xi32, #tpu.memory_space<vmem>>
    %dma_start3A_103 = tpu.memref_squeeze %dma_start3A_102 : memref<1x125xi32, #tpu.memory_space<vmem>> -> memref<125xi32, #tpu.memory_space<vmem>>
    %dma_start3A_104 = arith.constant 0 : i32
    %dma_start3A_105 = arith.constant 0 : i32
    %dma_start3A_106 = tpu.memref_slice %arg6[%dma_start3A_104, %dma_start3A_105] : memref<10000x128xf32, #tpu.memory_space<vmem_shared>> -> memref<10000x128xf32, #tpu.memory_space<vmem_shared>>
    tpu.enqueue_indirect_dma source(%arg8 : memref<125x128xf32, #tpu.memory_space<vmem>>) target(%dma_start3A_106 : memref<10000x128xf32, #tpu.memory_space<vmem_shared>>) offsets(%dma_start3A_103 : memref<125xi32, #tpu.memory_space<vmem>>) semaphore(%arg9 : memref<!tpu.dma_semaphore, #tpu.memory_space<semaphore_mem>>) {add = true}
    %dma_start3A_107 = arith.constant 14 : i32
    %dma_start3A_108 = arith.constant 0 : i32
    %dma_start3A_109 = tpu.memref_slice %arg7[%dma_start3A_107, %dma_start3A_108] : memref<40x125xi32, #tpu.memory_space<vmem>> -> memref<1x125xi32, #tpu.memory_space<vmem>>
    %dma_start3A_110 = tpu.memref_squeeze %dma_start3A_109 : memref<1x125xi32, #tpu.memory_space<vmem>> -> memref<125xi32, #tpu.memory_space<vmem>>
    %dma_start3A_111 = arith.constant 0 : i32
    %dma_start3A_112 = arith.constant 0 : i32
    %dma_start3A_113 = tpu.memref_slice %arg6[%dma_start3A_111, %dma_start3A_112] : memref<10000x128xf32, #tpu.memory_space<vmem_shared>> -> memref<10000x128xf32, #tpu.memory_space<vmem_shared>>
    tpu.enqueue_indirect_dma source(%arg8 : memref<125x128xf32, #tpu.memory_space<vmem>>) target(%dma_start3A_113 : memref<10000x128xf32, #tpu.memory_space<vmem_shared>>) offsets(%dma_start3A_110 : memref<125xi32, #tpu.memory_space<vmem>>) semaphore(%arg9 : memref<!tpu.dma_semaphore, #tpu.memory_space<semaphore_mem>>) {add = true}
    %dma_start3A_114 = arith.constant 15 : i32
    %dma_start3A_115 = arith.constant 0 : i32
    %dma_start3A_116 = tpu.memref_slice %arg7[%dma_start3A_114, %dma_start3A_115] : memref<40x125xi32, #tpu.memory_space<vmem>> -> memref<1x125xi32, #tpu.memory_space<vmem>>
    %dma_start3A_117 = tpu.memref_squeeze %dma_start3A_116 : memref<1x125xi32, #tpu.memory_space<vmem>> -> memref<125xi32, #tpu.memory_space<vmem>>
    %dma_start3A_118 = arith.constant 0 : i32
    %dma_start3A_119 = arith.constant 0 : i32
    %dma_start3A_120 = tpu.memref_slice %arg6[%dma_start3A_118, %dma_start3A_119] : memref<10000x128xf32, #tpu.memory_space<vmem_shared>> -> memref<10000x128xf32, #tpu.memory_space<vmem_shared>>
    tpu.enqueue_indirect_dma source(%arg8 : memref<125x128xf32, #tpu.memory_space<vmem>>) target(%dma_start3A_120 : memref<10000x128xf32, #tpu.memory_space<vmem_shared>>) offsets(%dma_start3A_117 : memref<125xi32, #tpu.memory_space<vmem>>) semaphore(%arg9 : memref<!tpu.dma_semaphore, #tpu.memory_space<semaphore_mem>>) {add = true}
    %dma_start3A_121 = arith.constant 16 : i32
    %dma_start3A_122 = arith.constant 0 : i32
    %dma_start3A_123 = tpu.memref_slice %arg7[%dma_start3A_121, %dma_start3A_122] : memref<40x125xi32, #tpu.memory_space<vmem>> -> memref<1x125xi32, #tpu.memory_space<vmem>>
    %dma_start3A_124 = tpu.memref_squeeze %dma_start3A_123 : memref<1x125xi32, #tpu.memory_space<vmem>> -> memref<125xi32, #tpu.memory_space<vmem>>
    %dma_start3A_125 = arith.constant 0 : i32
    %dma_start3A_126 = arith.constant 0 : i32
    %dma_start3A_127 = tpu.memref_slice %arg6[%dma_start3A_125, %dma_start3A_126] : memref<10000x128xf32, #tpu.memory_space<vmem_shared>> -> memref<10000x128xf32, #tpu.memory_space<vmem_shared>>
    tpu.enqueue_indirect_dma source(%arg8 : memref<125x128xf32, #tpu.memory_space<vmem>>) target(%dma_start3A_127 : memref<10000x128xf32, #tpu.memory_space<vmem_shared>>) offsets(%dma_start3A_124 : memref<125xi32, #tpu.memory_space<vmem>>) semaphore(%arg9 : memref<!tpu.dma_semaphore, #tpu.memory_space<semaphore_mem>>) {add = true}
    %dma_start3A_128 = arith.constant 17 : i32
    %dma_start3A_129 = arith.constant 0 : i32
    %dma_start3A_130 = tpu.memref_slice %arg7[%dma_start3A_128, %dma_start3A_129] : memref<40x125xi32, #tpu.memory_space<vmem>> -> memref<1x125xi32, #tpu.memory_space<vmem>>
    %dma_start3A_131 = tpu.memref_squeeze %dma_start3A_130 : memref<1x125xi32, #tpu.memory_space<vmem>> -> memref<125xi32, #tpu.memory_space<vmem>>
    %dma_start3A_132 = arith.constant 0 : i32
    %dma_start3A_133 = arith.constant 0 : i32
    %dma_start3A_134 = tpu.memref_slice %arg6[%dma_start3A_132, %dma_start3A_133] : memref<10000x128xf32, #tpu.memory_space<vmem_shared>> -> memref<10000x128xf32, #tpu.memory_space<vmem_shared>>
    tpu.enqueue_indirect_dma source(%arg8 : memref<125x128xf32, #tpu.memory_space<vmem>>) target(%dma_start3A_134 : memref<10000x128xf32, #tpu.memory_space<vmem_shared>>) offsets(%dma_start3A_131 : memref<125xi32, #tpu.memory_space<vmem>>) semaphore(%arg9 : memref<!tpu.dma_semaphore, #tpu.memory_space<semaphore_mem>>) {add = true}
    %dma_start3A_135 = arith.constant 18 : i32
    %dma_start3A_136 = arith.constant 0 : i32
    %dma_start3A_137 = tpu.memref_slice %arg7[%dma_start3A_135, %dma_start3A_136] : memref<40x125xi32, #tpu.memory_space<vmem>> -> memref<1x125xi32, #tpu.memory_space<vmem>>
    %dma_start3A_138 = tpu.memref_squeeze %dma_start3A_137 : memref<1x125xi32, #tpu.memory_space<vmem>> -> memref<125xi32, #tpu.memory_space<vmem>>
    %dma_start3A_139 = arith.constant 0 : i32
    %dma_start3A_140 = arith.constant 0 : i32
    %dma_start3A_141 = tpu.memref_slice %arg6[%dma_start3A_139, %dma_start3A_140] : memref<10000x128xf32, #tpu.memory_space<vmem_shared>> -> memref<10000x128xf32, #tpu.memory_space<vmem_shared>>
    tpu.enqueue_indirect_dma source(%arg8 : memref<125x128xf32, #tpu.memory_space<vmem>>) target(%dma_start3A_141 : memref<10000x128xf32, #tpu.memory_space<vmem_shared>>) offsets(%dma_start3A_138 : memref<125xi32, #tpu.memory_space<vmem>>) semaphore(%arg9 : memref<!tpu.dma_semaphore, #tpu.memory_space<semaphore_mem>>) {add = true}
    %dma_start3A_142 = arith.constant 19 : i32
    %dma_start3A_143 = arith.constant 0 : i32
    %dma_start3A_144 = tpu.memref_slice %arg7[%dma_start3A_142, %dma_start3A_143] : memref<40x125xi32, #tpu.memory_space<vmem>> -> memref<1x125xi32, #tpu.memory_space<vmem>>
    %dma_start3A_145 = tpu.memref_squeeze %dma_start3A_144 : memref<1x125xi32, #tpu.memory_space<vmem>> -> memref<125xi32, #tpu.memory_space<vmem>>
    %dma_start3A_146 = arith.constant 0 : i32
    %dma_start3A_147 = arith.constant 0 : i32
    %dma_start3A_148 = tpu.memref_slice %arg6[%dma_start3A_146, %dma_start3A_147] : memref<10000x128xf32, #tpu.memory_space<vmem_shared>> -> memref<10000x128xf32, #tpu.memory_space<vmem_shared>>
    tpu.enqueue_indirect_dma source(%arg8 : memref<125x128xf32, #tpu.memory_space<vmem>>) target(%dma_start3A_148 : memref<10000x128xf32, #tpu.memory_space<vmem_shared>>) offsets(%dma_start3A_145 : memref<125xi32, #tpu.memory_space<vmem>>) semaphore(%arg9 : memref<!tpu.dma_semaphore, #tpu.memory_space<semaphore_mem>>) {add = true}
    %dma_start3A_149 = arith.constant 20 : i32
    %dma_start3A_150 = arith.constant 0 : i32
    %dma_start3A_151 = tpu.memref_slice %arg7[%dma_start3A_149, %dma_start3A_150] : memref<40x125xi32, #tpu.memory_space<vmem>> -> memref<1x125xi32, #tpu.memory_space<vmem>>
    %dma_start3A_152 = tpu.memref_squeeze %dma_start3A_151 : memref<1x125xi32, #tpu.memory_space<vmem>> -> memref<125xi32, #tpu.memory_space<vmem>>
    %dma_start3A_153 = arith.constant 0 : i32
    %dma_start3A_154 = arith.constant 0 : i32
    %dma_start3A_155 = tpu.memref_slice %arg6[%dma_start3A_153, %dma_start3A_154] : memref<10000x128xf32, #tpu.memory_space<vmem_shared>> -> memref<10000x128xf32, #tpu.memory_space<vmem_shared>>
    tpu.enqueue_indirect_dma source(%arg8 : memref<125x128xf32, #tpu.memory_space<vmem>>) target(%dma_start3A_155 : memref<10000x128xf32, #tpu.memory_space<vmem_shared>>) offsets(%dma_start3A_152 : memref<125xi32, #tpu.memory_space<vmem>>) semaphore(%arg9 : memref<!tpu.dma_semaphore, #tpu.memory_space<semaphore_mem>>) {add = true}
    %dma_start3A_156 = arith.constant 21 : i32
    %dma_start3A_157 = arith.constant 0 : i32
    %dma_start3A_158 = tpu.memref_slice %arg7[%dma_start3A_156, %dma_start3A_157] : memref<40x125xi32, #tpu.memory_space<vmem>> -> memref<1x125xi32, #tpu.memory_space<vmem>>
    %dma_start3A_159 = tpu.memref_squeeze %dma_start3A_158 : memref<1x125xi32, #tpu.memory_space<vmem>> -> memref<125xi32, #tpu.memory_space<vmem>>
    %dma_start3A_160 = arith.constant 0 : i32
    %dma_start3A_161 = arith.constant 0 : i32
    %dma_start3A_162 = tpu.memref_slice %arg6[%dma_start3A_160, %dma_start3A_161] : memref<10000x128xf32, #tpu.memory_space<vmem_shared>> -> memref<10000x128xf32, #tpu.memory_space<vmem_shared>>
    tpu.enqueue_indirect_dma source(%arg8 : memref<125x128xf32, #tpu.memory_space<vmem>>) target(%dma_start3A_162 : memref<10000x128xf32, #tpu.memory_space<vmem_shared>>) offsets(%dma_start3A_159 : memref<125xi32, #tpu.memory_space<vmem>>) semaphore(%arg9 : memref<!tpu.dma_semaphore, #tpu.memory_space<semaphore_mem>>) {add = true}
    %dma_start3A_163 = arith.constant 22 : i32
    %dma_start3A_164 = arith.constant 0 : i32
    %dma_start3A_165 = tpu.memref_slice %arg7[%dma_start3A_163, %dma_start3A_164] : memref<40x125xi32, #tpu.memory_space<vmem>> -> memref<1x125xi32, #tpu.memory_space<vmem>>
    %dma_start3A_166 = tpu.memref_squeeze %dma_start3A_165 : memref<1x125xi32, #tpu.memory_space<vmem>> -> memref<125xi32, #tpu.memory_space<vmem>>
    %dma_start3A_167 = arith.constant 0 : i32
    %dma_start3A_168 = arith.constant 0 : i32
    %dma_start3A_169 = tpu.memref_slice %arg6[%dma_start3A_167, %dma_start3A_168] : memref<10000x128xf32, #tpu.memory_space<vmem_shared>> -> memref<10000x128xf32, #tpu.memory_space<vmem_shared>>
    tpu.enqueue_indirect_dma source(%arg8 : memref<125x128xf32, #tpu.memory_space<vmem>>) target(%dma_start3A_169 : memref<10000x128xf32, #tpu.memory_space<vmem_shared>>) offsets(%dma_start3A_166 : memref<125xi32, #tpu.memory_space<vmem>>) semaphore(%arg9 : memref<!tpu.dma_semaphore, #tpu.memory_space<semaphore_mem>>) {add = true}
    %dma_start3A_170 = arith.constant 23 : i32
    %dma_start3A_171 = arith.constant 0 : i32
    %dma_start3A_172 = tpu.memref_slice %arg7[%dma_start3A_170, %dma_start3A_171] : memref<40x125xi32, #tpu.memory_space<vmem>> -> memref<1x125xi32, #tpu.memory_space<vmem>>
    %dma_start3A_173 = tpu.memref_squeeze %dma_start3A_172 : memref<1x125xi32, #tpu.memory_space<vmem>> -> memref<125xi32, #tpu.memory_space<vmem>>
    %dma_start3A_174 = arith.constant 0 : i32
    %dma_start3A_175 = arith.constant 0 : i32
    %dma_start3A_176 = tpu.memref_slice %arg6[%dma_start3A_174, %dma_start3A_175] : memref<10000x128xf32, #tpu.memory_space<vmem_shared>> -> memref<10000x128xf32, #tpu.memory_space<vmem_shared>>
    tpu.enqueue_indirect_dma source(%arg8 : memref<125x128xf32, #tpu.memory_space<vmem>>) target(%dma_start3A_176 : memref<10000x128xf32, #tpu.memory_space<vmem_shared>>) offsets(%dma_start3A_173 : memref<125xi32, #tpu.memory_space<vmem>>) semaphore(%arg9 : memref<!tpu.dma_semaphore, #tpu.memory_space<semaphore_mem>>) {add = true}
    %dma_start3A_177 = arith.constant 24 : i32
    %dma_start3A_178 = arith.constant 0 : i32
    %dma_start3A_179 = tpu.memref_slice %arg7[%dma_start3A_177, %dma_start3A_178] : memref<40x125xi32, #tpu.memory_space<vmem>> -> memref<1x125xi32, #tpu.memory_space<vmem>>
    %dma_start3A_180 = tpu.memref_squeeze %dma_start3A_179 : memref<1x125xi32, #tpu.memory_space<vmem>> -> memref<125xi32, #tpu.memory_space<vmem>>
    %dma_start3A_181 = arith.constant 0 : i32
    %dma_start3A_182 = arith.constant 0 : i32
    %dma_start3A_183 = tpu.memref_slice %arg6[%dma_start3A_181, %dma_start3A_182] : memref<10000x128xf32, #tpu.memory_space<vmem_shared>> -> memref<10000x128xf32, #tpu.memory_space<vmem_shared>>
    tpu.enqueue_indirect_dma source(%arg8 : memref<125x128xf32, #tpu.memory_space<vmem>>) target(%dma_start3A_183 : memref<10000x128xf32, #tpu.memory_space<vmem_shared>>) offsets(%dma_start3A_180 : memref<125xi32, #tpu.memory_space<vmem>>) semaphore(%arg9 : memref<!tpu.dma_semaphore, #tpu.memory_space<semaphore_mem>>) {add = true}
    %dma_start3A_184 = arith.constant 25 : i32
    %dma_start3A_185 = arith.constant 0 : i32
    %dma_start3A_186 = tpu.memref_slice %arg7[%dma_start3A_184, %dma_start3A_185] : memref<40x125xi32, #tpu.memory_space<vmem>> -> memref<1x125xi32, #tpu.memory_space<vmem>>
    %dma_start3A_187 = tpu.memref_squeeze %dma_start3A_186 : memref<1x125xi32, #tpu.memory_space<vmem>> -> memref<125xi32, #tpu.memory_space<vmem>>
    %dma_start3A_188 = arith.constant 0 : i32
    %dma_start3A_189 = arith.constant 0 : i32
    %dma_start3A_190 = tpu.memref_slice %arg6[%dma_start3A_188, %dma_start3A_189] : memref<10000x128xf32, #tpu.memory_space<vmem_shared>> -> memref<10000x128xf32, #tpu.memory_space<vmem_shared>>
    tpu.enqueue_indirect_dma source(%arg8 : memref<125x128xf32, #tpu.memory_space<vmem>>) target(%dma_start3A_190 : memref<10000x128xf32, #tpu.memory_space<vmem_shared>>) offsets(%dma_start3A_187 : memref<125xi32, #tpu.memory_space<vmem>>) semaphore(%arg9 : memref<!tpu.dma_semaphore, #tpu.memory_space<semaphore_mem>>) {add = true}
    %dma_start3A_191 = arith.constant 26 : i32
    %dma_start3A_192 = arith.constant 0 : i32
    %dma_start3A_193 = tpu.memref_slice %arg7[%dma_start3A_191, %dma_start3A_192] : memref<40x125xi32, #tpu.memory_space<vmem>> -> memref<1x125xi32, #tpu.memory_space<vmem>>
    %dma_start3A_194 = tpu.memref_squeeze %dma_start3A_193 : memref<1x125xi32, #tpu.memory_space<vmem>> -> memref<125xi32, #tpu.memory_space<vmem>>
    %dma_start3A_195 = arith.constant 0 : i32
    %dma_start3A_196 = arith.constant 0 : i32
    %dma_start3A_197 = tpu.memref_slice %arg6[%dma_start3A_195, %dma_start3A_196] : memref<10000x128xf32, #tpu.memory_space<vmem_shared>> -> memref<10000x128xf32, #tpu.memory_space<vmem_shared>>
    tpu.enqueue_indirect_dma source(%arg8 : memref<125x128xf32, #tpu.memory_space<vmem>>) target(%dma_start3A_197 : memref<10000x128xf32, #tpu.memory_space<vmem_shared>>) offsets(%dma_start3A_194 : memref<125xi32, #tpu.memory_space<vmem>>) semaphore(%arg9 : memref<!tpu.dma_semaphore, #tpu.memory_space<semaphore_mem>>) {add = true}
    %dma_start3A_198 = arith.constant 27 : i32
    %dma_start3A_199 = arith.constant 0 : i32
    %dma_start3A_200 = tpu.memref_slice %arg7[%dma_start3A_198, %dma_start3A_199] : memref<40x125xi32, #tpu.memory_space<vmem>> -> memref<1x125xi32, #tpu.memory_space<vmem>>
    %dma_start3A_201 = tpu.memref_squeeze %dma_start3A_200 : memref<1x125xi32, #tpu.memory_space<vmem>> -> memref<125xi32, #tpu.memory_space<vmem>>
    %dma_start3A_202 = arith.constant 0 : i32
    %dma_start3A_203 = arith.constant 0 : i32
    %dma_start3A_204 = tpu.memref_slice %arg6[%dma_start3A_202, %dma_start3A_203] : memref<10000x128xf32, #tpu.memory_space<vmem_shared>> -> memref<10000x128xf32, #tpu.memory_space<vmem_shared>>
    tpu.enqueue_indirect_dma source(%arg8 : memref<125x128xf32, #tpu.memory_space<vmem>>) target(%dma_start3A_204 : memref<10000x128xf32, #tpu.memory_space<vmem_shared>>) offsets(%dma_start3A_201 : memref<125xi32, #tpu.memory_space<vmem>>) semaphore(%arg9 : memref<!tpu.dma_semaphore, #tpu.memory_space<semaphore_mem>>) {add = true}
    %dma_start3A_205 = arith.constant 28 : i32
    %dma_start3A_206 = arith.constant 0 : i32
    %dma_start3A_207 = tpu.memref_slice %arg7[%dma_start3A_205, %dma_start3A_206] : memref<40x125xi32, #tpu.memory_space<vmem>> -> memref<1x125xi32, #tpu.memory_space<vmem>>
    %dma_start3A_208 = tpu.memref_squeeze %dma_start3A_207 : memref<1x125xi32, #tpu.memory_space<vmem>> -> memref<125xi32, #tpu.memory_space<vmem>>
    %dma_start3A_209 = arith.constant 0 : i32
    %dma_start3A_210 = arith.constant 0 : i32
    %dma_start3A_211 = tpu.memref_slice %arg6[%dma_start3A_209, %dma_start3A_210] : memref<10000x128xf32, #tpu.memory_space<vmem_shared>> -> memref<10000x128xf32, #tpu.memory_space<vmem_shared>>
    tpu.enqueue_indirect_dma source(%arg8 : memref<125x128xf32, #tpu.memory_space<vmem>>) target(%dma_start3A_211 : memref<10000x128xf32, #tpu.memory_space<vmem_shared>>) offsets(%dma_start3A_208 : memref<125xi32, #tpu.memory_space<vmem>>) semaphore(%arg9 : memref<!tpu.dma_semaphore, #tpu.memory_space<semaphore_mem>>) {add = true}
    %dma_start3A_212 = arith.constant 29 : i32
    %dma_start3A_213 = arith.constant 0 : i32
    %dma_start3A_214 = tpu.memref_slice %arg7[%dma_start3A_212, %dma_start3A_213] : memref<40x125xi32, #tpu.memory_space<vmem>> -> memref<1x125xi32, #tpu.memory_space<vmem>>
    %dma_start3A_215 = tpu.memref_squeeze %dma_start3A_214 : memref<1x125xi32, #tpu.memory_space<vmem>> -> memref<125xi32, #tpu.memory_space<vmem>>
    %dma_start3A_216 = arith.constant 0 : i32
    %dma_start3A_217 = arith.constant 0 : i32
    %dma_start3A_218 = tpu.memref_slice %arg6[%dma_start3A_216, %dma_start3A_217] : memref<10000x128xf32, #tpu.memory_space<vmem_shared>> -> memref<10000x128xf32, #tpu.memory_space<vmem_shared>>
    tpu.enqueue_indirect_dma source(%arg8 : memref<125x128xf32, #tpu.memory_space<vmem>>) target(%dma_start3A_218 : memref<10000x128xf32, #tpu.memory_space<vmem_shared>>) offsets(%dma_start3A_215 : memref<125xi32, #tpu.memory_space<vmem>>) semaphore(%arg9 : memref<!tpu.dma_semaphore, #tpu.memory_space<semaphore_mem>>) {add = true}
    %dma_start3A_219 = arith.constant 30 : i32
    %dma_start3A_220 = arith.constant 0 : i32
    %dma_start3A_221 = tpu.memref_slice %arg7[%dma_start3A_219, %dma_start3A_220] : memref<40x125xi32, #tpu.memory_space<vmem>> -> memref<1x125xi32, #tpu.memory_space<vmem>>
    %dma_start3A_222 = tpu.memref_squeeze %dma_start3A_221 : memref<1x125xi32, #tpu.memory_space<vmem>> -> memref<125xi32, #tpu.memory_space<vmem>>
    %dma_start3A_223 = arith.constant 0 : i32
    %dma_start3A_224 = arith.constant 0 : i32
    %dma_start3A_225 = tpu.memref_slice %arg6[%dma_start3A_223, %dma_start3A_224] : memref<10000x128xf32, #tpu.memory_space<vmem_shared>> -> memref<10000x128xf32, #tpu.memory_space<vmem_shared>>
    tpu.enqueue_indirect_dma source(%arg8 : memref<125x128xf32, #tpu.memory_space<vmem>>) target(%dma_start3A_225 : memref<10000x128xf32, #tpu.memory_space<vmem_shared>>) offsets(%dma_start3A_222 : memref<125xi32, #tpu.memory_space<vmem>>) semaphore(%arg9 : memref<!tpu.dma_semaphore, #tpu.memory_space<semaphore_mem>>) {add = true}
    %dma_start3A_226 = arith.constant 31 : i32
    %dma_start3A_227 = arith.constant 0 : i32
    %dma_start3A_228 = tpu.memref_slice %arg7[%dma_start3A_226, %dma_start3A_227] : memref<40x125xi32, #tpu.memory_space<vmem>> -> memref<1x125xi32, #tpu.memory_space<vmem>>
    %dma_start3A_229 = tpu.memref_squeeze %dma_start3A_228 : memref<1x125xi32, #tpu.memory_space<vmem>> -> memref<125xi32, #tpu.memory_space<vmem>>
    %dma_start3A_230 = arith.constant 0 : i32
    %dma_start3A_231 = arith.constant 0 : i32
    %dma_start3A_232 = tpu.memref_slice %arg6[%dma_start3A_230, %dma_start3A_231] : memref<10000x128xf32, #tpu.memory_space<vmem_shared>> -> memref<10000x128xf32, #tpu.memory_space<vmem_shared>>
    tpu.enqueue_indirect_dma source(%arg8 : memref<125x128xf32, #tpu.memory_space<vmem>>) target(%dma_start3A_232 : memref<10000x128xf32, #tpu.memory_space<vmem_shared>>) offsets(%dma_start3A_229 : memref<125xi32, #tpu.memory_space<vmem>>) semaphore(%arg9 : memref<!tpu.dma_semaphore, #tpu.memory_space<semaphore_mem>>) {add = true}
    %dma_start3A_233 = arith.constant 32 : i32
    %dma_start3A_234 = arith.constant 0 : i32
    %dma_start3A_235 = tpu.memref_slice %arg7[%dma_start3A_233, %dma_start3A_234] : memref<40x125xi32, #tpu.memory_space<vmem>> -> memref<1x125xi32, #tpu.memory_space<vmem>>
    %dma_start3A_236 = tpu.memref_squeeze %dma_start3A_235 : memref<1x125xi32, #tpu.memory_space<vmem>> -> memref<125xi32, #tpu.memory_space<vmem>>
    %dma_start3A_237 = arith.constant 0 : i32
    %dma_start3A_238 = arith.constant 0 : i32
    %dma_start3A_239 = tpu.memref_slice %arg6[%dma_start3A_237, %dma_start3A_238] : memref<10000x128xf32, #tpu.memory_space<vmem_shared>> -> memref<10000x128xf32, #tpu.memory_space<vmem_shared>>
    tpu.enqueue_indirect_dma source(%arg8 : memref<125x128xf32, #tpu.memory_space<vmem>>) target(%dma_start3A_239 : memref<10000x128xf32, #tpu.memory_space<vmem_shared>>) offsets(%dma_start3A_236 : memref<125xi32, #tpu.memory_space<vmem>>) semaphore(%arg9 : memref<!tpu.dma_semaphore, #tpu.memory_space<semaphore_mem>>) {add = true}
    %dma_start3A_240 = arith.constant 33 : i32
    %dma_start3A_241 = arith.constant 0 : i32
    %dma_start3A_242 = tpu.memref_slice %arg7[%dma_start3A_240, %dma_start3A_241] : memref<40x125xi32, #tpu.memory_space<vmem>> -> memref<1x125xi32, #tpu.memory_space<vmem>>
    %dma_start3A_243 = tpu.memref_squeeze %dma_start3A_242 : memref<1x125xi32, #tpu.memory_space<vmem>> -> memref<125xi32, #tpu.memory_space<vmem>>
    %dma_start3A_244 = arith.constant 0 : i32
    %dma_start3A_245 = arith.constant 0 : i32
    %dma_start3A_246 = tpu.memref_slice %arg6[%dma_start3A_244, %dma_start3A_245] : memref<10000x128xf32, #tpu.memory_space<vmem_shared>> -> memref<10000x128xf32, #tpu.memory_space<vmem_shared>>
    tpu.enqueue_indirect_dma source(%arg8 : memref<125x128xf32, #tpu.memory_space<vmem>>) target(%dma_start3A_246 : memref<10000x128xf32, #tpu.memory_space<vmem_shared>>) offsets(%dma_start3A_243 : memref<125xi32, #tpu.memory_space<vmem>>) semaphore(%arg9 : memref<!tpu.dma_semaphore, #tpu.memory_space<semaphore_mem>>) {add = true}
    %dma_start3A_247 = arith.constant 34 : i32
    %dma_start3A_248 = arith.constant 0 : i32
    %dma_start3A_249 = tpu.memref_slice %arg7[%dma_start3A_247, %dma_start3A_248] : memref<40x125xi32, #tpu.memory_space<vmem>> -> memref<1x125xi32, #tpu.memory_space<vmem>>
    %dma_start3A_250 = tpu.memref_squeeze %dma_start3A_249 : memref<1x125xi32, #tpu.memory_space<vmem>> -> memref<125xi32, #tpu.memory_space<vmem>>
    %dma_start3A_251 = arith.constant 0 : i32
    %dma_start3A_252 = arith.constant 0 : i32
    %dma_start3A_253 = tpu.memref_slice %arg6[%dma_start3A_251, %dma_start3A_252] : memref<10000x128xf32, #tpu.memory_space<vmem_shared>> -> memref<10000x128xf32, #tpu.memory_space<vmem_shared>>
    tpu.enqueue_indirect_dma source(%arg8 : memref<125x128xf32, #tpu.memory_space<vmem>>) target(%dma_start3A_253 : memref<10000x128xf32, #tpu.memory_space<vmem_shared>>) offsets(%dma_start3A_250 : memref<125xi32, #tpu.memory_space<vmem>>) semaphore(%arg9 : memref<!tpu.dma_semaphore, #tpu.memory_space<semaphore_mem>>) {add = true}
    %dma_start3A_254 = arith.constant 35 : i32
    %dma_start3A_255 = arith.constant 0 : i32
    %dma_start3A_256 = tpu.memref_slice %arg7[%dma_start3A_254, %dma_start3A_255] : memref<40x125xi32, #tpu.memory_space<vmem>> -> memref<1x125xi32, #tpu.memory_space<vmem>>
    %dma_start3A_257 = tpu.memref_squeeze %dma_start3A_256 : memref<1x125xi32, #tpu.memory_space<vmem>> -> memref<125xi32, #tpu.memory_space<vmem>>
    %dma_start3A_258 = arith.constant 0 : i32
    %dma_start3A_259 = arith.constant 0 : i32
    %dma_start3A_260 = tpu.memref_slice %arg6[%dma_start3A_258, %dma_start3A_259] : memref<10000x128xf32, #tpu.memory_space<vmem_shared>> -> memref<10000x128xf32, #tpu.memory_space<vmem_shared>>
    tpu.enqueue_indirect_dma source(%arg8 : memref<125x128xf32, #tpu.memory_space<vmem>>) target(%dma_start3A_260 : memref<10000x128xf32, #tpu.memory_space<vmem_shared>>) offsets(%dma_start3A_257 : memref<125xi32, #tpu.memory_space<vmem>>) semaphore(%arg9 : memref<!tpu.dma_semaphore, #tpu.memory_space<semaphore_mem>>) {add = true}
    %dma_start3A_261 = arith.constant 36 : i32
    %dma_start3A_262 = arith.constant 0 : i32
    %dma_start3A_263 = tpu.memref_slice %arg7[%dma_start3A_261, %dma_start3A_262] : memref<40x125xi32, #tpu.memory_space<vmem>> -> memref<1x125xi32, #tpu.memory_space<vmem>>
    %dma_start3A_264 = tpu.memref_squeeze %dma_start3A_263 : memref<1x125xi32, #tpu.memory_space<vmem>> -> memref<125xi32, #tpu.memory_space<vmem>>
    %dma_start3A_265 = arith.constant 0 : i32
    %dma_start3A_266 = arith.constant 0 : i32
    %dma_start3A_267 = tpu.memref_slice %arg6[%dma_start3A_265, %dma_start3A_266] : memref<10000x128xf32, #tpu.memory_space<vmem_shared>> -> memref<10000x128xf32, #tpu.memory_space<vmem_shared>>
    tpu.enqueue_indirect_dma source(%arg8 : memref<125x128xf32, #tpu.memory_space<vmem>>) target(%dma_start3A_267 : memref<10000x128xf32, #tpu.memory_space<vmem_shared>>) offsets(%dma_start3A_264 : memref<125xi32, #tpu.memory_space<vmem>>) semaphore(%arg9 : memref<!tpu.dma_semaphore, #tpu.memory_space<semaphore_mem>>) {add = true}
    %dma_start3A_268 = arith.constant 37 : i32
    %dma_start3A_269 = arith.constant 0 : i32
    %dma_start3A_270 = tpu.memref_slice %arg7[%dma_start3A_268, %dma_start3A_269] : memref<40x125xi32, #tpu.memory_space<vmem>> -> memref<1x125xi32, #tpu.memory_space<vmem>>
    %dma_start3A_271 = tpu.memref_squeeze %dma_start3A_270 : memref<1x125xi32, #tpu.memory_space<vmem>> -> memref<125xi32, #tpu.memory_space<vmem>>
    %dma_start3A_272 = arith.constant 0 : i32
    %dma_start3A_273 = arith.constant 0 : i32
    %dma_start3A_274 = tpu.memref_slice %arg6[%dma_start3A_272, %dma_start3A_273] : memref<10000x128xf32, #tpu.memory_space<vmem_shared>> -> memref<10000x128xf32, #tpu.memory_space<vmem_shared>>
    tpu.enqueue_indirect_dma source(%arg8 : memref<125x128xf32, #tpu.memory_space<vmem>>) target(%dma_start3A_274 : memref<10000x128xf32, #tpu.memory_space<vmem_shared>>) offsets(%dma_start3A_271 : memref<125xi32, #tpu.memory_space<vmem>>) semaphore(%arg9 : memref<!tpu.dma_semaphore, #tpu.memory_space<semaphore_mem>>) {add = true}
    %dma_start3A_275 = arith.constant 38 : i32
    %dma_start3A_276 = arith.constant 0 : i32
    %dma_start3A_277 = tpu.memref_slice %arg7[%dma_start3A_275, %dma_start3A_276] : memref<40x125xi32, #tpu.memory_space<vmem>> -> memref<1x125xi32, #tpu.memory_space<vmem>>
    %dma_start3A_278 = tpu.memref_squeeze %dma_start3A_277 : memref<1x125xi32, #tpu.memory_space<vmem>> -> memref<125xi32, #tpu.memory_space<vmem>>
    %dma_start3A_279 = arith.constant 0 : i32
    %dma_start3A_280 = arith.constant 0 : i32
    %dma_start3A_281 = tpu.memref_slice %arg6[%dma_start3A_279, %dma_start3A_280] : memref<10000x128xf32, #tpu.memory_space<vmem_shared>> -> memref<10000x128xf32, #tpu.memory_space<vmem_shared>>
    tpu.enqueue_indirect_dma source(%arg8 : memref<125x128xf32, #tpu.memory_space<vmem>>) target(%dma_start3A_281 : memref<10000x128xf32, #tpu.memory_space<vmem_shared>>) offsets(%dma_start3A_278 : memref<125xi32, #tpu.memory_space<vmem>>) semaphore(%arg9 : memref<!tpu.dma_semaphore, #tpu.memory_space<semaphore_mem>>) {add = true}
    %dma_start3A_282 = arith.constant 39 : i32
    %dma_start3A_283 = arith.constant 0 : i32
    %dma_start3A_284 = tpu.memref_slice %arg7[%dma_start3A_282, %dma_start3A_283] : memref<40x125xi32, #tpu.memory_space<vmem>> -> memref<1x125xi32, #tpu.memory_space<vmem>>
    %dma_start3A_285 = tpu.memref_squeeze %dma_start3A_284 : memref<1x125xi32, #tpu.memory_space<vmem>> -> memref<125xi32, #tpu.memory_space<vmem>>
    %dma_start3A_286 = arith.constant 0 : i32
    %dma_start3A_287 = arith.constant 0 : i32
    %dma_start3A_288 = tpu.memref_slice %arg6[%dma_start3A_286, %dma_start3A_287] : memref<10000x128xf32, #tpu.memory_space<vmem_shared>> -> memref<10000x128xf32, #tpu.memory_space<vmem_shared>>
    tpu.enqueue_indirect_dma source(%arg8 : memref<125x128xf32, #tpu.memory_space<vmem>>) target(%dma_start3A_288 : memref<10000x128xf32, #tpu.memory_space<vmem_shared>>) offsets(%dma_start3A_285 : memref<125xi32, #tpu.memory_space<vmem>>) semaphore(%arg9 : memref<!tpu.dma_semaphore, #tpu.memory_space<semaphore_mem>>) {add = true}
    %dma_wait3A = arith.constant 0 : i32
    %dma_wait3A_289 = arith.constant 0 : i32
    %dma_wait3A_290 = tpu.memref_slice %arg7[%dma_wait3A, %dma_wait3A_289] : memref<40x125xi32, #tpu.memory_space<vmem>> -> memref<1x125xi32, #tpu.memory_space<vmem>>
    %dma_wait3A_291 = tpu.memref_squeeze %dma_wait3A_290 : memref<1x125xi32, #tpu.memory_space<vmem>> -> memref<125xi32, #tpu.memory_space<vmem>>
    %dma_wait3A_292 = arith.constant 0 : i32
    %dma_wait3A_293 = arith.constant 0 : i32
    %dma_wait3A_294 = tpu.memref_slice %arg6[%dma_wait3A_292, %dma_wait3A_293] : memref<10000x128xf32, #tpu.memory_space<vmem_shared>> -> memref<10000x128xf32, #tpu.memory_space<vmem_shared>>
    tpu.wait_indirect_dma semaphore(%arg9 : memref<!tpu.dma_semaphore, #tpu.memory_space<semaphore_mem>>) src(%arg8 : memref<125x128xf32, #tpu.memory_space<vmem>>) dst(%dma_wait3A_294 : memref<10000x128xf32, #tpu.memory_space<vmem_shared>>)
    %dma_wait3A_295 = arith.constant 1 : i32
    %dma_wait3A_296 = arith.constant 0 : i32
    %dma_wait3A_297 = tpu.memref_slice %arg7[%dma_wait3A_295, %dma_wait3A_296] : memref<40x125xi32, #tpu.memory_space<vmem>> -> memref<1x125xi32, #tpu.memory_space<vmem>>
    %dma_wait3A_298 = tpu.memref_squeeze %dma_wait3A_297 : memref<1x125xi32, #tpu.memory_space<vmem>> -> memref<125xi32, #tpu.memory_space<vmem>>
    %dma_wait3A_299 = arith.constant 0 : i32
    %dma_wait3A_300 = arith.constant 0 : i32
    %dma_wait3A_301 = tpu.memref_slice %arg6[%dma_wait3A_299, %dma_wait3A_300] : memref<10000x128xf32, #tpu.memory_space<vmem_shared>> -> memref<10000x128xf32, #tpu.memory_space<vmem_shared>>
    tpu.wait_indirect_dma semaphore(%arg9 : memref<!tpu.dma_semaphore, #tpu.memory_space<semaphore_mem>>) src(%arg8 : memref<125x128xf32, #tpu.memory_space<vmem>>) dst(%dma_wait3A_301 : memref<10000x128xf32, #tpu.memory_space<vmem_shared>>)
    %dma_wait3A_302 = arith.constant 2 : i32
    %dma_wait3A_303 = arith.constant 0 : i32
    %dma_wait3A_304 = tpu.memref_slice %arg7[%dma_wait3A_302, %dma_wait3A_303] : memref<40x125xi32, #tpu.memory_space<vmem>> -> memref<1x125xi32, #tpu.memory_space<vmem>>
    %dma_wait3A_305 = tpu.memref_squeeze %dma_wait3A_304 : memref<1x125xi32, #tpu.memory_space<vmem>> -> memref<125xi32, #tpu.memory_space<vmem>>
    %dma_wait3A_306 = arith.constant 0 : i32
    %dma_wait3A_307 = arith.constant 0 : i32
    %dma_wait3A_308 = tpu.memref_slice %arg6[%dma_wait3A_306, %dma_wait3A_307] : memref<10000x128xf32, #tpu.memory_space<vmem_shared>> -> memref<10000x128xf32, #tpu.memory_space<vmem_shared>>
    tpu.wait_indirect_dma semaphore(%arg9 : memref<!tpu.dma_semaphore, #tpu.memory_space<semaphore_mem>>) src(%arg8 : memref<125x128xf32, #tpu.memory_space<vmem>>) dst(%dma_wait3A_308 : memref<10000x128xf32, #tpu.memory_space<vmem_shared>>)
    %dma_wait3A_309 = arith.constant 3 : i32
    %dma_wait3A_310 = arith.constant 0 : i32
    %dma_wait3A_311 = tpu.memref_slice %arg7[%dma_wait3A_309, %dma_wait3A_310] : memref<40x125xi32, #tpu.memory_space<vmem>> -> memref<1x125xi32, #tpu.memory_space<vmem>>
    %dma_wait3A_312 = tpu.memref_squeeze %dma_wait3A_311 : memref<1x125xi32, #tpu.memory_space<vmem>> -> memref<125xi32, #tpu.memory_space<vmem>>
    %dma_wait3A_313 = arith.constant 0 : i32
    %dma_wait3A_314 = arith.constant 0 : i32
    %dma_wait3A_315 = tpu.memref_slice %arg6[%dma_wait3A_313, %dma_wait3A_314] : memref<10000x128xf32, #tpu.memory_space<vmem_shared>> -> memref<10000x128xf32, #tpu.memory_space<vmem_shared>>
    tpu.wait_indirect_dma semaphore(%arg9 : memref<!tpu.dma_semaphore, #tpu.memory_space<semaphore_mem>>) src(%arg8 : memref<125x128xf32, #tpu.memory_space<vmem>>) dst(%dma_wait3A_315 : memref<10000x128xf32, #tpu.memory_space<vmem_shared>>)
    %dma_wait3A_316 = arith.constant 4 : i32
    %dma_wait3A_317 = arith.constant 0 : i32
    %dma_wait3A_318 = tpu.memref_slice %arg7[%dma_wait3A_316, %dma_wait3A_317] : memref<40x125xi32, #tpu.memory_space<vmem>> -> memref<1x125xi32, #tpu.memory_space<vmem>>
    %dma_wait3A_319 = tpu.memref_squeeze %dma_wait3A_318 : memref<1x125xi32, #tpu.memory_space<vmem>> -> memref<125xi32, #tpu.memory_space<vmem>>
    %dma_wait3A_320 = arith.constant 0 : i32
    %dma_wait3A_321 = arith.constant 0 : i32
    %dma_wait3A_322 = tpu.memref_slice %arg6[%dma_wait3A_320, %dma_wait3A_321] : memref<10000x128xf32, #tpu.memory_space<vmem_shared>> -> memref<10000x128xf32, #tpu.memory_space<vmem_shared>>
    tpu.wait_indirect_dma semaphore(%arg9 : memref<!tpu.dma_semaphore, #tpu.memory_space<semaphore_mem>>) src(%arg8 : memref<125x128xf32, #tpu.memory_space<vmem>>) dst(%dma_wait3A_322 : memref<10000x128xf32, #tpu.memory_space<vmem_shared>>)
    %dma_wait3A_323 = arith.constant 5 : i32
    %dma_wait3A_324 = arith.constant 0 : i32
    %dma_wait3A_325 = tpu.memref_slice %arg7[%dma_wait3A_323, %dma_wait3A_324] : memref<40x125xi32, #tpu.memory_space<vmem>> -> memref<1x125xi32, #tpu.memory_space<vmem>>
    %dma_wait3A_326 = tpu.memref_squeeze %dma_wait3A_325 : memref<1x125xi32, #tpu.memory_space<vmem>> -> memref<125xi32, #tpu.memory_space<vmem>>
    %dma_wait3A_327 = arith.constant 0 : i32
    %dma_wait3A_328 = arith.constant 0 : i32
    %dma_wait3A_329 = tpu.memref_slice %arg6[%dma_wait3A_327, %dma_wait3A_328] : memref<10000x128xf32, #tpu.memory_space<vmem_shared>> -> memref<10000x128xf32, #tpu.memory_space<vmem_shared>>
    tpu.wait_indirect_dma semaphore(%arg9 : memref<!tpu.dma_semaphore, #tpu.memory_space<semaphore_mem>>) src(%arg8 : memref<125x128xf32, #tpu.memory_space<vmem>>) dst(%dma_wait3A_329 : memref<10000x128xf32, #tpu.memory_space<vmem_shared>>)
    %dma_wait3A_330 = arith.constant 6 : i32
    %dma_wait3A_331 = arith.constant 0 : i32
    %dma_wait3A_332 = tpu.memref_slice %arg7[%dma_wait3A_330, %dma_wait3A_331] : memref<40x125xi32, #tpu.memory_space<vmem>> -> memref<1x125xi32, #tpu.memory_space<vmem>>
    %dma_wait3A_333 = tpu.memref_squeeze %dma_wait3A_332 : memref<1x125xi32, #tpu.memory_space<vmem>> -> memref<125xi32, #tpu.memory_space<vmem>>
    %dma_wait3A_334 = arith.constant 0 : i32
    %dma_wait3A_335 = arith.constant 0 : i32
    %dma_wait3A_336 = tpu.memref_slice %arg6[%dma_wait3A_334, %dma_wait3A_335] : memref<10000x128xf32, #tpu.memory_space<vmem_shared>> -> memref<10000x128xf32, #tpu.memory_space<vmem_shared>>
    tpu.wait_indirect_dma semaphore(%arg9 : memref<!tpu.dma_semaphore, #tpu.memory_space<semaphore_mem>>) src(%arg8 : memref<125x128xf32, #tpu.memory_space<vmem>>) dst(%dma_wait3A_336 : memref<10000x128xf32, #tpu.memory_space<vmem_shared>>)
    %dma_wait3A_337 = arith.constant 7 : i32
    %dma_wait3A_338 = arith.constant 0 : i32
    %dma_wait3A_339 = tpu.memref_slice %arg7[%dma_wait3A_337, %dma_wait3A_338] : memref<40x125xi32, #tpu.memory_space<vmem>> -> memref<1x125xi32, #tpu.memory_space<vmem>>
    %dma_wait3A_340 = tpu.memref_squeeze %dma_wait3A_339 : memref<1x125xi32, #tpu.memory_space<vmem>> -> memref<125xi32, #tpu.memory_space<vmem>>
    %dma_wait3A_341 = arith.constant 0 : i32
    %dma_wait3A_342 = arith.constant 0 : i32
    %dma_wait3A_343 = tpu.memref_slice %arg6[%dma_wait3A_341, %dma_wait3A_342] : memref<10000x128xf32, #tpu.memory_space<vmem_shared>> -> memref<10000x128xf32, #tpu.memory_space<vmem_shared>>
    tpu.wait_indirect_dma semaphore(%arg9 : memref<!tpu.dma_semaphore, #tpu.memory_space<semaphore_mem>>) src(%arg8 : memref<125x128xf32, #tpu.memory_space<vmem>>) dst(%dma_wait3A_343 : memref<10000x128xf32, #tpu.memory_space<vmem_shared>>)
    %dma_wait3A_344 = arith.constant 8 : i32
    %dma_wait3A_345 = arith.constant 0 : i32
    %dma_wait3A_346 = tpu.memref_slice %arg7[%dma_wait3A_344, %dma_wait3A_345] : memref<40x125xi32, #tpu.memory_space<vmem>> -> memref<1x125xi32, #tpu.memory_space<vmem>>
    %dma_wait3A_347 = tpu.memref_squeeze %dma_wait3A_346 : memref<1x125xi32, #tpu.memory_space<vmem>> -> memref<125xi32, #tpu.memory_space<vmem>>
    %dma_wait3A_348 = arith.constant 0 : i32
    %dma_wait3A_349 = arith.constant 0 : i32
    %dma_wait3A_350 = tpu.memref_slice %arg6[%dma_wait3A_348, %dma_wait3A_349] : memref<10000x128xf32, #tpu.memory_space<vmem_shared>> -> memref<10000x128xf32, #tpu.memory_space<vmem_shared>>
    tpu.wait_indirect_dma semaphore(%arg9 : memref<!tpu.dma_semaphore, #tpu.memory_space<semaphore_mem>>) src(%arg8 : memref<125x128xf32, #tpu.memory_space<vmem>>) dst(%dma_wait3A_350 : memref<10000x128xf32, #tpu.memory_space<vmem_shared>>)
    %dma_wait3A_351 = arith.constant 9 : i32
    %dma_wait3A_352 = arith.constant 0 : i32
    %dma_wait3A_353 = tpu.memref_slice %arg7[%dma_wait3A_351, %dma_wait3A_352] : memref<40x125xi32, #tpu.memory_space<vmem>> -> memref<1x125xi32, #tpu.memory_space<vmem>>
    %dma_wait3A_354 = tpu.memref_squeeze %dma_wait3A_353 : memref<1x125xi32, #tpu.memory_space<vmem>> -> memref<125xi32, #tpu.memory_space<vmem>>
    %dma_wait3A_355 = arith.constant 0 : i32
    %dma_wait3A_356 = arith.constant 0 : i32
    %dma_wait3A_357 = tpu.memref_slice %arg6[%dma_wait3A_355, %dma_wait3A_356] : memref<10000x128xf32, #tpu.memory_space<vmem_shared>> -> memref<10000x128xf32, #tpu.memory_space<vmem_shared>>
    tpu.wait_indirect_dma semaphore(%arg9 : memref<!tpu.dma_semaphore, #tpu.memory_space<semaphore_mem>>) src(%arg8 : memref<125x128xf32, #tpu.memory_space<vmem>>) dst(%dma_wait3A_357 : memref<10000x128xf32, #tpu.memory_space<vmem_shared>>)
    %dma_wait3A_358 = arith.constant 10 : i32
    %dma_wait3A_359 = arith.constant 0 : i32
    %dma_wait3A_360 = tpu.memref_slice %arg7[%dma_wait3A_358, %dma_wait3A_359] : memref<40x125xi32, #tpu.memory_space<vmem>> -> memref<1x125xi32, #tpu.memory_space<vmem>>
    %dma_wait3A_361 = tpu.memref_squeeze %dma_wait3A_360 : memref<1x125xi32, #tpu.memory_space<vmem>> -> memref<125xi32, #tpu.memory_space<vmem>>
    %dma_wait3A_362 = arith.constant 0 : i32
    %dma_wait3A_363 = arith.constant 0 : i32
    %dma_wait3A_364 = tpu.memref_slice %arg6[%dma_wait3A_362, %dma_wait3A_363] : memref<10000x128xf32, #tpu.memory_space<vmem_shared>> -> memref<10000x128xf32, #tpu.memory_space<vmem_shared>>
    tpu.wait_indirect_dma semaphore(%arg9 : memref<!tpu.dma_semaphore, #tpu.memory_space<semaphore_mem>>) src(%arg8 : memref<125x128xf32, #tpu.memory_space<vmem>>) dst(%dma_wait3A_364 : memref<10000x128xf32, #tpu.memory_space<vmem_shared>>)
    %dma_wait3A_365 = arith.constant 11 : i32
    %dma_wait3A_366 = arith.constant 0 : i32
    %dma_wait3A_367 = tpu.memref_slice %arg7[%dma_wait3A_365, %dma_wait3A_366] : memref<40x125xi32, #tpu.memory_space<vmem>> -> memref<1x125xi32, #tpu.memory_space<vmem>>
    %dma_wait3A_368 = tpu.memref_squeeze %dma_wait3A_367 : memref<1x125xi32, #tpu.memory_space<vmem>> -> memref<125xi32, #tpu.memory_space<vmem>>
    %dma_wait3A_369 = arith.constant 0 : i32
    %dma_wait3A_370 = arith.constant 0 : i32
    %dma_wait3A_371 = tpu.memref_slice %arg6[%dma_wait3A_369, %dma_wait3A_370] : memref<10000x128xf32, #tpu.memory_space<vmem_shared>> -> memref<10000x128xf32, #tpu.memory_space<vmem_shared>>
    tpu.wait_indirect_dma semaphore(%arg9 : memref<!tpu.dma_semaphore, #tpu.memory_space<semaphore_mem>>) src(%arg8 : memref<125x128xf32, #tpu.memory_space<vmem>>) dst(%dma_wait3A_371 : memref<10000x128xf32, #tpu.memory_space<vmem_shared>>)
    %dma_wait3A_372 = arith.constant 12 : i32
    %dma_wait3A_373 = arith.constant 0 : i32
    %dma_wait3A_374 = tpu.memref_slice %arg7[%dma_wait3A_372, %dma_wait3A_373] : memref<40x125xi32, #tpu.memory_space<vmem>> -> memref<1x125xi32, #tpu.memory_space<vmem>>
    %dma_wait3A_375 = tpu.memref_squeeze %dma_wait3A_374 : memref<1x125xi32, #tpu.memory_space<vmem>> -> memref<125xi32, #tpu.memory_space<vmem>>
    %dma_wait3A_376 = arith.constant 0 : i32
    %dma_wait3A_377 = arith.constant 0 : i32
    %dma_wait3A_378 = tpu.memref_slice %arg6[%dma_wait3A_376, %dma_wait3A_377] : memref<10000x128xf32, #tpu.memory_space<vmem_shared>> -> memref<10000x128xf32, #tpu.memory_space<vmem_shared>>
    tpu.wait_indirect_dma semaphore(%arg9 : memref<!tpu.dma_semaphore, #tpu.memory_space<semaphore_mem>>) src(%arg8 : memref<125x128xf32, #tpu.memory_space<vmem>>) dst(%dma_wait3A_378 : memref<10000x128xf32, #tpu.memory_space<vmem_shared>>)
    %dma_wait3A_379 = arith.constant 13 : i32
    %dma_wait3A_380 = arith.constant 0 : i32
    %dma_wait3A_381 = tpu.memref_slice %arg7[%dma_wait3A_379, %dma_wait3A_380] : memref<40x125xi32, #tpu.memory_space<vmem>> -> memref<1x125xi32, #tpu.memory_space<vmem>>
    %dma_wait3A_382 = tpu.memref_squeeze %dma_wait3A_381 : memref<1x125xi32, #tpu.memory_space<vmem>> -> memref<125xi32, #tpu.memory_space<vmem>>
    %dma_wait3A_383 = arith.constant 0 : i32
    %dma_wait3A_384 = arith.constant 0 : i32
    %dma_wait3A_385 = tpu.memref_slice %arg6[%dma_wait3A_383, %dma_wait3A_384] : memref<10000x128xf32, #tpu.memory_space<vmem_shared>> -> memref<10000x128xf32, #tpu.memory_space<vmem_shared>>
    tpu.wait_indirect_dma semaphore(%arg9 : memref<!tpu.dma_semaphore, #tpu.memory_space<semaphore_mem>>) src(%arg8 : memref<125x128xf32, #tpu.memory_space<vmem>>) dst(%dma_wait3A_385 : memref<10000x128xf32, #tpu.memory_space<vmem_shared>>)
    %dma_wait3A_386 = arith.constant 14 : i32
    %dma_wait3A_387 = arith.constant 0 : i32
    %dma_wait3A_388 = tpu.memref_slice %arg7[%dma_wait3A_386, %dma_wait3A_387] : memref<40x125xi32, #tpu.memory_space<vmem>> -> memref<1x125xi32, #tpu.memory_space<vmem>>
    %dma_wait3A_389 = tpu.memref_squeeze %dma_wait3A_388 : memref<1x125xi32, #tpu.memory_space<vmem>> -> memref<125xi32, #tpu.memory_space<vmem>>
    %dma_wait3A_390 = arith.constant 0 : i32
    %dma_wait3A_391 = arith.constant 0 : i32
    %dma_wait3A_392 = tpu.memref_slice %arg6[%dma_wait3A_390, %dma_wait3A_391] : memref<10000x128xf32, #tpu.memory_space<vmem_shared>> -> memref<10000x128xf32, #tpu.memory_space<vmem_shared>>
    tpu.wait_indirect_dma semaphore(%arg9 : memref<!tpu.dma_semaphore, #tpu.memory_space<semaphore_mem>>) src(%arg8 : memref<125x128xf32, #tpu.memory_space<vmem>>) dst(%dma_wait3A_392 : memref<10000x128xf32, #tpu.memory_space<vmem_shared>>)
    %dma_wait3A_393 = arith.constant 15 : i32
    %dma_wait3A_394 = arith.constant 0 : i32
    %dma_wait3A_395 = tpu.memref_slice %arg7[%dma_wait3A_393, %dma_wait3A_394] : memref<40x125xi32, #tpu.memory_space<vmem>> -> memref<1x125xi32, #tpu.memory_space<vmem>>
    %dma_wait3A_396 = tpu.memref_squeeze %dma_wait3A_395 : memref<1x125xi32, #tpu.memory_space<vmem>> -> memref<125xi32, #tpu.memory_space<vmem>>
    %dma_wait3A_397 = arith.constant 0 : i32
    %dma_wait3A_398 = arith.constant 0 : i32
    %dma_wait3A_399 = tpu.memref_slice %arg6[%dma_wait3A_397, %dma_wait3A_398] : memref<10000x128xf32, #tpu.memory_space<vmem_shared>> -> memref<10000x128xf32, #tpu.memory_space<vmem_shared>>
    tpu.wait_indirect_dma semaphore(%arg9 : memref<!tpu.dma_semaphore, #tpu.memory_space<semaphore_mem>>) src(%arg8 : memref<125x128xf32, #tpu.memory_space<vmem>>) dst(%dma_wait3A_399 : memref<10000x128xf32, #tpu.memory_space<vmem_shared>>)
    %dma_wait3A_400 = arith.constant 16 : i32
    %dma_wait3A_401 = arith.constant 0 : i32
    %dma_wait3A_402 = tpu.memref_slice %arg7[%dma_wait3A_400, %dma_wait3A_401] : memref<40x125xi32, #tpu.memory_space<vmem>> -> memref<1x125xi32, #tpu.memory_space<vmem>>
    %dma_wait3A_403 = tpu.memref_squeeze %dma_wait3A_402 : memref<1x125xi32, #tpu.memory_space<vmem>> -> memref<125xi32, #tpu.memory_space<vmem>>
    %dma_wait3A_404 = arith.constant 0 : i32
    %dma_wait3A_405 = arith.constant 0 : i32
    %dma_wait3A_406 = tpu.memref_slice %arg6[%dma_wait3A_404, %dma_wait3A_405] : memref<10000x128xf32, #tpu.memory_space<vmem_shared>> -> memref<10000x128xf32, #tpu.memory_space<vmem_shared>>
    tpu.wait_indirect_dma semaphore(%arg9 : memref<!tpu.dma_semaphore, #tpu.memory_space<semaphore_mem>>) src(%arg8 : memref<125x128xf32, #tpu.memory_space<vmem>>) dst(%dma_wait3A_406 : memref<10000x128xf32, #tpu.memory_space<vmem_shared>>)
    %dma_wait3A_407 = arith.constant 17 : i32
    %dma_wait3A_408 = arith.constant 0 : i32
    %dma_wait3A_409 = tpu.memref_slice %arg7[%dma_wait3A_407, %dma_wait3A_408] : memref<40x125xi32, #tpu.memory_space<vmem>> -> memref<1x125xi32, #tpu.memory_space<vmem>>
    %dma_wait3A_410 = tpu.memref_squeeze %dma_wait3A_409 : memref<1x125xi32, #tpu.memory_space<vmem>> -> memref<125xi32, #tpu.memory_space<vmem>>
    %dma_wait3A_411 = arith.constant 0 : i32
    %dma_wait3A_412 = arith.constant 0 : i32
    %dma_wait3A_413 = tpu.memref_slice %arg6[%dma_wait3A_411, %dma_wait3A_412] : memref<10000x128xf32, #tpu.memory_space<vmem_shared>> -> memref<10000x128xf32, #tpu.memory_space<vmem_shared>>
    tpu.wait_indirect_dma semaphore(%arg9 : memref<!tpu.dma_semaphore, #tpu.memory_space<semaphore_mem>>) src(%arg8 : memref<125x128xf32, #tpu.memory_space<vmem>>) dst(%dma_wait3A_413 : memref<10000x128xf32, #tpu.memory_space<vmem_shared>>)
    %dma_wait3A_414 = arith.constant 18 : i32
    %dma_wait3A_415 = arith.constant 0 : i32
    %dma_wait3A_416 = tpu.memref_slice %arg7[%dma_wait3A_414, %dma_wait3A_415] : memref<40x125xi32, #tpu.memory_space<vmem>> -> memref<1x125xi32, #tpu.memory_space<vmem>>
    %dma_wait3A_417 = tpu.memref_squeeze %dma_wait3A_416 : memref<1x125xi32, #tpu.memory_space<vmem>> -> memref<125xi32, #tpu.memory_space<vmem>>
    %dma_wait3A_418 = arith.constant 0 : i32
    %dma_wait3A_419 = arith.constant 0 : i32
    %dma_wait3A_420 = tpu.memref_slice %arg6[%dma_wait3A_418, %dma_wait3A_419] : memref<10000x128xf32, #tpu.memory_space<vmem_shared>> -> memref<10000x128xf32, #tpu.memory_space<vmem_shared>>
    tpu.wait_indirect_dma semaphore(%arg9 : memref<!tpu.dma_semaphore, #tpu.memory_space<semaphore_mem>>) src(%arg8 : memref<125x128xf32, #tpu.memory_space<vmem>>) dst(%dma_wait3A_420 : memref<10000x128xf32, #tpu.memory_space<vmem_shared>>)
    %dma_wait3A_421 = arith.constant 19 : i32
    %dma_wait3A_422 = arith.constant 0 : i32
    %dma_wait3A_423 = tpu.memref_slice %arg7[%dma_wait3A_421, %dma_wait3A_422] : memref<40x125xi32, #tpu.memory_space<vmem>> -> memref<1x125xi32, #tpu.memory_space<vmem>>
    %dma_wait3A_424 = tpu.memref_squeeze %dma_wait3A_423 : memref<1x125xi32, #tpu.memory_space<vmem>> -> memref<125xi32, #tpu.memory_space<vmem>>
    %dma_wait3A_425 = arith.constant 0 : i32
    %dma_wait3A_426 = arith.constant 0 : i32
    %dma_wait3A_427 = tpu.memref_slice %arg6[%dma_wait3A_425, %dma_wait3A_426] : memref<10000x128xf32, #tpu.memory_space<vmem_shared>> -> memref<10000x128xf32, #tpu.memory_space<vmem_shared>>
    tpu.wait_indirect_dma semaphore(%arg9 : memref<!tpu.dma_semaphore, #tpu.memory_space<semaphore_mem>>) src(%arg8 : memref<125x128xf32, #tpu.memory_space<vmem>>) dst(%dma_wait3A_427 : memref<10000x128xf32, #tpu.memory_space<vmem_shared>>)
    %dma_wait3A_428 = arith.constant 20 : i32
    %dma_wait3A_429 = arith.constant 0 : i32
    %dma_wait3A_430 = tpu.memref_slice %arg7[%dma_wait3A_428, %dma_wait3A_429] : memref<40x125xi32, #tpu.memory_space<vmem>> -> memref<1x125xi32, #tpu.memory_space<vmem>>
    %dma_wait3A_431 = tpu.memref_squeeze %dma_wait3A_430 : memref<1x125xi32, #tpu.memory_space<vmem>> -> memref<125xi32, #tpu.memory_space<vmem>>
    %dma_wait3A_432 = arith.constant 0 : i32
    %dma_wait3A_433 = arith.constant 0 : i32
    %dma_wait3A_434 = tpu.memref_slice %arg6[%dma_wait3A_432, %dma_wait3A_433] : memref<10000x128xf32, #tpu.memory_space<vmem_shared>> -> memref<10000x128xf32, #tpu.memory_space<vmem_shared>>
    tpu.wait_indirect_dma semaphore(%arg9 : memref<!tpu.dma_semaphore, #tpu.memory_space<semaphore_mem>>) src(%arg8 : memref<125x128xf32, #tpu.memory_space<vmem>>) dst(%dma_wait3A_434 : memref<10000x128xf32, #tpu.memory_space<vmem_shared>>)
    %dma_wait3A_435 = arith.constant 21 : i32
    %dma_wait3A_436 = arith.constant 0 : i32
    %dma_wait3A_437 = tpu.memref_slice %arg7[%dma_wait3A_435, %dma_wait3A_436] : memref<40x125xi32, #tpu.memory_space<vmem>> -> memref<1x125xi32, #tpu.memory_space<vmem>>
    %dma_wait3A_438 = tpu.memref_squeeze %dma_wait3A_437 : memref<1x125xi32, #tpu.memory_space<vmem>> -> memref<125xi32, #tpu.memory_space<vmem>>
    %dma_wait3A_439 = arith.constant 0 : i32
    %dma_wait3A_440 = arith.constant 0 : i32
    %dma_wait3A_441 = tpu.memref_slice %arg6[%dma_wait3A_439, %dma_wait3A_440] : memref<10000x128xf32, #tpu.memory_space<vmem_shared>> -> memref<10000x128xf32, #tpu.memory_space<vmem_shared>>
    tpu.wait_indirect_dma semaphore(%arg9 : memref<!tpu.dma_semaphore, #tpu.memory_space<semaphore_mem>>) src(%arg8 : memref<125x128xf32, #tpu.memory_space<vmem>>) dst(%dma_wait3A_441 : memref<10000x128xf32, #tpu.memory_space<vmem_shared>>)
    %dma_wait3A_442 = arith.constant 22 : i32
    %dma_wait3A_443 = arith.constant 0 : i32
    %dma_wait3A_444 = tpu.memref_slice %arg7[%dma_wait3A_442, %dma_wait3A_443] : memref<40x125xi32, #tpu.memory_space<vmem>> -> memref<1x125xi32, #tpu.memory_space<vmem>>
    %dma_wait3A_445 = tpu.memref_squeeze %dma_wait3A_444 : memref<1x125xi32, #tpu.memory_space<vmem>> -> memref<125xi32, #tpu.memory_space<vmem>>
    %dma_wait3A_446 = arith.constant 0 : i32
    %dma_wait3A_447 = arith.constant 0 : i32
    %dma_wait3A_448 = tpu.memref_slice %arg6[%dma_wait3A_446, %dma_wait3A_447] : memref<10000x128xf32, #tpu.memory_space<vmem_shared>> -> memref<10000x128xf32, #tpu.memory_space<vmem_shared>>
    tpu.wait_indirect_dma semaphore(%arg9 : memref<!tpu.dma_semaphore, #tpu.memory_space<semaphore_mem>>) src(%arg8 : memref<125x128xf32, #tpu.memory_space<vmem>>) dst(%dma_wait3A_448 : memref<10000x128xf32, #tpu.memory_space<vmem_shared>>)
    %dma_wait3A_449 = arith.constant 23 : i32
    %dma_wait3A_450 = arith.constant 0 : i32
    %dma_wait3A_451 = tpu.memref_slice %arg7[%dma_wait3A_449, %dma_wait3A_450] : memref<40x125xi32, #tpu.memory_space<vmem>> -> memref<1x125xi32, #tpu.memory_space<vmem>>
    %dma_wait3A_452 = tpu.memref_squeeze %dma_wait3A_451 : memref<1x125xi32, #tpu.memory_space<vmem>> -> memref<125xi32, #tpu.memory_space<vmem>>
    %dma_wait3A_453 = arith.constant 0 : i32
    %dma_wait3A_454 = arith.constant 0 : i32
    %dma_wait3A_455 = tpu.memref_slice %arg6[%dma_wait3A_453, %dma_wait3A_454] : memref<10000x128xf32, #tpu.memory_space<vmem_shared>> -> memref<10000x128xf32, #tpu.memory_space<vmem_shared>>
    tpu.wait_indirect_dma semaphore(%arg9 : memref<!tpu.dma_semaphore, #tpu.memory_space<semaphore_mem>>) src(%arg8 : memref<125x128xf32, #tpu.memory_space<vmem>>) dst(%dma_wait3A_455 : memref<10000x128xf32, #tpu.memory_space<vmem_shared>>)
    %dma_wait3A_456 = arith.constant 24 : i32
    %dma_wait3A_457 = arith.constant 0 : i32
    %dma_wait3A_458 = tpu.memref_slice %arg7[%dma_wait3A_456, %dma_wait3A_457] : memref<40x125xi32, #tpu.memory_space<vmem>> -> memref<1x125xi32, #tpu.memory_space<vmem>>
    %dma_wait3A_459 = tpu.memref_squeeze %dma_wait3A_458 : memref<1x125xi32, #tpu.memory_space<vmem>> -> memref<125xi32, #tpu.memory_space<vmem>>
    %dma_wait3A_460 = arith.constant 0 : i32
    %dma_wait3A_461 = arith.constant 0 : i32
    %dma_wait3A_462 = tpu.memref_slice %arg6[%dma_wait3A_460, %dma_wait3A_461] : memref<10000x128xf32, #tpu.memory_space<vmem_shared>> -> memref<10000x128xf32, #tpu.memory_space<vmem_shared>>
    tpu.wait_indirect_dma semaphore(%arg9 : memref<!tpu.dma_semaphore, #tpu.memory_space<semaphore_mem>>) src(%arg8 : memref<125x128xf32, #tpu.memory_space<vmem>>) dst(%dma_wait3A_462 : memref<10000x128xf32, #tpu.memory_space<vmem_shared>>)
    %dma_wait3A_463 = arith.constant 25 : i32
    %dma_wait3A_464 = arith.constant 0 : i32
    %dma_wait3A_465 = tpu.memref_slice %arg7[%dma_wait3A_463, %dma_wait3A_464] : memref<40x125xi32, #tpu.memory_space<vmem>> -> memref<1x125xi32, #tpu.memory_space<vmem>>
    %dma_wait3A_466 = tpu.memref_squeeze %dma_wait3A_465 : memref<1x125xi32, #tpu.memory_space<vmem>> -> memref<125xi32, #tpu.memory_space<vmem>>
    %dma_wait3A_467 = arith.constant 0 : i32
    %dma_wait3A_468 = arith.constant 0 : i32
    %dma_wait3A_469 = tpu.memref_slice %arg6[%dma_wait3A_467, %dma_wait3A_468] : memref<10000x128xf32, #tpu.memory_space<vmem_shared>> -> memref<10000x128xf32, #tpu.memory_space<vmem_shared>>
    tpu.wait_indirect_dma semaphore(%arg9 : memref<!tpu.dma_semaphore, #tpu.memory_space<semaphore_mem>>) src(%arg8 : memref<125x128xf32, #tpu.memory_space<vmem>>) dst(%dma_wait3A_469 : memref<10000x128xf32, #tpu.memory_space<vmem_shared>>)
    %dma_wait3A_470 = arith.constant 26 : i32
    %dma_wait3A_471 = arith.constant 0 : i32
    %dma_wait3A_472 = tpu.memref_slice %arg7[%dma_wait3A_470, %dma_wait3A_471] : memref<40x125xi32, #tpu.memory_space<vmem>> -> memref<1x125xi32, #tpu.memory_space<vmem>>
    %dma_wait3A_473 = tpu.memref_squeeze %dma_wait3A_472 : memref<1x125xi32, #tpu.memory_space<vmem>> -> memref<125xi32, #tpu.memory_space<vmem>>
    %dma_wait3A_474 = arith.constant 0 : i32
    %dma_wait3A_475 = arith.constant 0 : i32
    %dma_wait3A_476 = tpu.memref_slice %arg6[%dma_wait3A_474, %dma_wait3A_475] : memref<10000x128xf32, #tpu.memory_space<vmem_shared>> -> memref<10000x128xf32, #tpu.memory_space<vmem_shared>>
    tpu.wait_indirect_dma semaphore(%arg9 : memref<!tpu.dma_semaphore, #tpu.memory_space<semaphore_mem>>) src(%arg8 : memref<125x128xf32, #tpu.memory_space<vmem>>) dst(%dma_wait3A_476 : memref<10000x128xf32, #tpu.memory_space<vmem_shared>>)
    %dma_wait3A_477 = arith.constant 27 : i32
    %dma_wait3A_478 = arith.constant 0 : i32
    %dma_wait3A_479 = tpu.memref_slice %arg7[%dma_wait3A_477, %dma_wait3A_478] : memref<40x125xi32, #tpu.memory_space<vmem>> -> memref<1x125xi32, #tpu.memory_space<vmem>>
    %dma_wait3A_480 = tpu.memref_squeeze %dma_wait3A_479 : memref<1x125xi32, #tpu.memory_space<vmem>> -> memref<125xi32, #tpu.memory_space<vmem>>
    %dma_wait3A_481 = arith.constant 0 : i32
    %dma_wait3A_482 = arith.constant 0 : i32
    %dma_wait3A_483 = tpu.memref_slice %arg6[%dma_wait3A_481, %dma_wait3A_482] : memref<10000x128xf32, #tpu.memory_space<vmem_shared>> -> memref<10000x128xf32, #tpu.memory_space<vmem_shared>>
    tpu.wait_indirect_dma semaphore(%arg9 : memref<!tpu.dma_semaphore, #tpu.memory_space<semaphore_mem>>) src(%arg8 : memref<125x128xf32, #tpu.memory_space<vmem>>) dst(%dma_wait3A_483 : memref<10000x128xf32, #tpu.memory_space<vmem_shared>>)
    %dma_wait3A_484 = arith.constant 28 : i32
    %dma_wait3A_485 = arith.constant 0 : i32
    %dma_wait3A_486 = tpu.memref_slice %arg7[%dma_wait3A_484, %dma_wait3A_485] : memref<40x125xi32, #tpu.memory_space<vmem>> -> memref<1x125xi32, #tpu.memory_space<vmem>>
    %dma_wait3A_487 = tpu.memref_squeeze %dma_wait3A_486 : memref<1x125xi32, #tpu.memory_space<vmem>> -> memref<125xi32, #tpu.memory_space<vmem>>
    %dma_wait3A_488 = arith.constant 0 : i32
    %dma_wait3A_489 = arith.constant 0 : i32
    %dma_wait3A_490 = tpu.memref_slice %arg6[%dma_wait3A_488, %dma_wait3A_489] : memref<10000x128xf32, #tpu.memory_space<vmem_shared>> -> memref<10000x128xf32, #tpu.memory_space<vmem_shared>>
    tpu.wait_indirect_dma semaphore(%arg9 : memref<!tpu.dma_semaphore, #tpu.memory_space<semaphore_mem>>) src(%arg8 : memref<125x128xf32, #tpu.memory_space<vmem>>) dst(%dma_wait3A_490 : memref<10000x128xf32, #tpu.memory_space<vmem_shared>>)
    %dma_wait3A_491 = arith.constant 29 : i32
    %dma_wait3A_492 = arith.constant 0 : i32
    %dma_wait3A_493 = tpu.memref_slice %arg7[%dma_wait3A_491, %dma_wait3A_492] : memref<40x125xi32, #tpu.memory_space<vmem>> -> memref<1x125xi32, #tpu.memory_space<vmem>>
    %dma_wait3A_494 = tpu.memref_squeeze %dma_wait3A_493 : memref<1x125xi32, #tpu.memory_space<vmem>> -> memref<125xi32, #tpu.memory_space<vmem>>
    %dma_wait3A_495 = arith.constant 0 : i32
    %dma_wait3A_496 = arith.constant 0 : i32
    %dma_wait3A_497 = tpu.memref_slice %arg6[%dma_wait3A_495, %dma_wait3A_496] : memref<10000x128xf32, #tpu.memory_space<vmem_shared>> -> memref<10000x128xf32, #tpu.memory_space<vmem_shared>>
    tpu.wait_indirect_dma semaphore(%arg9 : memref<!tpu.dma_semaphore, #tpu.memory_space<semaphore_mem>>) src(%arg8 : memref<125x128xf32, #tpu.memory_space<vmem>>) dst(%dma_wait3A_497 : memref<10000x128xf32, #tpu.memory_space<vmem_shared>>)
    %dma_wait3A_498 = arith.constant 30 : i32
    %dma_wait3A_499 = arith.constant 0 : i32
    %dma_wait3A_500 = tpu.memref_slice %arg7[%dma_wait3A_498, %dma_wait3A_499] : memref<40x125xi32, #tpu.memory_space<vmem>> -> memref<1x125xi32, #tpu.memory_space<vmem>>
    %dma_wait3A_501 = tpu.memref_squeeze %dma_wait3A_500 : memref<1x125xi32, #tpu.memory_space<vmem>> -> memref<125xi32, #tpu.memory_space<vmem>>
    %dma_wait3A_502 = arith.constant 0 : i32
    %dma_wait3A_503 = arith.constant 0 : i32
    %dma_wait3A_504 = tpu.memref_slice %arg6[%dma_wait3A_502, %dma_wait3A_503] : memref<10000x128xf32, #tpu.memory_space<vmem_shared>> -> memref<10000x128xf32, #tpu.memory_space<vmem_shared>>
    tpu.wait_indirect_dma semaphore(%arg9 : memref<!tpu.dma_semaphore, #tpu.memory_space<semaphore_mem>>) src(%arg8 : memref<125x128xf32, #tpu.memory_space<vmem>>) dst(%dma_wait3A_504 : memref<10000x128xf32, #tpu.memory_space<vmem_shared>>)
    %dma_wait3A_505 = arith.constant 31 : i32
    %dma_wait3A_506 = arith.constant 0 : i32
    %dma_wait3A_507 = tpu.memref_slice %arg7[%dma_wait3A_505, %dma_wait3A_506] : memref<40x125xi32, #tpu.memory_space<vmem>> -> memref<1x125xi32, #tpu.memory_space<vmem>>
    %dma_wait3A_508 = tpu.memref_squeeze %dma_wait3A_507 : memref<1x125xi32, #tpu.memory_space<vmem>> -> memref<125xi32, #tpu.memory_space<vmem>>
    %dma_wait3A_509 = arith.constant 0 : i32
    %dma_wait3A_510 = arith.constant 0 : i32
    %dma_wait3A_511 = tpu.memref_slice %arg6[%dma_wait3A_509, %dma_wait3A_510] : memref<10000x128xf32, #tpu.memory_space<vmem_shared>> -> memref<10000x128xf32, #tpu.memory_space<vmem_shared>>
    tpu.wait_indirect_dma semaphore(%arg9 : memref<!tpu.dma_semaphore, #tpu.memory_space<semaphore_mem>>) src(%arg8 : memref<125x128xf32, #tpu.memory_space<vmem>>) dst(%dma_wait3A_511 : memref<10000x128xf32, #tpu.memory_space<vmem_shared>>)
    %dma_wait3A_512 = arith.constant 32 : i32
    %dma_wait3A_513 = arith.constant 0 : i32
    %dma_wait3A_514 = tpu.memref_slice %arg7[%dma_wait3A_512, %dma_wait3A_513] : memref<40x125xi32, #tpu.memory_space<vmem>> -> memref<1x125xi32, #tpu.memory_space<vmem>>
    %dma_wait3A_515 = tpu.memref_squeeze %dma_wait3A_514 : memref<1x125xi32, #tpu.memory_space<vmem>> -> memref<125xi32, #tpu.memory_space<vmem>>
    %dma_wait3A_516 = arith.constant 0 : i32
    %dma_wait3A_517 = arith.constant 0 : i32
    %dma_wait3A_518 = tpu.memref_slice %arg6[%dma_wait3A_516, %dma_wait3A_517] : memref<10000x128xf32, #tpu.memory_space<vmem_shared>> -> memref<10000x128xf32, #tpu.memory_space<vmem_shared>>
    tpu.wait_indirect_dma semaphore(%arg9 : memref<!tpu.dma_semaphore, #tpu.memory_space<semaphore_mem>>) src(%arg8 : memref<125x128xf32, #tpu.memory_space<vmem>>) dst(%dma_wait3A_518 : memref<10000x128xf32, #tpu.memory_space<vmem_shared>>)
    %dma_wait3A_519 = arith.constant 33 : i32
    %dma_wait3A_520 = arith.constant 0 : i32
    %dma_wait3A_521 = tpu.memref_slice %arg7[%dma_wait3A_519, %dma_wait3A_520] : memref<40x125xi32, #tpu.memory_space<vmem>> -> memref<1x125xi32, #tpu.memory_space<vmem>>
    %dma_wait3A_522 = tpu.memref_squeeze %dma_wait3A_521 : memref<1x125xi32, #tpu.memory_space<vmem>> -> memref<125xi32, #tpu.memory_space<vmem>>
    %dma_wait3A_523 = arith.constant 0 : i32
    %dma_wait3A_524 = arith.constant 0 : i32
    %dma_wait3A_525 = tpu.memref_slice %arg6[%dma_wait3A_523, %dma_wait3A_524] : memref<10000x128xf32, #tpu.memory_space<vmem_shared>> -> memref<10000x128xf32, #tpu.memory_space<vmem_shared>>
    tpu.wait_indirect_dma semaphore(%arg9 : memref<!tpu.dma_semaphore, #tpu.memory_space<semaphore_mem>>) src(%arg8 : memref<125x128xf32, #tpu.memory_space<vmem>>) dst(%dma_wait3A_525 : memref<10000x128xf32, #tpu.memory_space<vmem_shared>>)
    %dma_wait3A_526 = arith.constant 34 : i32
    %dma_wait3A_527 = arith.constant 0 : i32
    %dma_wait3A_528 = tpu.memref_slice %arg7[%dma_wait3A_526, %dma_wait3A_527] : memref<40x125xi32, #tpu.memory_space<vmem>> -> memref<1x125xi32, #tpu.memory_space<vmem>>
    %dma_wait3A_529 = tpu.memref_squeeze %dma_wait3A_528 : memref<1x125xi32, #tpu.memory_space<vmem>> -> memref<125xi32, #tpu.memory_space<vmem>>
    %dma_wait3A_530 = arith.constant 0 : i32
    %dma_wait3A_531 = arith.constant 0 : i32
    %dma_wait3A_532 = tpu.memref_slice %arg6[%dma_wait3A_530, %dma_wait3A_531] : memref<10000x128xf32, #tpu.memory_space<vmem_shared>> -> memref<10000x128xf32, #tpu.memory_space<vmem_shared>>
    tpu.wait_indirect_dma semaphore(%arg9 : memref<!tpu.dma_semaphore, #tpu.memory_space<semaphore_mem>>) src(%arg8 : memref<125x128xf32, #tpu.memory_space<vmem>>) dst(%dma_wait3A_532 : memref<10000x128xf32, #tpu.memory_space<vmem_shared>>)
    %dma_wait3A_533 = arith.constant 35 : i32
    %dma_wait3A_534 = arith.constant 0 : i32
    %dma_wait3A_535 = tpu.memref_slice %arg7[%dma_wait3A_533, %dma_wait3A_534] : memref<40x125xi32, #tpu.memory_space<vmem>> -> memref<1x125xi32, #tpu.memory_space<vmem>>
    %dma_wait3A_536 = tpu.memref_squeeze %dma_wait3A_535 : memref<1x125xi32, #tpu.memory_space<vmem>> -> memref<125xi32, #tpu.memory_space<vmem>>
    %dma_wait3A_537 = arith.constant 0 : i32
    %dma_wait3A_538 = arith.constant 0 : i32
    %dma_wait3A_539 = tpu.memref_slice %arg6[%dma_wait3A_537, %dma_wait3A_538] : memref<10000x128xf32, #tpu.memory_space<vmem_shared>> -> memref<10000x128xf32, #tpu.memory_space<vmem_shared>>
    tpu.wait_indirect_dma semaphore(%arg9 : memref<!tpu.dma_semaphore, #tpu.memory_space<semaphore_mem>>) src(%arg8 : memref<125x128xf32, #tpu.memory_space<vmem>>) dst(%dma_wait3A_539 : memref<10000x128xf32, #tpu.memory_space<vmem_shared>>)
    %dma_wait3A_540 = arith.constant 36 : i32
    %dma_wait3A_541 = arith.constant 0 : i32
    %dma_wait3A_542 = tpu.memref_slice %arg7[%dma_wait3A_540, %dma_wait3A_541] : memref<40x125xi32, #tpu.memory_space<vmem>> -> memref<1x125xi32, #tpu.memory_space<vmem>>
    %dma_wait3A_543 = tpu.memref_squeeze %dma_wait3A_542 : memref<1x125xi32, #tpu.memory_space<vmem>> -> memref<125xi32, #tpu.memory_space<vmem>>
    %dma_wait3A_544 = arith.constant 0 : i32
    %dma_wait3A_545 = arith.constant 0 : i32
    %dma_wait3A_546 = tpu.memref_slice %arg6[%dma_wait3A_544, %dma_wait3A_545] : memref<10000x128xf32, #tpu.memory_space<vmem_shared>> -> memref<10000x128xf32, #tpu.memory_space<vmem_shared>>
    tpu.wait_indirect_dma semaphore(%arg9 : memref<!tpu.dma_semaphore, #tpu.memory_space<semaphore_mem>>) src(%arg8 : memref<125x128xf32, #tpu.memory_space<vmem>>) dst(%dma_wait3A_546 : memref<10000x128xf32, #tpu.memory_space<vmem_shared>>)
    %dma_wait3A_547 = arith.constant 37 : i32
    %dma_wait3A_548 = arith.constant 0 : i32
    %dma_wait3A_549 = tpu.memref_slice %arg7[%dma_wait3A_547, %dma_wait3A_548] : memref<40x125xi32, #tpu.memory_space<vmem>> -> memref<1x125xi32, #tpu.memory_space<vmem>>
    %dma_wait3A_550 = tpu.memref_squeeze %dma_wait3A_549 : memref<1x125xi32, #tpu.memory_space<vmem>> -> memref<125xi32, #tpu.memory_space<vmem>>
    %dma_wait3A_551 = arith.constant 0 : i32
    %dma_wait3A_552 = arith.constant 0 : i32
    %dma_wait3A_553 = tpu.memref_slice %arg6[%dma_wait3A_551, %dma_wait3A_552] : memref<10000x128xf32, #tpu.memory_space<vmem_shared>> -> memref<10000x128xf32, #tpu.memory_space<vmem_shared>>
    tpu.wait_indirect_dma semaphore(%arg9 : memref<!tpu.dma_semaphore, #tpu.memory_space<semaphore_mem>>) src(%arg8 : memref<125x128xf32, #tpu.memory_space<vmem>>) dst(%dma_wait3A_553 : memref<10000x128xf32, #tpu.memory_space<vmem_shared>>)
    %dma_wait3A_554 = arith.constant 38 : i32
    %dma_wait3A_555 = arith.constant 0 : i32
    %dma_wait3A_556 = tpu.memref_slice %arg7[%dma_wait3A_554, %dma_wait3A_555] : memref<40x125xi32, #tpu.memory_space<vmem>> -> memref<1x125xi32, #tpu.memory_space<vmem>>
    %dma_wait3A_557 = tpu.memref_squeeze %dma_wait3A_556 : memref<1x125xi32, #tpu.memory_space<vmem>> -> memref<125xi32, #tpu.memory_space<vmem>>
    %dma_wait3A_558 = arith.constant 0 : i32
    %dma_wait3A_559 = arith.constant 0 : i32
    %dma_wait3A_560 = tpu.memref_slice %arg6[%dma_wait3A_558, %dma_wait3A_559] : memref<10000x128xf32, #tpu.memory_space<vmem_shared>> -> memref<10000x128xf32, #tpu.memory_space<vmem_shared>>
    tpu.wait_indirect_dma semaphore(%arg9 : memref<!tpu.dma_semaphore, #tpu.memory_space<semaphore_mem>>) src(%arg8 : memref<125x128xf32, #tpu.memory_space<vmem>>) dst(%dma_wait3A_560 : memref<10000x128xf32, #tpu.memory_space<vmem_shared>>)
    %dma_wait3A_561 = arith.constant 39 : i32
    %dma_wait3A_562 = arith.constant 0 : i32
    %dma_wait3A_563 = tpu.memref_slice %arg7[%dma_wait3A_561, %dma_wait3A_562] : memref<40x125xi32, #tpu.memory_space<vmem>> -> memref<1x125xi32, #tpu.memory_space<vmem>>
    %dma_wait3A_564 = tpu.memref_squeeze %dma_wait3A_563 : memref<1x125xi32, #tpu.memory_space<vmem>> -> memref<125xi32, #tpu.memory_space<vmem>>
    %dma_wait3A_565 = arith.constant 0 : i32
    %dma_wait3A_566 = arith.constant 0 : i32
    %dma_wait3A_567 = tpu.memref_slice %arg6[%dma_wait3A_565, %dma_wait3A_566] : memref<10000x128xf32, #tpu.memory_space<vmem_shared>> -> memref<10000x128xf32, #tpu.memory_space<vmem_shared>>
    tpu.wait_indirect_dma semaphore(%arg9 : memref<!tpu.dma_semaphore, #tpu.memory_space<semaphore_mem>>) src(%arg8 : memref<125x128xf32, #tpu.memory_space<vmem>>) dst(%dma_wait3A_567 : memref<10000x128xf32, #tpu.memory_space<vmem_shared>>)
    %barrier3A_568 = arith.constant 0 : index
    tpu.barrier barrier_id(%barrier3A_568)
    %mul3A_569 = arith.constant 624 : i32
    %mul3A_570 = arith.muli %arg1, %mul3A_569 : i32
    "tpu.region"() ({
      %run_scoped3A = tpu.sem_alloc : memref<!tpu.dma_semaphore, #tpu.memory_space<semaphore_mem>>
      %dma_start3A_581 = arith.constant 0 : i32
      %dma_start3A_582 = tpu.memref_slice %arg5[%arg0, %mul3A_570, %dma_start3A_581] : memref<2x10000x128xf32, #tpu.memory_space<hbm>> -> memref<1x624x128xf32, #tpu.memory_space<hbm>>
      %dma_start3A_583 = tpu.memref_squeeze %dma_start3A_582 : memref<1x624x128xf32, #tpu.memory_space<hbm>> -> memref<624x128xf32, #tpu.memory_space<hbm>>
      %dma_start3A_584 = arith.constant 0 : i32
      %dma_start3A_585 = tpu.memref_slice %arg6[%mul3A_570, %dma_start3A_584] : memref<10000x128xf32, #tpu.memory_space<vmem_shared>> -> memref<624x128xf32, #tpu.memory_space<vmem_shared>>
      tpu.enqueue_dma source(%dma_start3A_585 : memref<624x128xf32, #tpu.memory_space<vmem_shared>>) target(%dma_start3A_583 : memref<624x128xf32, #tpu.memory_space<hbm>>) target_semaphore(%run_scoped3A : memref<!tpu.dma_semaphore, #tpu.memory_space<semaphore_mem>>)
      %dma_wait3A_586 = arith.constant 0 : i32
      %dma_wait3A_587 = tpu.memref_slice %arg5[%arg0, %mul3A_570, %dma_wait3A_586] : memref<2x10000x128xf32, #tpu.memory_space<hbm>> -> memref<1x624x128xf32, #tpu.memory_space<hbm>>
      %dma_wait3A_588 = tpu.memref_squeeze %dma_wait3A_587 : memref<1x624x128xf32, #tpu.memory_space<hbm>> -> memref<624x128xf32, #tpu.memory_space<hbm>>
      %dma_wait3A_589 = arith.constant 0 : i32
      %dma_wait3A_590 = tpu.memref_slice %arg6[%mul3A_570, %dma_wait3A_589] : memref<10000x128xf32, #tpu.memory_space<vmem_shared>> -> memref<624x128xf32, #tpu.memory_space<vmem_shared>>
      tpu.wait_dma2 semaphore(%run_scoped3A : memref<!tpu.dma_semaphore, #tpu.memory_space<semaphore_mem>>) src(%dma_wait3A_590 : memref<624x128xf32, #tpu.memory_space<vmem_shared>>) dst(%dma_wait3A_588 : memref<624x128xf32, #tpu.memory_space<hbm>>)
      tpu.yield
    }) : () -> ()
    %eq3A_571 = arith.constant 0 : i32
    %eq3A_572 = arith.cmpi eq, %arg1, %eq3A_571 : i32
    %convert_element_type3A_573 = arith.extui %eq3A_572 : i1 to i32
    %cond3A_574 = arith.constant 0 : i32
    %cond3A_575 = arith.cmpi ne, %convert_element_type3A_573, %cond3A_574 : i32
    scf.if %cond3A_575 {
      "tpu.region"() ({
        %run_scoped3A = tpu.sem_alloc : memref<!tpu.dma_semaphore, #tpu.memory_space<semaphore_mem>>
        %dma_start3A_581 = arith.constant 9984 : i32
        %dma_start3A_582 = arith.constant 0 : i32
        %dma_start3A_583 = tpu.memref_slice %arg5[%arg0, %dma_start3A_581, %dma_start3A_582] : memref<2x10000x128xf32, #tpu.memory_space<hbm>> -> memref<1x8x128xf32, #tpu.memory_space<hbm>>
        %dma_start3A_584 = tpu.memref_squeeze %dma_start3A_583 : memref<1x8x128xf32, #tpu.memory_space<hbm>> -> memref<8x128xf32, #tpu.memory_space<hbm>>
        %dma_start3A_585 = arith.constant 9984 : i32
        %dma_start3A_586 = arith.constant 0 : i32
        %dma_start3A_587 = tpu.memref_slice %arg6[%dma_start3A_585, %dma_start3A_586] : memref<10000x128xf32, #tpu.memory_space<vmem_shared>> -> memref<8x128xf32, #tpu.memory_space<vmem_shared>>
        tpu.enqueue_dma source(%dma_start3A_587 : memref<8x128xf32, #tpu.memory_space<vmem_shared>>) target(%dma_start3A_584 : memref<8x128xf32, #tpu.memory_space<hbm>>) target_semaphore(%run_scoped3A : memref<!tpu.dma_semaphore, #tpu.memory_space<semaphore_mem>>)
        %dma_wait3A_588 = arith.constant 9984 : i32
        %dma_wait3A_589 = arith.constant 0 : i32
        %dma_wait3A_590 = tpu.memref_slice %arg5[%arg0, %dma_wait3A_588, %dma_wait3A_589] : memref<2x10000x128xf32, #tpu.memory_space<hbm>> -> memref<1x8x128xf32, #tpu.memory_space<hbm>>
        %dma_wait3A_591 = tpu.memref_squeeze %dma_wait3A_590 : memref<1x8x128xf32, #tpu.memory_space<hbm>> -> memref<8x128xf32, #tpu.memory_space<hbm>>
        %dma_wait3A_592 = arith.constant 9984 : i32
        %dma_wait3A_593 = arith.constant 0 : i32
        %dma_wait3A_594 = tpu.memref_slice %arg6[%dma_wait3A_592, %dma_wait3A_593] : memref<10000x128xf32, #tpu.memory_space<vmem_shared>> -> memref<8x128xf32, #tpu.memory_space<vmem_shared>>
        tpu.wait_dma2 semaphore(%run_scoped3A : memref<!tpu.dma_semaphore, #tpu.memory_space<semaphore_mem>>) src(%dma_wait3A_594 : memref<8x128xf32, #tpu.memory_space<vmem_shared>>) dst(%dma_wait3A_591 : memref<8x128xf32, #tpu.memory_space<hbm>>)
        tpu.yield
      }) : () -> ()
    } else {
    }
    %eq3A_576 = arith.constant 1 : i32
    %eq3A_577 = arith.cmpi eq, %arg1, %eq3A_576 : i32
    %convert_element_type3A_578 = arith.extui %eq3A_577 : i1 to i32
    %cond3A_579 = arith.constant 0 : i32
    %cond3A_580 = arith.cmpi ne, %convert_element_type3A_578, %cond3A_579 : i32
    scf.if %cond3A_580 {
      "tpu.region"() ({
        %run_scoped3A = tpu.sem_alloc : memref<!tpu.dma_semaphore, #tpu.memory_space<semaphore_mem>>
        %dma_start3A_581 = arith.constant 9992 : i32
        %dma_start3A_582 = arith.constant 0 : i32
        %dma_start3A_583 = tpu.memref_slice %arg5[%arg0, %dma_start3A_581, %dma_start3A_582] : memref<2x10000x128xf32, #tpu.memory_space<hbm>> -> memref<1x8x128xf32, #tpu.memory_space<hbm>>
        %dma_start3A_584 = tpu.memref_squeeze %dma_start3A_583 : memref<1x8x128xf32, #tpu.memory_space<hbm>> -> memref<8x128xf32, #tpu.memory_space<hbm>>
        %dma_start3A_585 = arith.constant 9992 : i32
        %dma_start3A_586 = arith.constant 0 : i32
        %dma_start3A_587 = tpu.memref_slice %arg6[%dma_start3A_585, %dma_start3A_586] : memref<10000x128xf32, #tpu.memory_space<vmem_shared>> -> memref<8x128xf32, #tpu.memory_space<vmem_shared>>
        tpu.enqueue_dma source(%dma_start3A_587 : memref<8x128xf32, #tpu.memory_space<vmem_shared>>) target(%dma_start3A_584 : memref<8x128xf32, #tpu.memory_space<hbm>>) target_semaphore(%run_scoped3A : memref<!tpu.dma_semaphore, #tpu.memory_space<semaphore_mem>>)
        %dma_wait3A_588 = arith.constant 9992 : i32
        %dma_wait3A_589 = arith.constant 0 : i32
        %dma_wait3A_590 = tpu.memref_slice %arg5[%arg0, %dma_wait3A_588, %dma_wait3A_589] : memref<2x10000x128xf32, #tpu.memory_space<hbm>> -> memref<1x8x128xf32, #tpu.memory_space<hbm>>
        %dma_wait3A_591 = tpu.memref_squeeze %dma_wait3A_590 : memref<1x8x128xf32, #tpu.memory_space<hbm>> -> memref<8x128xf32, #tpu.memory_space<hbm>>
        %dma_wait3A_592 = arith.constant 9992 : i32
        %dma_wait3A_593 = arith.constant 0 : i32
        %dma_wait3A_594 = tpu.memref_slice %arg6[%dma_wait3A_592, %dma_wait3A_593] : memref<10000x128xf32, #tpu.memory_space<vmem_shared>> -> memref<8x128xf32, #tpu.memory_space<vmem_shared>>
        tpu.wait_dma2 semaphore(%run_scoped3A : memref<!tpu.dma_semaphore, #tpu.memory_space<semaphore_mem>>) src(%dma_wait3A_594 : memref<8x128xf32, #tpu.memory_space<vmem_shared>>) dst(%dma_wait3A_591 : memref<8x128xf32, #tpu.memory_space<hbm>>)
        tpu.yield
      }) : () -> ()
    } else {
    }
    return
  }
}

#map = affine_map<(d0, d1) -> (0, 0, 0)>
#map1 = affine_map<(d0, d1) -> (0, 0)>
module attributes {stable_mosaic.version = 14 : i64} {
  func.func @_agg_kernel(%arg0: i32, %arg1: i32, %arg2: memref<2x10000x128xf32, #tpu.memory_space<hbm>>, %arg3: memref<16x80x125xi32, #tpu.memory_space<hbm>>, %arg4: memref<16x80x125xi32, #tpu.memory_space<hbm>>, %arg5: memref<125x128xf32, #tpu.memory_space<hbm>>, %arg6: memref<2x10000x128xf32, #tpu.memory_space<hbm>>, %arg7: memref<10000x128xf32, #tpu.memory_space<vmem_shared>>, %arg8: memref<80x125xi32, #tpu.memory_space<vmem>>, %arg9: memref<125xi32, #tpu.memory_space<vmem>>, %arg10: memref<125xi32, #tpu.memory_space<vmem>>, %arg11: memref<125x128xf32, #tpu.memory_space<vmem>>, %arg12: memref<125x128xf32, #tpu.memory_space<vmem>>, %arg13: memref<!tpu.dma_semaphore, #tpu.memory_space<semaphore_mem>>, %arg14: memref<!tpu.dma_semaphore, #tpu.memory_space<semaphore_mem>>) attributes {dimension_semantics = [#tpu.dimension_semantics<core_parallel>, #tpu.dimension_semantics<subcore_parallel>], iteration_bounds = array<i64: 2, 16>, scalar_prefetch = 0 : i64, scratch_operands = 8 : i64, tpu.core_type = #tpu.core_type<sc_vector_subcore>, window_params = [{transform_indices = #map}, {transform_indices = #map}, {transform_indices = #map}, {transform_indices = #map1}, {transform_indices = #map}]} {
    "tpu.region"() ({
      %run_scoped3A = tpu.sem_alloc : memref<!tpu.dma_semaphore, #tpu.memory_space<semaphore_mem>>
      %dma_start3A_36 = arith.constant 0 : i32
      %dma_start3A_37 = arith.constant 0 : i32
      %dma_start3A_38 = tpu.memref_slice %arg3[%arg1, %dma_start3A_36, %dma_start3A_37] : memref<16x80x125xi32, #tpu.memory_space<hbm>> -> memref<1x80x125xi32, #tpu.memory_space<hbm>>
      %dma_start3A_39 = tpu.memref_squeeze %dma_start3A_38 : memref<1x80x125xi32, #tpu.memory_space<hbm>> -> memref<80x125xi32, #tpu.memory_space<hbm>>
      %dma_start3A_40 = arith.constant 0 : i32
      %dma_start3A_41 = arith.constant 0 : i32
      %dma_start3A_42 = tpu.memref_slice %arg3[%arg1, %dma_start3A_40, %dma_start3A_41] : memref<16x80x125xi32, #tpu.memory_space<hbm>> -> memref<1x80x125xi32, #tpu.memory_space<hbm>>
      %dma_start3A_43 = tpu.memref_squeeze %dma_start3A_42 : memref<1x80x125xi32, #tpu.memory_space<hbm>> -> memref<80x125xi32, #tpu.memory_space<hbm>>
      tpu.enqueue_dma source(%dma_start3A_43 : memref<80x125xi32, #tpu.memory_space<hbm>>) target(%arg8 : memref<80x125xi32, #tpu.memory_space<vmem>>) target_semaphore(%run_scoped3A : memref<!tpu.dma_semaphore, #tpu.memory_space<semaphore_mem>>)
      %dma_wait3A = arith.constant 0 : i32
      %dma_wait3A_44 = arith.constant 0 : i32
      %dma_wait3A_45 = tpu.memref_slice %arg3[%arg1, %dma_wait3A, %dma_wait3A_44] : memref<16x80x125xi32, #tpu.memory_space<hbm>> -> memref<1x80x125xi32, #tpu.memory_space<hbm>>
      %dma_wait3A_46 = tpu.memref_squeeze %dma_wait3A_45 : memref<1x80x125xi32, #tpu.memory_space<hbm>> -> memref<80x125xi32, #tpu.memory_space<hbm>>
      %dma_wait3A_47 = arith.constant 0 : i32
      %dma_wait3A_48 = arith.constant 0 : i32
      %dma_wait3A_49 = tpu.memref_slice %arg3[%arg1, %dma_wait3A_47, %dma_wait3A_48] : memref<16x80x125xi32, #tpu.memory_space<hbm>> -> memref<1x80x125xi32, #tpu.memory_space<hbm>>
      %dma_wait3A_50 = tpu.memref_squeeze %dma_wait3A_49 : memref<1x80x125xi32, #tpu.memory_space<hbm>> -> memref<80x125xi32, #tpu.memory_space<hbm>>
      tpu.wait_dma2 semaphore(%run_scoped3A : memref<!tpu.dma_semaphore, #tpu.memory_space<semaphore_mem>>) src(%dma_wait3A_50 : memref<80x125xi32, #tpu.memory_space<hbm>>) dst(%arg8 : memref<80x125xi32, #tpu.memory_space<vmem>>)
      tpu.yield
    }) : () -> ()
    %mul3A = arith.constant 624 : i32
    %mul3A_0 = arith.muli %arg1, %mul3A : i32
    "tpu.region"() ({
      %run_scoped3A = tpu.sem_alloc : memref<!tpu.dma_semaphore, #tpu.memory_space<semaphore_mem>>
      %dma_start3A_36 = arith.constant 0 : i32
      %dma_start3A_37 = tpu.memref_slice %arg7[%mul3A_0, %dma_start3A_36] : memref<10000x128xf32, #tpu.memory_space<vmem_shared>> -> memref<624x128xf32, #tpu.memory_space<vmem_shared>>
      %dma_start3A_38 = arith.constant 0 : i32
      %dma_start3A_39 = arith.constant 0 : i32
      %dma_start3A_40 = tpu.memref_slice %arg2[%arg0, %dma_start3A_38, %dma_start3A_39] : memref<2x10000x128xf32, #tpu.memory_space<hbm>> -> memref<1x10000x128xf32, #tpu.memory_space<hbm>>
      %dma_start3A_41 = tpu.memref_squeeze %dma_start3A_40 : memref<1x10000x128xf32, #tpu.memory_space<hbm>> -> memref<10000x128xf32, #tpu.memory_space<hbm>>
      %dma_start3A_42 = arith.constant 0 : i32
      %dma_start3A_43 = tpu.memref_slice %dma_start3A_41[%mul3A_0, %dma_start3A_42] : memref<10000x128xf32, #tpu.memory_space<hbm>> -> memref<624x128xf32, #tpu.memory_space<hbm>>
      tpu.enqueue_dma source(%dma_start3A_43 : memref<624x128xf32, #tpu.memory_space<hbm>>) target(%dma_start3A_37 : memref<624x128xf32, #tpu.memory_space<vmem_shared>>) target_semaphore(%run_scoped3A : memref<!tpu.dma_semaphore, #tpu.memory_space<semaphore_mem>>)
      %dma_wait3A = arith.constant 0 : i32
      %dma_wait3A_44 = tpu.memref_slice %arg7[%mul3A_0, %dma_wait3A] : memref<10000x128xf32, #tpu.memory_space<vmem_shared>> -> memref<624x128xf32, #tpu.memory_space<vmem_shared>>
      %dma_wait3A_45 = arith.constant 0 : i32
      %dma_wait3A_46 = arith.constant 0 : i32
      %dma_wait3A_47 = tpu.memref_slice %arg2[%arg0, %dma_wait3A_45, %dma_wait3A_46] : memref<2x10000x128xf32, #tpu.memory_space<hbm>> -> memref<1x10000x128xf32, #tpu.memory_space<hbm>>
      %dma_wait3A_48 = tpu.memref_squeeze %dma_wait3A_47 : memref<1x10000x128xf32, #tpu.memory_space<hbm>> -> memref<10000x128xf32, #tpu.memory_space<hbm>>
      %dma_wait3A_49 = arith.constant 0 : i32
      %dma_wait3A_50 = tpu.memref_slice %dma_wait3A_48[%mul3A_0, %dma_wait3A_49] : memref<10000x128xf32, #tpu.memory_space<hbm>> -> memref<624x128xf32, #tpu.memory_space<hbm>>
      tpu.wait_dma2 semaphore(%run_scoped3A : memref<!tpu.dma_semaphore, #tpu.memory_space<semaphore_mem>>) src(%dma_wait3A_50 : memref<624x128xf32, #tpu.memory_space<hbm>>) dst(%dma_wait3A_44 : memref<624x128xf32, #tpu.memory_space<vmem_shared>>)
      tpu.yield
    }) : () -> ()
    %eq3A = arith.constant 0 : i32
    %eq3A_1 = arith.cmpi eq, %arg1, %eq3A : i32
    %convert_element_type3A = arith.extui %eq3A_1 : i1 to i32
    %cond3A = arith.constant 0 : i32
    %cond3A_2 = arith.cmpi ne, %convert_element_type3A, %cond3A : i32
    scf.if %cond3A_2 {
      "tpu.region"() ({
        %run_scoped3A = tpu.sem_alloc : memref<!tpu.dma_semaphore, #tpu.memory_space<semaphore_mem>>
        %dma_start3A_36 = arith.constant 9984 : i32
        %dma_start3A_37 = arith.constant 0 : i32
        %dma_start3A_38 = tpu.memref_slice %arg7[%dma_start3A_36, %dma_start3A_37] : memref<10000x128xf32, #tpu.memory_space<vmem_shared>> -> memref<8x128xf32, #tpu.memory_space<vmem_shared>>
        %dma_start3A_39 = arith.constant 0 : i32
        %dma_start3A_40 = arith.constant 0 : i32
        %dma_start3A_41 = tpu.memref_slice %arg2[%arg0, %dma_start3A_39, %dma_start3A_40] : memref<2x10000x128xf32, #tpu.memory_space<hbm>> -> memref<1x10000x128xf32, #tpu.memory_space<hbm>>
        %dma_start3A_42 = tpu.memref_squeeze %dma_start3A_41 : memref<1x10000x128xf32, #tpu.memory_space<hbm>> -> memref<10000x128xf32, #tpu.memory_space<hbm>>
        %dma_start3A_43 = arith.constant 9984 : i32
        %dma_start3A_44 = arith.constant 0 : i32
        %dma_start3A_45 = tpu.memref_slice %dma_start3A_42[%dma_start3A_43, %dma_start3A_44] : memref<10000x128xf32, #tpu.memory_space<hbm>> -> memref<8x128xf32, #tpu.memory_space<hbm>>
        tpu.enqueue_dma source(%dma_start3A_45 : memref<8x128xf32, #tpu.memory_space<hbm>>) target(%dma_start3A_38 : memref<8x128xf32, #tpu.memory_space<vmem_shared>>) target_semaphore(%run_scoped3A : memref<!tpu.dma_semaphore, #tpu.memory_space<semaphore_mem>>)
        %dma_wait3A = arith.constant 9984 : i32
        %dma_wait3A_46 = arith.constant 0 : i32
        %dma_wait3A_47 = tpu.memref_slice %arg7[%dma_wait3A, %dma_wait3A_46] : memref<10000x128xf32, #tpu.memory_space<vmem_shared>> -> memref<8x128xf32, #tpu.memory_space<vmem_shared>>
        %dma_wait3A_48 = arith.constant 0 : i32
        %dma_wait3A_49 = arith.constant 0 : i32
        %dma_wait3A_50 = tpu.memref_slice %arg2[%arg0, %dma_wait3A_48, %dma_wait3A_49] : memref<2x10000x128xf32, #tpu.memory_space<hbm>> -> memref<1x10000x128xf32, #tpu.memory_space<hbm>>
        %dma_wait3A_51 = tpu.memref_squeeze %dma_wait3A_50 : memref<1x10000x128xf32, #tpu.memory_space<hbm>> -> memref<10000x128xf32, #tpu.memory_space<hbm>>
        %dma_wait3A_52 = arith.constant 9984 : i32
        %dma_wait3A_53 = arith.constant 0 : i32
        %dma_wait3A_54 = tpu.memref_slice %dma_wait3A_51[%dma_wait3A_52, %dma_wait3A_53] : memref<10000x128xf32, #tpu.memory_space<hbm>> -> memref<8x128xf32, #tpu.memory_space<hbm>>
        tpu.wait_dma2 semaphore(%run_scoped3A : memref<!tpu.dma_semaphore, #tpu.memory_space<semaphore_mem>>) src(%dma_wait3A_54 : memref<8x128xf32, #tpu.memory_space<hbm>>) dst(%dma_wait3A_47 : memref<8x128xf32, #tpu.memory_space<vmem_shared>>)
        tpu.yield
      }) : () -> ()
    } else {
    }
    %eq3A_3 = arith.constant 1 : i32
    %eq3A_4 = arith.cmpi eq, %arg1, %eq3A_3 : i32
    %convert_element_type3A_5 = arith.extui %eq3A_4 : i1 to i32
    %cond3A_6 = arith.constant 0 : i32
    %cond3A_7 = arith.cmpi ne, %convert_element_type3A_5, %cond3A_6 : i32
    scf.if %cond3A_7 {
      "tpu.region"() ({
        %run_scoped3A = tpu.sem_alloc : memref<!tpu.dma_semaphore, #tpu.memory_space<semaphore_mem>>
        %dma_start3A_36 = arith.constant 9992 : i32
        %dma_start3A_37 = arith.constant 0 : i32
        %dma_start3A_38 = tpu.memref_slice %arg7[%dma_start3A_36, %dma_start3A_37] : memref<10000x128xf32, #tpu.memory_space<vmem_shared>> -> memref<8x128xf32, #tpu.memory_space<vmem_shared>>
        %dma_start3A_39 = arith.constant 0 : i32
        %dma_start3A_40 = arith.constant 0 : i32
        %dma_start3A_41 = tpu.memref_slice %arg2[%arg0, %dma_start3A_39, %dma_start3A_40] : memref<2x10000x128xf32, #tpu.memory_space<hbm>> -> memref<1x10000x128xf32, #tpu.memory_space<hbm>>
        %dma_start3A_42 = tpu.memref_squeeze %dma_start3A_41 : memref<1x10000x128xf32, #tpu.memory_space<hbm>> -> memref<10000x128xf32, #tpu.memory_space<hbm>>
        %dma_start3A_43 = arith.constant 9992 : i32
        %dma_start3A_44 = arith.constant 0 : i32
        %dma_start3A_45 = tpu.memref_slice %dma_start3A_42[%dma_start3A_43, %dma_start3A_44] : memref<10000x128xf32, #tpu.memory_space<hbm>> -> memref<8x128xf32, #tpu.memory_space<hbm>>
        tpu.enqueue_dma source(%dma_start3A_45 : memref<8x128xf32, #tpu.memory_space<hbm>>) target(%dma_start3A_38 : memref<8x128xf32, #tpu.memory_space<vmem_shared>>) target_semaphore(%run_scoped3A : memref<!tpu.dma_semaphore, #tpu.memory_space<semaphore_mem>>)
        %dma_wait3A = arith.constant 9992 : i32
        %dma_wait3A_46 = arith.constant 0 : i32
        %dma_wait3A_47 = tpu.memref_slice %arg7[%dma_wait3A, %dma_wait3A_46] : memref<10000x128xf32, #tpu.memory_space<vmem_shared>> -> memref<8x128xf32, #tpu.memory_space<vmem_shared>>
        %dma_wait3A_48 = arith.constant 0 : i32
        %dma_wait3A_49 = arith.constant 0 : i32
        %dma_wait3A_50 = tpu.memref_slice %arg2[%arg0, %dma_wait3A_48, %dma_wait3A_49] : memref<2x10000x128xf32, #tpu.memory_space<hbm>> -> memref<1x10000x128xf32, #tpu.memory_space<hbm>>
        %dma_wait3A_51 = tpu.memref_squeeze %dma_wait3A_50 : memref<1x10000x128xf32, #tpu.memory_space<hbm>> -> memref<10000x128xf32, #tpu.memory_space<hbm>>
        %dma_wait3A_52 = arith.constant 9992 : i32
        %dma_wait3A_53 = arith.constant 0 : i32
        %dma_wait3A_54 = tpu.memref_slice %dma_wait3A_51[%dma_wait3A_52, %dma_wait3A_53] : memref<10000x128xf32, #tpu.memory_space<hbm>> -> memref<8x128xf32, #tpu.memory_space<hbm>>
        tpu.wait_dma2 semaphore(%run_scoped3A : memref<!tpu.dma_semaphore, #tpu.memory_space<semaphore_mem>>) src(%dma_wait3A_54 : memref<8x128xf32, #tpu.memory_space<hbm>>) dst(%dma_wait3A_47 : memref<8x128xf32, #tpu.memory_space<vmem_shared>>)
        tpu.yield
      }) : () -> ()
    } else {
    }
    %barrier3A = arith.constant 0 : index
    tpu.barrier barrier_id(%barrier3A)
    %dma_start3A = arith.constant 0 : i32
    %dma_start3A_8 = arith.constant 0 : i32
    %dma_start3A_9 = tpu.memref_slice %arg8[%dma_start3A, %dma_start3A_8] : memref<80x125xi32, #tpu.memory_space<vmem>> -> memref<1x125xi32, #tpu.memory_space<vmem>>
    %dma_start3A_10 = tpu.memref_squeeze %dma_start3A_9 : memref<1x125xi32, #tpu.memory_space<vmem>> -> memref<125xi32, #tpu.memory_space<vmem>>
    %dma_start3A_11 = arith.constant 0 : i32
    %dma_start3A_12 = arith.constant 0 : i32
    %dma_start3A_13 = tpu.memref_slice %arg2[%arg0, %dma_start3A_11, %dma_start3A_12] : memref<2x10000x128xf32, #tpu.memory_space<hbm>> -> memref<1x10000x128xf32, #tpu.memory_space<hbm>>
    %dma_start3A_14 = tpu.memref_squeeze %dma_start3A_13 : memref<1x10000x128xf32, #tpu.memory_space<hbm>> -> memref<10000x128xf32, #tpu.memory_space<hbm>>
    %dma_start3A_15 = arith.constant 0 : i32
    %dma_start3A_16 = arith.constant 0 : i32
    %dma_start3A_17 = tpu.memref_slice %dma_start3A_14[%dma_start3A_15, %dma_start3A_16] : memref<10000x128xf32, #tpu.memory_space<hbm>> -> memref<10000x128xf32, #tpu.memory_space<hbm>>
    tpu.enqueue_indirect_dma source(%dma_start3A_17 : memref<10000x128xf32, #tpu.memory_space<hbm>>) target(%arg11 : memref<125x128xf32, #tpu.memory_space<vmem>>) offsets(%dma_start3A_10 : memref<125xi32, #tpu.memory_space<vmem>>) semaphore(%arg13 : memref<!tpu.dma_semaphore, #tpu.memory_space<semaphore_mem>>)
    %scan3A = arith.constant 0 : i32
    %scan3A_18 = arith.constant 0 : i32
    %scan3A_19 = arith.constant 40 : i32
    %scan3A_20 = arith.addi %scan3A_18, %scan3A_19 : i32
    %scan3A_21 = arith.constant 1 : i32
    scf.for %scan3A_36 = %scan3A_18 to %scan3A_20 step %scan3A_21  : i32 {
      %mul3A_37 = arith.constant 2 : i32
      %mul3A_38 = arith.muli %mul3A_37, %scan3A_36 : i32
      %add3A = arith.constant 2 : i32
      %add3A_39 = arith.addi %mul3A_38, %add3A : i32
      %min3A = arith.constant 79 : i32
      %min3A_40 = arith.minsi %add3A_39, %min3A : i32
      %add3A_41 = arith.constant 1 : i32
      %add3A_42 = arith.addi %mul3A_38, %add3A_41 : i32
      %dma_start3A_43 = arith.constant 0 : i32
      %dma_start3A_44 = tpu.memref_slice %arg8[%add3A_42, %dma_start3A_43] : memref<80x125xi32, #tpu.memory_space<vmem>> -> memref<1x125xi32, #tpu.memory_space<vmem>>
      %dma_start3A_45 = tpu.memref_squeeze %dma_start3A_44 : memref<1x125xi32, #tpu.memory_space<vmem>> -> memref<125xi32, #tpu.memory_space<vmem>>
      %dma_start3A_46 = arith.constant 0 : i32
      %dma_start3A_47 = arith.constant 0 : i32
      %dma_start3A_48 = tpu.memref_slice %arg2[%arg0, %dma_start3A_46, %dma_start3A_47] : memref<2x10000x128xf32, #tpu.memory_space<hbm>> -> memref<1x10000x128xf32, #tpu.memory_space<hbm>>
      %dma_start3A_49 = tpu.memref_squeeze %dma_start3A_48 : memref<1x10000x128xf32, #tpu.memory_space<hbm>> -> memref<10000x128xf32, #tpu.memory_space<hbm>>
      %dma_start3A_50 = arith.constant 0 : i32
      %dma_start3A_51 = arith.constant 0 : i32
      %dma_start3A_52 = tpu.memref_slice %dma_start3A_49[%dma_start3A_50, %dma_start3A_51] : memref<10000x128xf32, #tpu.memory_space<hbm>> -> memref<10000x128xf32, #tpu.memory_space<hbm>>
      tpu.enqueue_indirect_dma source(%dma_start3A_52 : memref<10000x128xf32, #tpu.memory_space<hbm>>) target(%arg12 : memref<125x128xf32, #tpu.memory_space<vmem>>) offsets(%dma_start3A_45 : memref<125xi32, #tpu.memory_space<vmem>>) semaphore(%arg14 : memref<!tpu.dma_semaphore, #tpu.memory_space<semaphore_mem>>)
      "tpu.region"() ({
        %run_scoped3A = tpu.sem_alloc : memref<!tpu.dma_semaphore, #tpu.memory_space<semaphore_mem>>
        %dma_start3A_65 = arith.constant 0 : i32
        %dma_start3A_66 = tpu.memref_slice %arg4[%arg1, %mul3A_38, %dma_start3A_65] : memref<16x80x125xi32, #tpu.memory_space<hbm>> -> memref<1x1x125xi32, #tpu.memory_space<hbm>>
        %dma_start3A_67 = tpu.memref_squeeze %dma_start3A_66 : memref<1x1x125xi32, #tpu.memory_space<hbm>> -> memref<125xi32, #tpu.memory_space<hbm>>
        %dma_start3A_68 = arith.constant 0 : i32
        %dma_start3A_69 = tpu.memref_slice %arg4[%arg1, %mul3A_38, %dma_start3A_68] : memref<16x80x125xi32, #tpu.memory_space<hbm>> -> memref<1x1x125xi32, #tpu.memory_space<hbm>>
        %dma_start3A_70 = tpu.memref_squeeze %dma_start3A_69 : memref<1x1x125xi32, #tpu.memory_space<hbm>> -> memref<125xi32, #tpu.memory_space<hbm>>
        tpu.enqueue_dma source(%dma_start3A_70 : memref<125xi32, #tpu.memory_space<hbm>>) target(%arg9 : memref<125xi32, #tpu.memory_space<vmem>>) target_semaphore(%run_scoped3A : memref<!tpu.dma_semaphore, #tpu.memory_space<semaphore_mem>>)
        %dma_wait3A = arith.constant 0 : i32
        %dma_wait3A_71 = tpu.memref_slice %arg4[%arg1, %mul3A_38, %dma_wait3A] : memref<16x80x125xi32, #tpu.memory_space<hbm>> -> memref<1x1x125xi32, #tpu.memory_space<hbm>>
        %dma_wait3A_72 = tpu.memref_squeeze %dma_wait3A_71 : memref<1x1x125xi32, #tpu.memory_space<hbm>> -> memref<125xi32, #tpu.memory_space<hbm>>
        %dma_wait3A_73 = arith.constant 0 : i32
        %dma_wait3A_74 = tpu.memref_slice %arg4[%arg1, %mul3A_38, %dma_wait3A_73] : memref<16x80x125xi32, #tpu.memory_space<hbm>> -> memref<1x1x125xi32, #tpu.memory_space<hbm>>
        %dma_wait3A_75 = tpu.memref_squeeze %dma_wait3A_74 : memref<1x1x125xi32, #tpu.memory_space<hbm>> -> memref<125xi32, #tpu.memory_space<hbm>>
        tpu.wait_dma2 semaphore(%run_scoped3A : memref<!tpu.dma_semaphore, #tpu.memory_space<semaphore_mem>>) src(%dma_wait3A_75 : memref<125xi32, #tpu.memory_space<hbm>>) dst(%arg9 : memref<125xi32, #tpu.memory_space<vmem>>)
        tpu.yield
      }) : () -> ()
      tpu.wait_dma2 semaphore(%arg13 : memref<!tpu.dma_semaphore, #tpu.memory_space<semaphore_mem>>) src(%arg5 : memref<125x128xf32, #tpu.memory_space<hbm>>) dst(%arg11 : memref<125x128xf32, #tpu.memory_space<vmem>>)
      "tpu.region"() ({
        %run_scoped3A = tpu.sem_alloc : memref<!tpu.dma_semaphore, #tpu.memory_space<semaphore_mem>>
        %dma_start3A_65 = arith.constant 0 : i32
        %dma_start3A_66 = arith.constant 0 : i32
        %dma_start3A_67 = tpu.memref_slice %arg7[%dma_start3A_65, %dma_start3A_66] : memref<10000x128xf32, #tpu.memory_space<vmem_shared>> -> memref<10000x128xf32, #tpu.memory_space<vmem_shared>>
        tpu.enqueue_indirect_dma source(%arg11 : memref<125x128xf32, #tpu.memory_space<vmem>>) target(%dma_start3A_67 : memref<10000x128xf32, #tpu.memory_space<vmem_shared>>) offsets(%arg9 : memref<125xi32, #tpu.memory_space<vmem>>) semaphore(%run_scoped3A : memref<!tpu.dma_semaphore, #tpu.memory_space<semaphore_mem>>) {add = true}
        %dma_wait3A = arith.constant 0 : i32
        %dma_wait3A_68 = arith.constant 0 : i32
        %dma_wait3A_69 = tpu.memref_slice %arg7[%dma_wait3A, %dma_wait3A_68] : memref<10000x128xf32, #tpu.memory_space<vmem_shared>> -> memref<10000x128xf32, #tpu.memory_space<vmem_shared>>
        tpu.wait_indirect_dma semaphore(%run_scoped3A : memref<!tpu.dma_semaphore, #tpu.memory_space<semaphore_mem>>) src(%arg11 : memref<125x128xf32, #tpu.memory_space<vmem>>) dst(%dma_wait3A_69 : memref<10000x128xf32, #tpu.memory_space<vmem_shared>>)
        tpu.yield
      }) : () -> ()
      %dma_start3A_53 = arith.constant 0 : i32
      %dma_start3A_54 = tpu.memref_slice %arg8[%min3A_40, %dma_start3A_53] : memref<80x125xi32, #tpu.memory_space<vmem>> -> memref<1x125xi32, #tpu.memory_space<vmem>>
      %dma_start3A_55 = tpu.memref_squeeze %dma_start3A_54 : memref<1x125xi32, #tpu.memory_space<vmem>> -> memref<125xi32, #tpu.memory_space<vmem>>
      %dma_start3A_56 = arith.constant 0 : i32
      %dma_start3A_57 = arith.constant 0 : i32
      %dma_start3A_58 = tpu.memref_slice %arg2[%arg0, %dma_start3A_56, %dma_start3A_57] : memref<2x10000x128xf32, #tpu.memory_space<hbm>> -> memref<1x10000x128xf32, #tpu.memory_space<hbm>>
      %dma_start3A_59 = tpu.memref_squeeze %dma_start3A_58 : memref<1x10000x128xf32, #tpu.memory_space<hbm>> -> memref<10000x128xf32, #tpu.memory_space<hbm>>
      %dma_start3A_60 = arith.constant 0 : i32
      %dma_start3A_61 = arith.constant 0 : i32
      %dma_start3A_62 = tpu.memref_slice %dma_start3A_59[%dma_start3A_60, %dma_start3A_61] : memref<10000x128xf32, #tpu.memory_space<hbm>> -> memref<10000x128xf32, #tpu.memory_space<hbm>>
      tpu.enqueue_indirect_dma source(%dma_start3A_62 : memref<10000x128xf32, #tpu.memory_space<hbm>>) target(%arg11 : memref<125x128xf32, #tpu.memory_space<vmem>>) offsets(%dma_start3A_55 : memref<125xi32, #tpu.memory_space<vmem>>) semaphore(%arg13 : memref<!tpu.dma_semaphore, #tpu.memory_space<semaphore_mem>>)
      %add3A_63 = arith.constant 1 : i32
      %add3A_64 = arith.addi %mul3A_38, %add3A_63 : i32
      "tpu.region"() ({
        %run_scoped3A = tpu.sem_alloc : memref<!tpu.dma_semaphore, #tpu.memory_space<semaphore_mem>>
        %dma_start3A_65 = arith.constant 0 : i32
        %dma_start3A_66 = tpu.memref_slice %arg4[%arg1, %add3A_64, %dma_start3A_65] : memref<16x80x125xi32, #tpu.memory_space<hbm>> -> memref<1x1x125xi32, #tpu.memory_space<hbm>>
        %dma_start3A_67 = tpu.memref_squeeze %dma_start3A_66 : memref<1x1x125xi32, #tpu.memory_space<hbm>> -> memref<125xi32, #tpu.memory_space<hbm>>
        %dma_start3A_68 = arith.constant 0 : i32
        %dma_start3A_69 = tpu.memref_slice %arg4[%arg1, %add3A_64, %dma_start3A_68] : memref<16x80x125xi32, #tpu.memory_space<hbm>> -> memref<1x1x125xi32, #tpu.memory_space<hbm>>
        %dma_start3A_70 = tpu.memref_squeeze %dma_start3A_69 : memref<1x1x125xi32, #tpu.memory_space<hbm>> -> memref<125xi32, #tpu.memory_space<hbm>>
        tpu.enqueue_dma source(%dma_start3A_70 : memref<125xi32, #tpu.memory_space<hbm>>) target(%arg10 : memref<125xi32, #tpu.memory_space<vmem>>) target_semaphore(%run_scoped3A : memref<!tpu.dma_semaphore, #tpu.memory_space<semaphore_mem>>)
        %dma_wait3A = arith.constant 0 : i32
        %dma_wait3A_71 = tpu.memref_slice %arg4[%arg1, %add3A_64, %dma_wait3A] : memref<16x80x125xi32, #tpu.memory_space<hbm>> -> memref<1x1x125xi32, #tpu.memory_space<hbm>>
        %dma_wait3A_72 = tpu.memref_squeeze %dma_wait3A_71 : memref<1x1x125xi32, #tpu.memory_space<hbm>> -> memref<125xi32, #tpu.memory_space<hbm>>
        %dma_wait3A_73 = arith.constant 0 : i32
        %dma_wait3A_74 = tpu.memref_slice %arg4[%arg1, %add3A_64, %dma_wait3A_73] : memref<16x80x125xi32, #tpu.memory_space<hbm>> -> memref<1x1x125xi32, #tpu.memory_space<hbm>>
        %dma_wait3A_75 = tpu.memref_squeeze %dma_wait3A_74 : memref<1x1x125xi32, #tpu.memory_space<hbm>> -> memref<125xi32, #tpu.memory_space<hbm>>
        tpu.wait_dma2 semaphore(%run_scoped3A : memref<!tpu.dma_semaphore, #tpu.memory_space<semaphore_mem>>) src(%dma_wait3A_75 : memref<125xi32, #tpu.memory_space<hbm>>) dst(%arg10 : memref<125xi32, #tpu.memory_space<vmem>>)
        tpu.yield
      }) : () -> ()
      tpu.wait_dma2 semaphore(%arg14 : memref<!tpu.dma_semaphore, #tpu.memory_space<semaphore_mem>>) src(%arg5 : memref<125x128xf32, #tpu.memory_space<hbm>>) dst(%arg12 : memref<125x128xf32, #tpu.memory_space<vmem>>)
      "tpu.region"() ({
        %run_scoped3A = tpu.sem_alloc : memref<!tpu.dma_semaphore, #tpu.memory_space<semaphore_mem>>
        %dma_start3A_65 = arith.constant 0 : i32
        %dma_start3A_66 = arith.constant 0 : i32
        %dma_start3A_67 = tpu.memref_slice %arg7[%dma_start3A_65, %dma_start3A_66] : memref<10000x128xf32, #tpu.memory_space<vmem_shared>> -> memref<10000x128xf32, #tpu.memory_space<vmem_shared>>
        tpu.enqueue_indirect_dma source(%arg12 : memref<125x128xf32, #tpu.memory_space<vmem>>) target(%dma_start3A_67 : memref<10000x128xf32, #tpu.memory_space<vmem_shared>>) offsets(%arg10 : memref<125xi32, #tpu.memory_space<vmem>>) semaphore(%run_scoped3A : memref<!tpu.dma_semaphore, #tpu.memory_space<semaphore_mem>>) {add = true}
        %dma_wait3A = arith.constant 0 : i32
        %dma_wait3A_68 = arith.constant 0 : i32
        %dma_wait3A_69 = tpu.memref_slice %arg7[%dma_wait3A, %dma_wait3A_68] : memref<10000x128xf32, #tpu.memory_space<vmem_shared>> -> memref<10000x128xf32, #tpu.memory_space<vmem_shared>>
        tpu.wait_indirect_dma semaphore(%run_scoped3A : memref<!tpu.dma_semaphore, #tpu.memory_space<semaphore_mem>>) src(%arg12 : memref<125x128xf32, #tpu.memory_space<vmem>>) dst(%dma_wait3A_69 : memref<10000x128xf32, #tpu.memory_space<vmem_shared>>)
        tpu.yield
      }) : () -> ()
    }
    %scan3A_22 = arith.constant 40 : i32
    tpu.wait_dma2 semaphore(%arg13 : memref<!tpu.dma_semaphore, #tpu.memory_space<semaphore_mem>>) src(%arg5 : memref<125x128xf32, #tpu.memory_space<hbm>>) dst(%arg11 : memref<125x128xf32, #tpu.memory_space<vmem>>)
    %barrier3A_23 = arith.constant 0 : index
    tpu.barrier barrier_id(%barrier3A_23)
    %mul3A_24 = arith.constant 624 : i32
    %mul3A_25 = arith.muli %arg1, %mul3A_24 : i32
    "tpu.region"() ({
      %run_scoped3A = tpu.sem_alloc : memref<!tpu.dma_semaphore, #tpu.memory_space<semaphore_mem>>
      %dma_start3A_36 = arith.constant 0 : i32
      %dma_start3A_37 = arith.constant 0 : i32
      %dma_start3A_38 = tpu.memref_slice %arg6[%arg0, %dma_start3A_36, %dma_start3A_37] : memref<2x10000x128xf32, #tpu.memory_space<hbm>> -> memref<1x10000x128xf32, #tpu.memory_space<hbm>>
      %dma_start3A_39 = tpu.memref_squeeze %dma_start3A_38 : memref<1x10000x128xf32, #tpu.memory_space<hbm>> -> memref<10000x128xf32, #tpu.memory_space<hbm>>
      %dma_start3A_40 = arith.constant 0 : i32
      %dma_start3A_41 = tpu.memref_slice %dma_start3A_39[%mul3A_25, %dma_start3A_40] : memref<10000x128xf32, #tpu.memory_space<hbm>> -> memref<624x128xf32, #tpu.memory_space<hbm>>
      %dma_start3A_42 = arith.constant 0 : i32
      %dma_start3A_43 = tpu.memref_slice %arg7[%mul3A_25, %dma_start3A_42] : memref<10000x128xf32, #tpu.memory_space<vmem_shared>> -> memref<624x128xf32, #tpu.memory_space<vmem_shared>>
      tpu.enqueue_dma source(%dma_start3A_43 : memref<624x128xf32, #tpu.memory_space<vmem_shared>>) target(%dma_start3A_41 : memref<624x128xf32, #tpu.memory_space<hbm>>) target_semaphore(%run_scoped3A : memref<!tpu.dma_semaphore, #tpu.memory_space<semaphore_mem>>)
      %dma_wait3A = arith.constant 0 : i32
      %dma_wait3A_44 = arith.constant 0 : i32
      %dma_wait3A_45 = tpu.memref_slice %arg6[%arg0, %dma_wait3A, %dma_wait3A_44] : memref<2x10000x128xf32, #tpu.memory_space<hbm>> -> memref<1x10000x128xf32, #tpu.memory_space<hbm>>
      %dma_wait3A_46 = tpu.memref_squeeze %dma_wait3A_45 : memref<1x10000x128xf32, #tpu.memory_space<hbm>> -> memref<10000x128xf32, #tpu.memory_space<hbm>>
      %dma_wait3A_47 = arith.constant 0 : i32
      %dma_wait3A_48 = tpu.memref_slice %dma_wait3A_46[%mul3A_25, %dma_wait3A_47] : memref<10000x128xf32, #tpu.memory_space<hbm>> -> memref<624x128xf32, #tpu.memory_space<hbm>>
      %dma_wait3A_49 = arith.constant 0 : i32
      %dma_wait3A_50 = tpu.memref_slice %arg7[%mul3A_25, %dma_wait3A_49] : memref<10000x128xf32, #tpu.memory_space<vmem_shared>> -> memref<624x128xf32, #tpu.memory_space<vmem_shared>>
      tpu.wait_dma2 semaphore(%run_scoped3A : memref<!tpu.dma_semaphore, #tpu.memory_space<semaphore_mem>>) src(%dma_wait3A_50 : memref<624x128xf32, #tpu.memory_space<vmem_shared>>) dst(%dma_wait3A_48 : memref<624x128xf32, #tpu.memory_space<hbm>>)
      tpu.yield
    }) : () -> ()
    %eq3A_26 = arith.constant 0 : i32
    %eq3A_27 = arith.cmpi eq, %arg1, %eq3A_26 : i32
    %convert_element_type3A_28 = arith.extui %eq3A_27 : i1 to i32
    %cond3A_29 = arith.constant 0 : i32
    %cond3A_30 = arith.cmpi ne, %convert_element_type3A_28, %cond3A_29 : i32
    scf.if %cond3A_30 {
      "tpu.region"() ({
        %run_scoped3A = tpu.sem_alloc : memref<!tpu.dma_semaphore, #tpu.memory_space<semaphore_mem>>
        %dma_start3A_36 = arith.constant 0 : i32
        %dma_start3A_37 = arith.constant 0 : i32
        %dma_start3A_38 = tpu.memref_slice %arg6[%arg0, %dma_start3A_36, %dma_start3A_37] : memref<2x10000x128xf32, #tpu.memory_space<hbm>> -> memref<1x10000x128xf32, #tpu.memory_space<hbm>>
        %dma_start3A_39 = tpu.memref_squeeze %dma_start3A_38 : memref<1x10000x128xf32, #tpu.memory_space<hbm>> -> memref<10000x128xf32, #tpu.memory_space<hbm>>
        %dma_start3A_40 = arith.constant 9984 : i32
        %dma_start3A_41 = arith.constant 0 : i32
        %dma_start3A_42 = tpu.memref_slice %dma_start3A_39[%dma_start3A_40, %dma_start3A_41] : memref<10000x128xf32, #tpu.memory_space<hbm>> -> memref<8x128xf32, #tpu.memory_space<hbm>>
        %dma_start3A_43 = arith.constant 9984 : i32
        %dma_start3A_44 = arith.constant 0 : i32
        %dma_start3A_45 = tpu.memref_slice %arg7[%dma_start3A_43, %dma_start3A_44] : memref<10000x128xf32, #tpu.memory_space<vmem_shared>> -> memref<8x128xf32, #tpu.memory_space<vmem_shared>>
        tpu.enqueue_dma source(%dma_start3A_45 : memref<8x128xf32, #tpu.memory_space<vmem_shared>>) target(%dma_start3A_42 : memref<8x128xf32, #tpu.memory_space<hbm>>) target_semaphore(%run_scoped3A : memref<!tpu.dma_semaphore, #tpu.memory_space<semaphore_mem>>)
        %dma_wait3A = arith.constant 0 : i32
        %dma_wait3A_46 = arith.constant 0 : i32
        %dma_wait3A_47 = tpu.memref_slice %arg6[%arg0, %dma_wait3A, %dma_wait3A_46] : memref<2x10000x128xf32, #tpu.memory_space<hbm>> -> memref<1x10000x128xf32, #tpu.memory_space<hbm>>
        %dma_wait3A_48 = tpu.memref_squeeze %dma_wait3A_47 : memref<1x10000x128xf32, #tpu.memory_space<hbm>> -> memref<10000x128xf32, #tpu.memory_space<hbm>>
        %dma_wait3A_49 = arith.constant 9984 : i32
        %dma_wait3A_50 = arith.constant 0 : i32
        %dma_wait3A_51 = tpu.memref_slice %dma_wait3A_48[%dma_wait3A_49, %dma_wait3A_50] : memref<10000x128xf32, #tpu.memory_space<hbm>> -> memref<8x128xf32, #tpu.memory_space<hbm>>
        %dma_wait3A_52 = arith.constant 9984 : i32
        %dma_wait3A_53 = arith.constant 0 : i32
        %dma_wait3A_54 = tpu.memref_slice %arg7[%dma_wait3A_52, %dma_wait3A_53] : memref<10000x128xf32, #tpu.memory_space<vmem_shared>> -> memref<8x128xf32, #tpu.memory_space<vmem_shared>>
        tpu.wait_dma2 semaphore(%run_scoped3A : memref<!tpu.dma_semaphore, #tpu.memory_space<semaphore_mem>>) src(%dma_wait3A_54 : memref<8x128xf32, #tpu.memory_space<vmem_shared>>) dst(%dma_wait3A_51 : memref<8x128xf32, #tpu.memory_space<hbm>>)
        tpu.yield
      }) : () -> ()
    } else {
    }
    %eq3A_31 = arith.constant 1 : i32
    %eq3A_32 = arith.cmpi eq, %arg1, %eq3A_31 : i32
    %convert_element_type3A_33 = arith.extui %eq3A_32 : i1 to i32
    %cond3A_34 = arith.constant 0 : i32
    %cond3A_35 = arith.cmpi ne, %convert_element_type3A_33, %cond3A_34 : i32
    scf.if %cond3A_35 {
      "tpu.region"() ({
        %run_scoped3A = tpu.sem_alloc : memref<!tpu.dma_semaphore, #tpu.memory_space<semaphore_mem>>
        %dma_start3A_36 = arith.constant 0 : i32
        %dma_start3A_37 = arith.constant 0 : i32
        %dma_start3A_38 = tpu.memref_slice %arg6[%arg0, %dma_start3A_36, %dma_start3A_37] : memref<2x10000x128xf32, #tpu.memory_space<hbm>> -> memref<1x10000x128xf32, #tpu.memory_space<hbm>>
        %dma_start3A_39 = tpu.memref_squeeze %dma_start3A_38 : memref<1x10000x128xf32, #tpu.memory_space<hbm>> -> memref<10000x128xf32, #tpu.memory_space<hbm>>
        %dma_start3A_40 = arith.constant 9992 : i32
        %dma_start3A_41 = arith.constant 0 : i32
        %dma_start3A_42 = tpu.memref_slice %dma_start3A_39[%dma_start3A_40, %dma_start3A_41] : memref<10000x128xf32, #tpu.memory_space<hbm>> -> memref<8x128xf32, #tpu.memory_space<hbm>>
        %dma_start3A_43 = arith.constant 9992 : i32
        %dma_start3A_44 = arith.constant 0 : i32
        %dma_start3A_45 = tpu.memref_slice %arg7[%dma_start3A_43, %dma_start3A_44] : memref<10000x128xf32, #tpu.memory_space<vmem_shared>> -> memref<8x128xf32, #tpu.memory_space<vmem_shared>>
        tpu.enqueue_dma source(%dma_start3A_45 : memref<8x128xf32, #tpu.memory_space<vmem_shared>>) target(%dma_start3A_42 : memref<8x128xf32, #tpu.memory_space<hbm>>) target_semaphore(%run_scoped3A : memref<!tpu.dma_semaphore, #tpu.memory_space<semaphore_mem>>)
        %dma_wait3A = arith.constant 0 : i32
        %dma_wait3A_46 = arith.constant 0 : i32
        %dma_wait3A_47 = tpu.memref_slice %arg6[%arg0, %dma_wait3A, %dma_wait3A_46] : memref<2x10000x128xf32, #tpu.memory_space<hbm>> -> memref<1x10000x128xf32, #tpu.memory_space<hbm>>
        %dma_wait3A_48 = tpu.memref_squeeze %dma_wait3A_47 : memref<1x10000x128xf32, #tpu.memory_space<hbm>> -> memref<10000x128xf32, #tpu.memory_space<hbm>>
        %dma_wait3A_49 = arith.constant 9992 : i32
        %dma_wait3A_50 = arith.constant 0 : i32
        %dma_wait3A_51 = tpu.memref_slice %dma_wait3A_48[%dma_wait3A_49, %dma_wait3A_50] : memref<10000x128xf32, #tpu.memory_space<hbm>> -> memref<8x128xf32, #tpu.memory_space<hbm>>
        %dma_wait3A_52 = arith.constant 9992 : i32
        %dma_wait3A_53 = arith.constant 0 : i32
        %dma_wait3A_54 = tpu.memref_slice %arg7[%dma_wait3A_52, %dma_wait3A_53] : memref<10000x128xf32, #tpu.memory_space<vmem_shared>> -> memref<8x128xf32, #tpu.memory_space<vmem_shared>>
        tpu.wait_dma2 semaphore(%run_scoped3A : memref<!tpu.dma_semaphore, #tpu.memory_space<semaphore_mem>>) src(%dma_wait3A_54 : memref<8x128xf32, #tpu.memory_space<vmem_shared>>) dst(%dma_wait3A_51 : memref<8x128xf32, #tpu.memory_space<hbm>>)
        tpu.yield
      }) : () -> ()
    } else {
    }
    return
  }
}

module attributes {stable_mosaic.version = 14 : i64} {
  func.func @_mmscale_body(%arg0: i32, %arg1: memref<2x1000x128xf32, #tpu.memory_space<vmem>>, %arg2: memref<1000x256xf32, #tpu.memory_space<vmem>>, %arg3: memref<256x256xf32, #tpu.memory_space<vmem>>, %arg4: memref<2x1000x128xf32, #tpu.memory_space<vmem>>, %arg5: memref<1000x1xf32, #tpu.memory_space<vmem>>) attributes {dimension_semantics = [#tpu.dimension_semantics<arbitrary>], iteration_bounds = array<i64: 10>, scalar_prefetch = 0 : i64, scratch_operands = 0 : i64, tpu.core_type = #tpu.core_type<tc>, window_params = [{transform_indices = @transform_0, window_bounds = array<i64: 2, 1000, 128>}, {transform_indices = @transform_1, window_bounds = array<i64: 1000, 256>}, {pipeline_mode = #tpu.pipeline_mode<synchronous>, transform_indices = @transform_2, window_bounds = array<i64: 256, 256>}, {transform_indices = @transform_3, window_bounds = array<i64: 2, 1000, 128>}, {transform_indices = @transform_4, window_bounds = array<i64: 1000, 1>}]} {
    %get3A = arith.constant 0 : index
    %get3A_0 = arith.constant 0 : index
    %get3A_1 = vector.load %arg2[%get3A, %get3A_0] : memref<1000x256xf32, #tpu.memory_space<vmem>>, vector<1000x256xf32>
    %get3A_2 = arith.constant 0 : index
    %get3A_3 = arith.constant 0 : index
    %get3A_4 = vector.load %arg3[%get3A_2, %get3A_3] : memref<256x256xf32, #tpu.memory_space<vmem>>, vector<256x256xf32>
    %dot_general3A = arith.constant dense<0.000000e+00> : vector<1000x256xf32>
    %dot_general3A_5 = tpu.matmul %get3A_1, %get3A_4, %dot_general3A {dimension_numbers = #tpu.dot_dimension_numbers<[1], [0], [0], [1], [0, 0, 1, 1], [], []>, transpose_lhs_hint = false} : vector<1000x256xf32>, vector<256x256xf32>, vector<1000x256xf32> -> vector<1000x256xf32>
    %get3A_6 = arith.constant 0 : index
    %get3A_7 = arith.constant 0 : index
    %get3A_8 = arith.constant 0 : index
    %get3A_9 = vector.load %arg1[%get3A_6, %get3A_7, %get3A_8] : memref<2x1000x128xf32, #tpu.memory_space<vmem>>, vector<1x1000x1xf32>
    %get3A_10 = vector.shape_cast %get3A_9 : vector<1x1000x1xf32> to vector<1000x1xf32>
    %add3A = arith.constant 1.000000e+00 : f32
    %add3A_11 = vector.broadcast %add3A : f32 to vector<1000x1xf32>
    %add3A_12 = arith.addf %add3A_11, %get3A_10 : vector<1000x1xf32>
    %get3A_13 = arith.constant 1 : index
    %get3A_14 = arith.constant 0 : index
    %get3A_15 = arith.constant 0 : index
    %get3A_16 = vector.load %arg1[%get3A_13, %get3A_14, %get3A_15] : memref<2x1000x128xf32, #tpu.memory_space<vmem>>, vector<1x1000x1xf32>
    %get3A_17 = vector.shape_cast %get3A_16 : vector<1x1000x1xf32> to vector<1000x1xf32>
    %add3A_18 = arith.addf %add3A_12, %get3A_17 : vector<1000x1xf32>
    %max3A = arith.constant 1.000000e+00 : f32
    %max3A_19 = vector.broadcast %max3A : f32 to vector<1000x1xf32>
    %max3A_20 = arith.maximumf %add3A_18, %max3A_19 : vector<1000x1xf32>
    %rsqrt3A = math.rsqrt %max3A_20 : vector<1000x1xf32>
    %mul3A = vector.broadcast %rsqrt3A : vector<1000x1xf32> to vector<1000x256xf32>
    %mul3A_21 = arith.mulf %mul3A, %dot_general3A_5 : vector<1000x256xf32>
    %slice3A = vector.extract_strided_slice %mul3A_21 {offsets = [0, 0], sizes = [1000, 128], strides = [1, 1]} : vector<1000x256xf32> to vector<1000x128xf32>
    %swap3A = arith.constant 0 : index
    %swap3A_22 = arith.constant 0 : index
    %swap3A_23 = arith.constant 0 : index
    %swap3A_24 = vector.load %arg4[%swap3A, %swap3A_22, %swap3A_23] : memref<2x1000x128xf32, #tpu.memory_space<vmem>>, vector<1x1000x128xf32>
    %swap3A_25 = vector.shape_cast %swap3A_24 : vector<1x1000x128xf32> to vector<1000x128xf32>
    %swap3A_26 = vector.shape_cast %slice3A : vector<1000x128xf32> to vector<1x1000x128xf32>
    tpu.vector_store %arg4[%swap3A, %swap3A_22, %swap3A_23], %swap3A_26 {strides = array<i32>} : memref<2x1000x128xf32, #tpu.memory_space<vmem>>, vector<1x1000x128xf32>,
    %slice3A_27 = vector.extract_strided_slice %mul3A_21 {offsets = [0, 128], sizes = [1000, 128], strides = [1, 1]} : vector<1000x256xf32> to vector<1000x128xf32>
    %swap3A_28 = arith.constant 1 : index
    %swap3A_29 = arith.constant 0 : index
    %swap3A_30 = arith.constant 0 : index
    %swap3A_31 = vector.load %arg4[%swap3A_28, %swap3A_29, %swap3A_30] : memref<2x1000x128xf32, #tpu.memory_space<vmem>>, vector<1x1000x128xf32>
    %swap3A_32 = vector.shape_cast %swap3A_31 : vector<1x1000x128xf32> to vector<1000x128xf32>
    %swap3A_33 = vector.shape_cast %slice3A_27 : vector<1000x128xf32> to vector<1x1000x128xf32>
    tpu.vector_store %arg4[%swap3A_28, %swap3A_29, %swap3A_30], %swap3A_33 {strides = array<i32>} : memref<2x1000x128xf32, #tpu.memory_space<vmem>>, vector<1x1000x128xf32>,
    %swap3A_34 = arith.constant 0 : index
    %swap3A_35 = arith.constant 0 : index
    %swap3A_36 = vector.load %arg5[%swap3A_34, %swap3A_35] : memref<1000x1xf32, #tpu.memory_space<vmem>>, vector<1000x1xf32>
    tpu.vector_store %arg5[%swap3A_34, %swap3A_35], %rsqrt3A {strides = array<i32>} : memref<1000x1xf32, #tpu.memory_space<vmem>>, vector<1000x1xf32>,
    return
  }
  func.func @transform_0(%arg0: i32) -> (i32, i32, i32) {
    %c0_i32 = arith.constant 0 : i32
    %c0_i32_0 = arith.constant 0 : i32
    %c0_i32_1 = arith.constant 0 : i32
    return %c0_i32, %arg0, %c0_i32_0 : i32, i32, i32
  }
  func.func @transform_1(%arg0: i32) -> (i32, i32) {
    %c0_i32 = arith.constant 0 : i32
    %c0_i32_0 = arith.constant 0 : i32
    return %arg0, %c0_i32 : i32, i32
  }
  func.func @transform_2(%arg0: i32) -> (i32, i32) {
    %c0_i32 = arith.constant 0 : i32
    %c0_i32_0 = arith.constant 0 : i32
    %c0_i32_1 = arith.constant 0 : i32
    return %c0_i32, %c0_i32_0 : i32, i32
  }
  func.func @transform_3(%arg0: i32) -> (i32, i32, i32) {
    %c0_i32 = arith.constant 0 : i32
    %c0_i32_0 = arith.constant 0 : i32
    %c0_i32_1 = arith.constant 0 : i32
    return %c0_i32, %arg0, %c0_i32_0 : i32, i32, i32
  }
  func.func @transform_4(%arg0: i32) -> (i32, i32) {
    %c0_i32 = arith.constant 0 : i32
    %c0_i32_0 = arith.constant 0 : i32
    return %arg0, %c0_i32 : i32, i32
  }
}

module attributes {stable_mosaic.version = 14 : i64} {
  func.func @_bn_body(%arg0: i32, %arg1: memref<2x1000x128xf32, #tpu.memory_space<vmem>>, %arg2: memref<1000x1xf32, #tpu.memory_space<vmem>>, %arg3: memref<1x256xf32, #tpu.memory_space<vmem>>, %arg4: memref<1x256xf32, #tpu.memory_space<vmem>>, %arg5: memref<1x256xf32, #tpu.memory_space<vmem>>, %arg6: memref<1000x256xf32, #tpu.memory_space<vmem>>, %arg7: memref<1x256xf32, #tpu.memory_space<vmem>>, %arg8: memref<1x256xf32, #tpu.memory_space<vmem>>) attributes {dimension_semantics = [#tpu.dimension_semantics<arbitrary>], iteration_bounds = array<i64: 20>, scalar_prefetch = 0 : i64, scratch_operands = 2 : i64, tpu.core_type = #tpu.core_type<tc>, window_params = [{transform_indices = @transform_0, window_bounds = array<i64: 2, 1000, 128>}, {transform_indices = @transform_1, window_bounds = array<i64: 1000, 1>}, {pipeline_mode = #tpu.pipeline_mode<synchronous>, transform_indices = @transform_2, window_bounds = array<i64: 1, 256>}, {pipeline_mode = #tpu.pipeline_mode<synchronous>, transform_indices = @transform_3, window_bounds = array<i64: 1, 256>}, {pipeline_mode = #tpu.pipeline_mode<synchronous>, transform_indices = @transform_4, window_bounds = array<i64: 1, 256>}, {transform_indices = @transform_5, window_bounds = array<i64: 1000, 256>}]} {
    %jit3A = arith.constant 10 : i32
    %div3A = arith.divsi %arg0, %jit3A : i32
    %sign3A = arith.constant 0 : i32
    %sign3A_0 = arith.cmpi sgt, %arg0, %sign3A : i32
    %sign3A_1 = arith.extui %sign3A_0 : i1 to i32
    %sign3A_2 = arith.constant 0 : i32
    %sign3A_3 = arith.cmpi slt, %arg0, %sign3A_2 : i32
    %sign3A_4 = arith.extui %sign3A_3 : i1 to i32
    %sign3A_5 = arith.subi %sign3A_1, %sign3A_4 : i32
    %sign3A_6 = arith.constant 0 : i32
    %sign3A_7 = arith.cmpi sgt, %jit3A, %sign3A_6 : i32
    %sign3A_8 = arith.extui %sign3A_7 : i1 to i32
    %sign3A_9 = arith.constant 0 : i32
    %sign3A_10 = arith.cmpi slt, %jit3A, %sign3A_9 : i32
    %sign3A_11 = arith.extui %sign3A_10 : i1 to i32
    %sign3A_12 = arith.subi %sign3A_8, %sign3A_11 : i32
    %ne3A = arith.cmpi ne, %sign3A_5, %sign3A_12 : i32
    %rem3A = arith.remsi %arg0, %jit3A : i32
    %ne3A_13 = arith.constant 0 : i32
    %ne3A_14 = arith.cmpi ne, %rem3A, %ne3A_13 : i32
    %and3A = arith.andi %ne3A, %ne3A_14 : i1
    %sub3A = arith.constant 1 : i32
    %sub3A_15 = arith.subi %div3A, %sub3A : i32
    %select_n3A = arith.select %and3A, %sub3A_15, %div3A : i32
    %get3A = arith.constant 0 : index
    %get3A_16 = arith.constant 0 : index
    %get3A_17 = arith.constant 0 : index
    %get3A_18 = vector.load %arg1[%get3A, %get3A_16, %get3A_17] : memref<2x1000x128xf32, #tpu.memory_space<vmem>>, vector<1x1000x128xf32>
    %get3A_19 = vector.shape_cast %get3A_18 : vector<1x1000x128xf32> to vector<1000x128xf32>
    %get3A_20 = arith.constant 1 : index
    %get3A_21 = arith.constant 0 : index
    %get3A_22 = arith.constant 0 : index
    %get3A_23 = vector.load %arg1[%get3A_20, %get3A_21, %get3A_22] : memref<2x1000x128xf32, #tpu.memory_space<vmem>>, vector<1x1000x128xf32>
    %get3A_24 = vector.shape_cast %get3A_23 : vector<1x1000x128xf32> to vector<1000x128xf32>
    %concatenate3A = tpu.concatenate %get3A_19, %get3A_24 in 1 : vector<1000x128xf32>, vector<1000x128xf32> -> vector<1000x256xf32>
    %get3A_25 = arith.constant 0 : index
    %get3A_26 = arith.constant 0 : index
    %get3A_27 = vector.load %arg2[%get3A_25, %get3A_26] : memref<1000x1xf32, #tpu.memory_space<vmem>>, vector<1000x1xf32>
    %mul3A = vector.broadcast %get3A_27 : vector<1000x1xf32> to vector<1000x256xf32>
    %mul3A_28 = arith.mulf %concatenate3A, %mul3A : vector<1000x256xf32>
    %get3A_29 = arith.constant 0 : index
    %get3A_30 = arith.constant 0 : index
    %get3A_31 = vector.load %arg3[%get3A_29, %get3A_30] : memref<1x256xf32, #tpu.memory_space<vmem>>, vector<1x256xf32>
    %add3A = vector.broadcast %get3A_31 : vector<1x256xf32> to vector<1000x256xf32>
    %add3A_32 = arith.addf %mul3A_28, %add3A : vector<1000x256xf32>
    %eq3A = arith.constant 0 : i32
    %eq3A_33 = arith.cmpi eq, %arg0, %eq3A : i32
    %convert_element_type3A = arith.extui %eq3A_33 : i1 to i32
    %cond3A = arith.constant 0 : i32
    %cond3A_34 = arith.cmpi ne, %convert_element_type3A, %cond3A : i32
    scf.if %cond3A_34 {
      %broadcast_in_dim3A = arith.constant 0.000000e+00 : f32
      %broadcast_in_dim3A_78 = vector.broadcast %broadcast_in_dim3A : f32 to vector<1x256xf32>
      %swap3A_79 = arith.constant 0 : index
      %swap3A_80 = arith.constant 0 : index
      %swap3A_81 = vector.load %arg7[%swap3A_79, %swap3A_80] : memref<1x256xf32, #tpu.memory_space<vmem>>, vector<1x256xf32>
      tpu.vector_store %arg7[%swap3A_79, %swap3A_80], %broadcast_in_dim3A_78 {strides = array<i32>} : memref<1x256xf32, #tpu.memory_space<vmem>>, vector<1x256xf32>,
      %broadcast_in_dim3A_82 = arith.constant 0.000000e+00 : f32
      %broadcast_in_dim3A_83 = vector.broadcast %broadcast_in_dim3A_82 : f32 to vector<1x256xf32>
      %swap3A_84 = arith.constant 0 : index
      %swap3A_85 = arith.constant 0 : index
      %swap3A_86 = vector.load %arg8[%swap3A_84, %swap3A_85] : memref<1x256xf32, #tpu.memory_space<vmem>>, vector<1x256xf32>
      tpu.vector_store %arg8[%swap3A_84, %swap3A_85], %broadcast_in_dim3A_83 {strides = array<i32>} : memref<1x256xf32, #tpu.memory_space<vmem>>, vector<1x256xf32>,
    } else {
    }
    %eq3A_35 = arith.constant 0 : i32
    %eq3A_36 = arith.cmpi eq, %select_n3A, %eq3A_35 : i32
    %convert_element_type3A_37 = arith.extui %eq3A_36 : i1 to i32
    %cond3A_38 = arith.constant 0 : i32
    %cond3A_39 = arith.cmpi ne, %convert_element_type3A_37, %cond3A_38 : i32
    scf.if %cond3A_39 {
      %get3A_78 = arith.constant 0 : index
      %get3A_79 = arith.constant 0 : index
      %get3A_80 = vector.load %arg7[%get3A_78, %get3A_79] : memref<1x256xf32, #tpu.memory_space<vmem>>, vector<1x256xf32>
      %reduce_sum3A = arith.constant dense<0.000000e+00> : vector<256xf32>
      %reduce_sum3A_81 = vector.multi_reduction <add>, %add3A_32, %reduce_sum3A [0] : vector<1000x256xf32> to vector<256xf32>
      %broadcast_in_dim3A = vector.shape_cast %reduce_sum3A_81 : vector<256xf32> to vector<1x256xf32>
      %add3A_82 = arith.addf %get3A_80, %broadcast_in_dim3A : vector<1x256xf32>
      %swap3A_83 = arith.constant 0 : index
      %swap3A_84 = arith.constant 0 : index
      %swap3A_85 = vector.load %arg7[%swap3A_83, %swap3A_84] : memref<1x256xf32, #tpu.memory_space<vmem>>, vector<1x256xf32>
      tpu.vector_store %arg7[%swap3A_83, %swap3A_84], %add3A_82 {strides = array<i32>} : memref<1x256xf32, #tpu.memory_space<vmem>>, vector<1x256xf32>,
      %get3A_86 = arith.constant 0 : index
      %get3A_87 = arith.constant 0 : index
      %get3A_88 = vector.load %arg8[%get3A_86, %get3A_87] : memref<1x256xf32, #tpu.memory_space<vmem>>, vector<1x256xf32>
      %mul3A_89 = arith.mulf %add3A_32, %add3A_32 : vector<1000x256xf32>
      %reduce_sum3A_90 = arith.constant dense<0.000000e+00> : vector<256xf32>
      %reduce_sum3A_91 = vector.multi_reduction <add>, %mul3A_89, %reduce_sum3A_90 [0] : vector<1000x256xf32> to vector<256xf32>
      %broadcast_in_dim3A_92 = vector.shape_cast %reduce_sum3A_91 : vector<256xf32> to vector<1x256xf32>
      %add3A_93 = arith.addf %get3A_88, %broadcast_in_dim3A_92 : vector<1x256xf32>
      %swap3A_94 = arith.constant 0 : index
      %swap3A_95 = arith.constant 0 : index
      %swap3A_96 = vector.load %arg8[%swap3A_94, %swap3A_95] : memref<1x256xf32, #tpu.memory_space<vmem>>, vector<1x256xf32>
      tpu.vector_store %arg8[%swap3A_94, %swap3A_95], %add3A_93 {strides = array<i32>} : memref<1x256xf32, #tpu.memory_space<vmem>>, vector<1x256xf32>,
    } else {
    }
    %get3A_40 = arith.constant 0 : index
    %get3A_41 = arith.constant 0 : index
    %get3A_42 = vector.load %arg7[%get3A_40, %get3A_41] : memref<1x256xf32, #tpu.memory_space<vmem>>, vector<1x256xf32>
    %mul3A_43 = arith.constant 9.99999974E-5 : f32
    %mul3A_44 = vector.broadcast %mul3A_43 : f32 to vector<1x256xf32>
    %mul3A_45 = arith.mulf %get3A_42, %mul3A_44 : vector<1x256xf32>
    %get3A_46 = arith.constant 0 : index
    %get3A_47 = arith.constant 0 : index
    %get3A_48 = vector.load %arg8[%get3A_46, %get3A_47] : memref<1x256xf32, #tpu.memory_space<vmem>>, vector<1x256xf32>
    %mul3A_49 = arith.constant 9.99999974E-5 : f32
    %mul3A_50 = vector.broadcast %mul3A_49 : f32 to vector<1x256xf32>
    %mul3A_51 = arith.mulf %get3A_48, %mul3A_50 : vector<1x256xf32>
    %mul3A_52 = arith.mulf %mul3A_45, %mul3A_45 : vector<1x256xf32>
    %sub3A_53 = arith.subf %mul3A_51, %mul3A_52 : vector<1x256xf32>
    %add3A_54 = arith.constant 9.99999974E-6 : f32
    %add3A_55 = vector.broadcast %add3A_54 : f32 to vector<1x256xf32>
    %add3A_56 = arith.addf %sub3A_53, %add3A_55 : vector<1x256xf32>
    %rsqrt3A = math.rsqrt %add3A_56 : vector<1x256xf32>
    %get3A_57 = arith.constant 0 : index
    %get3A_58 = arith.constant 0 : index
    %get3A_59 = vector.load %arg4[%get3A_57, %get3A_58] : memref<1x256xf32, #tpu.memory_space<vmem>>, vector<1x256xf32>
    %sub3A_60 = vector.broadcast %mul3A_45 : vector<1x256xf32> to vector<1000x256xf32>
    %sub3A_61 = arith.subf %add3A_32, %sub3A_60 : vector<1000x256xf32>
    %mul3A_62 = vector.broadcast %get3A_59 : vector<1x256xf32> to vector<1000x256xf32>
    %mul3A_63 = arith.mulf %mul3A_62, %sub3A_61 : vector<1000x256xf32>
    %mul3A_64 = vector.broadcast %rsqrt3A : vector<1x256xf32> to vector<1000x256xf32>
    %mul3A_65 = arith.mulf %mul3A_63, %mul3A_64 : vector<1000x256xf32>
    %get3A_66 = arith.constant 0 : index
    %get3A_67 = arith.constant 0 : index
    %get3A_68 = vector.load %arg5[%get3A_66, %get3A_67] : memref<1x256xf32, #tpu.memory_space<vmem>>, vector<1x256xf32>
    %add3A_69 = vector.broadcast %get3A_68 : vector<1x256xf32> to vector<1000x256xf32>
    %add3A_70 = arith.addf %mul3A_65, %add3A_69 : vector<1000x256xf32>
    %max3A = arith.constant 0.000000e+00 : f32
    %max3A_71 = vector.broadcast %max3A : f32 to vector<1000x256xf32>
    %max3A_72 = arith.maximumf %add3A_70, %max3A_71 : vector<1000x256xf32>
    %eq3A_73 = arith.constant 1 : i32
    %eq3A_74 = arith.cmpi eq, %select_n3A, %eq3A_73 : i32
    %select_n3A_75 = arith.select %eq3A_74, %max3A_72, %add3A_32 : vector<1000x256xf32>
    %swap3A = arith.constant 0 : index
    %swap3A_76 = arith.constant 0 : index
    %swap3A_77 = vector.load %arg6[%swap3A, %swap3A_76] : memref<1000x256xf32, #tpu.memory_space<vmem>>, vector<1000x256xf32>
    tpu.vector_store %arg6[%swap3A, %swap3A_76], %select_n3A_75 {strides = array<i32>} : memref<1000x256xf32, #tpu.memory_space<vmem>>, vector<1000x256xf32>,
    return
  }
  func.func @transform_0(%arg0: i32) -> (i32, i32, i32) {
    %jit3A = arith.constant 10 : i32
    %eq3A = arith.constant 0 : i32
    %eq3A_0 = arith.cmpi eq, %jit3A, %eq3A : i32
    %jit3A_1 = arith.constant 1 : i32
    %select_n3A = arith.select %eq3A_0, %jit3A_1, %jit3A : i32
    %rem3A = arith.remsi %arg0, %select_n3A : i32
    %ne3A = arith.constant 0 : i32
    %ne3A_2 = arith.cmpi ne, %rem3A, %ne3A : i32
    %lt3A = arith.constant 0 : i32
    %lt3A_3 = arith.cmpi slt, %rem3A, %lt3A : i32
    %lt3A_4 = arith.constant 0 : i32
    %lt3A_5 = arith.cmpi slt, %select_n3A, %lt3A_4 : i32
    %ne3A_6 = arith.xori %lt3A_3, %lt3A_5 : i1
    %and3A = arith.andi %ne3A_6, %ne3A_2 : i1
    %add3A = arith.addi %rem3A, %select_n3A : i32
    %select_n3A_7 = arith.select %and3A, %add3A, %rem3A : i32
    %c0_i32 = arith.constant 0 : i32
    %c0_i32_8 = arith.constant 0 : i32
    %c0_i32_9 = arith.constant 0 : i32
    return %c0_i32, %select_n3A_7, %c0_i32_8 : i32, i32, i32
  }
  func.func @transform_1(%arg0: i32) -> (i32, i32) {
    %jit3A = arith.constant 10 : i32
    %eq3A = arith.constant 0 : i32
    %eq3A_0 = arith.cmpi eq, %jit3A, %eq3A : i32
    %jit3A_1 = arith.constant 1 : i32
    %select_n3A = arith.select %eq3A_0, %jit3A_1, %jit3A : i32
    %rem3A = arith.remsi %arg0, %select_n3A : i32
    %ne3A = arith.constant 0 : i32
    %ne3A_2 = arith.cmpi ne, %rem3A, %ne3A : i32
    %lt3A = arith.constant 0 : i32
    %lt3A_3 = arith.cmpi slt, %rem3A, %lt3A : i32
    %lt3A_4 = arith.constant 0 : i32
    %lt3A_5 = arith.cmpi slt, %select_n3A, %lt3A_4 : i32
    %ne3A_6 = arith.xori %lt3A_3, %lt3A_5 : i1
    %and3A = arith.andi %ne3A_6, %ne3A_2 : i1
    %add3A = arith.addi %rem3A, %select_n3A : i32
    %select_n3A_7 = arith.select %and3A, %add3A, %rem3A : i32
    %c0_i32 = arith.constant 0 : i32
    %c0_i32_8 = arith.constant 0 : i32
    return %select_n3A_7, %c0_i32 : i32, i32
  }
  func.func @transform_2(%arg0: i32) -> (i32, i32) {
    %c0_i32 = arith.constant 0 : i32
    %c0_i32_0 = arith.constant 0 : i32
    %c0_i32_1 = arith.constant 0 : i32
    return %c0_i32, %c0_i32_0 : i32, i32
  }
  func.func @transform_3(%arg0: i32) -> (i32, i32) {
    %c0_i32 = arith.constant 0 : i32
    %c0_i32_0 = arith.constant 0 : i32
    %c0_i32_1 = arith.constant 0 : i32
    return %c0_i32, %c0_i32_0 : i32, i32
  }
  func.func @transform_4(%arg0: i32) -> (i32, i32) {
    %c0_i32 = arith.constant 0 : i32
    %c0_i32_0 = arith.constant 0 : i32
    %c0_i32_1 = arith.constant 0 : i32
    return %c0_i32, %c0_i32_0 : i32, i32
  }
  func.func @transform_5(%arg0: i32) -> (i32, i32) {
    %jit3A = arith.constant 10 : i32
    %eq3A = arith.constant 0 : i32
    %eq3A_0 = arith.cmpi eq, %jit3A, %eq3A : i32
    %jit3A_1 = arith.constant 1 : i32
    %select_n3A = arith.select %eq3A_0, %jit3A_1, %jit3A : i32
    %rem3A = arith.remsi %arg0, %select_n3A : i32
    %ne3A = arith.constant 0 : i32
    %ne3A_2 = arith.cmpi ne, %rem3A, %ne3A : i32
    %lt3A = arith.constant 0 : i32
    %lt3A_3 = arith.cmpi slt, %rem3A, %lt3A : i32
    %lt3A_4 = arith.constant 0 : i32
    %lt3A_5 = arith.cmpi slt, %select_n3A, %lt3A_4 : i32
    %ne3A_6 = arith.xori %lt3A_3, %lt3A_5 : i1
    %and3A = arith.andi %ne3A_6, %ne3A_2 : i1
    %add3A = arith.addi %rem3A, %select_n3A : i32
    %select_n3A_7 = arith.select %and3A, %add3A, %rem3A : i32
    %c0_i32 = arith.constant 0 : i32
    %c0_i32_8 = arith.constant 0 : i32
    return %select_n3A_7, %c0_i32 : i32, i32
  }
}

</mosaic_0001>

<sc_bundles>
// kernel: kernel.6.cloned.1.call-start
scs
__scs_entry_jumppad:
0x0: {  	(pc) =	sbr.rel $0x88, $3  }
0x1: {  	(tag) =	ssettag $0x0;
	lr =	simm.s32 $0x1  }
0x2: {  	[smem:$0x3F9B] =	sst lr;
	_ =	strace $0xD0000000  }
0x3: {  	_ = 	snop  }
0x4: {  	_ = 	snop  }
0x5: {  	_ = 	snop  }
0x6: {  	_ = 	snop  }
0x7: {  	_ = 	snop  }
__scs_overlays_trampoline_lowered:
0x8: {  	[smem:$0x3FAA] =	sst s0  }
0x9: {  	[smem:$0x3FAB] =	sst s1  }
0xa: {  	[smem:$0x3FAC] =	sst s2  }
0xb: {  	[smem:$0x3FAD] =	sst s3  }
0xc: {  	[smem:$0x3FAE] =	sst s4  }
0xd: {  	[smem:$0x3FAF] =	sst s5  }
0xe: {  	[smem:$0x3FB0] =	sst s6  }
0xf: {  	[smem:$0x3FB1] =	sst s7  }
0x10: {  	[smem:$0x3FB2] =	sst s8  }
0x11: {  	[smem:$0x3FB3] =	sst s9;
	s0 =	simm.s32 @!p0 $0x0  }
0x12: {  	s1 =	sld [smem:$0x3F99];
	s0 =	simm.s32 @p0 $0x1  }
0x13: {  	[smem:$0x3FB4] =	sst s0;
	s0 =	simm.s32 @!p1 $0x0  }
0x14: {  	s2 =	sld [smem:$0x3F98];
	s0 =	simm.s32 @p1 $0x1  }
0x15: {  	[smem:$0x3FB5] =	sst s0;
	s0 =	simm.s32 @!p2 $0x0  }
0x16: {  	s3 =	sld [smem:$0x3FDB];
	s0 =	simm.s32 @p2 $0x1  }
0x17: {  	s4 =	simm.s32 $0x1BF5;
	[smem:$0x3FB7] =	sst s0  }
0x18: {  	s0 =	sld [smem:$0x3F9A];
	_ =	swait.ge [sflag:s4], $0x0  }
0x19: {  	s7 =	sld [smem:$0x3F9B]  }
0x1a: {  	s8 =	sadd.s32 $0xFFFFE003, lr  }
0x1b: {  	s9 =	sadd.s32 $0xFFFFFEF7, lr;
	s5 =	simm.s32 $0xFFFFFFFF;
	p2 =	slt.u32 s8, $0xFFFFF086  }
0x1c: {  	p1 =	slt.u32 s9, $0xF7A;
	s5 =	simm.s32 @!p2 $0x0  }
0x1d: {  	s5 =	simm.s32 @p1 $0x1;
	p0 =	seq.s32 s7, s2  }
0x1e: {  	s7 =	smul.u32 @!p0 $0xF7A, s2;
	p2 =	seq.s32 @!p0 s5, $0x0  }
0x1f: {  	s9 =	smul.u32 $0xF7A, s1;
	s8 =	simm.s32 @!p0 $0x1BF5;
	p2 =	por !p2, p0  }
0x20: {  	[sflag:s8] =	ssyncset.s32 @!p0 $0xFFFFF086;
	s6 =	sadd.s32 @!p0 s3, s7;
	s7 =	simm.s32 @!p0 $0x108  }
0x21: {  	s3 =	sadd.s32 s3, s9;
	s6 =	sadd.s32 @!p0 $0x88, s6;
	s7 =	simm.s32 @p2 $0x1082  }
0x22: {  	[simem:s7], [sflag:s8] =	dma.local @!p0 [hbm:s6], $0xF7A  }
0x23: {  	s9 =	sor.u32 $0xD0000000, s2;
	s6 =	simm.s32 $0x108;
	_ =	swait.ge @!p0 [sflag:s8], $0x0  }
0x24: {  	s3 =	sadd.s32 $0x88, s3;
	s6 =	simm.s32 @!p1 $0x1082;
	[sflag:s4] =	ssyncset.s32 $0xFFFFF086  }
0x25: {  	[simem:s6], [sflag:s4] =	dma.local [hbm:s3], $0xF7A  }
0x26: {  	[smem:$0x3F9B] =	sst s1;
	(tag) =	ssettag s2;
	_ =	strace s9  }
0x27: {  	s1 =	sld [smem:$0x3FAB]  }
0x28: {  	s2 =	sld [smem:$0x3FAC]  }
0x29: {  	s4 =	sld [smem:$0x3FAE]  }
0x2a: {  	p0 =	seq.s32 s5, $0x0;
	s5 =	sld [smem:$0x3FAF]  }
0x2b: {  	s6 =	sld [smem:$0x3FB0]  }
0x2c: {  	s7 =	sld [smem:$0x3FB1]  }
0x2d: {  	s3 =	simm.s32 $0x108;
	s8 =	sld [smem:$0x3FB2]  }
0x2e: {  	s3 =	simm.s32 @!p0 $0x1082;
	s9 =	sld [smem:$0x3FB3]  }
0x2f: {  	lr =	sadd.s32 s0, s3;
	s0 =	sld [smem:$0x3FAA]  }
0x30: {  	s3 =	sld [smem:$0x3FAD]  }
0x31: {  	[smem:$0x3FB6] =	sst s10  }
0x32: {  	s10 =	sld [smem:$0x3FB4];
	_ =	sdelay $0x3  }
0x33: {  	p0 =	seq.s32 s10, $0x1;
	s10 =	sld [smem:$0x3FB6];
	_ =	sdelay $0x3  }
0x34: {  	[smem:$0x3FB6] =	sst s10  }
0x35: {  	s10 =	sld [smem:$0x3FB5];
	_ =	sdelay $0x3  }
0x36: {  	p1 =	seq.s32 s10, $0x1;
	s10 =	sld [smem:$0x3FB6];
	_ =	sdelay $0x3  }
0x37: {  	[smem:$0x3FB6] =	sst s10  }
0x38: {  	s10 =	sld [smem:$0x3FB7]  }
0x39: {  	_ = 	snop;
	(pc) =	sbr.ind lr, $3  }
0x3a: {  	_ = 	snop  }
0x3b: {  	_ = 	snop  }
0x3c: {  	p2 =	seq.s32 s10, $0x1;
	s10 =	sld [smem:$0x3FB6]  }
0x3d: {  	_ =	shalt  }
0x3e: {  	_ =	shalt  }
0x3f: {  	_ =	shalt  }
0x40: {  	_ =	shalt  }
0x41: {  	_ =	shalt  }
0x42: {  	_ =	shalt  }
0x43: {  	_ =	shalt  }
0x44: {  	_ =	shalt  }
0x45: {  	_ =	shalt  }
0x46: {  	_ =	shalt  }
0x47: {  	_ =	shalt  }
0x48: {  	_ =	shalt  }
0x49: {  	_ =	shalt  }
0x4a: {  	_ =	shalt  }
0x4b: {  	_ =	shalt  }
0x4c: {  	_ =	shalt  }
0x4d: {  	_ =	shalt  }
0x4e: {  	_ =	shalt  }
0x4f: {  	_ =	shalt  }
0x50: {  	_ =	shalt  }
0x51: {  	_ =	shalt  }
0x52: {  	_ =	shalt  }
0x53: {  	_ =	shalt  }
0x54: {  	_ =	shalt  }
0x55: {  	_ =	shalt  }
0x56: {  	_ =	shalt  }
0x57: {  	_ =	shalt  }
0x58: {  	_ =	shalt  }
0x59: {  	_ =	shalt  }
0x5a: {  	_ =	shalt  }
0x5b: {  	_ =	shalt  }
0x5c: {  	_ =	shalt  }
0x5d: {  	_ =	shalt  }
0x5e: {  	_ =	shalt  }
0x5f: {  	_ =	shalt  }
0x60: {  	_ =	shalt  }
0x61: {  	_ =	shalt  }
0x62: {  	_ =	shalt  }
0x63: {  	_ =	shalt  }
0x64: {  	_ =	shalt  }
0x65: {  	_ =	shalt  }
0x66: {  	_ =	shalt  }
0x67: {  	_ =	shalt  }
0x68: {  	_ =	shalt  }
0x69: {  	_ =	shalt  }
0x6a: {  	_ =	shalt  }
0x6b: {  	_ =	shalt  }
0x6c: {  	_ =	shalt  }
0x6d: {  	_ =	shalt  }
0x6e: {  	_ =	shalt  }
0x6f: {  	_ =	shalt  }
0x70: {  	_ =	shalt  }
0x71: {  	_ =	shalt  }
0x72: {  	_ =	shalt  }
0x73: {  	_ =	shalt  }
0x74: {  	_ =	shalt  }
0x75: {  	_ =	shalt  }
0x76: {  	_ =	shalt  }
0x77: {  	_ =	shalt  }
0x78: {  	_ =	shalt  }
0x79: {  	_ =	shalt  }
0x7a: {  	_ =	shalt  }
0x7b: {  	_ =	shalt  }
0x7c: {  	_ =	shalt  }
0x7d: {  	_ =	shalt  }
0x7e: {  	_ =	shalt  }
0x7f: {  	_ =	shalt  }
0x80: {  	_ =	shalt  }
0x81: {  	_ =	shalt  }
0x82: {  	_ =	shalt  }
0x83: {  	_ =	shalt  }
0x84: {  	_ =	shalt  }
0x85: {  	_ =	shalt  }
0x86: {  	_ =	shalt  }
0x87: {  	_ =	shalt  }
.Lfunc_end0:
.L_simem_size_0:
called_computation_lowered:
.L_overlay_start_0:
0x88: {  	s2 =	sld [smem:$0x3FD9]  }
0x89: {  	s3 =	sld [smem:$0x3FFE];
	_ =	sdelay $0x1  }
0x8a: {  	s1 =	srdreg.scid  }
0x8b: {  	s0 =	sand.u32 $0x1, s1  }
0x8c: {  	s17 =	sshll.u32 s0, $0xA;
	s2 =	sadd.s32 s3, s2  }
0x8d: {  	s2 =	sadd.s32 s2, s17  }
0x8e: {  	[smem:$0x3FC2] =	sst s2  }
0x8f: {  	_ = 	snop  }
0x90: {  	s2 =	sld [smem:$0x3FD0];
	(tm) =	ssettm $0x1  }
0x91: {  	s18 =	sld [smem:$0x3FFB];
	_ =	sdelay $0x3  }
0x92: {  	_ =	strace s18  }
0x93: {  	s3 =	sld [smem:$0x3FFC];
	_ =	sdelay $0x3  }
0x94: {  	_ =	strace s3  }
0x95: {  	s3 =	sld [smem:$0x3FFD];
	_ =	sdelay $0x3  }
0x96: {  	_ =	strace s3  }
0x97: {  	_ =	strace $0x8FFFFFFF  }
0x98: {  	s19 =	sld [smem:$0x3FDB];
	_ =	sdelay $0x1  }
0x99: {  	s4 =	simm.s32 $_scs_section_size  }
0x9a: {  	s5 =	simm.s32 $_size__tile_overlayer_lowered;
	s6 =	simm.s32 $_tile_overlayer_lowered  }
0x9b: {  	s22 =	simm.s32 $0x1BFF;
	s21 =	sshll.u32 s6, $0x1;
	s3 =	sadd.s32 s4, s19  }
0x9c: {  	s7 =	simm.s32 $0x0;
	s20 =	sshll.u32 s5, $0x1;
	s5 =	sadd.s32 s21, s3  }
0x9d: {  	[timem:s7], [sflag:s22] =	dma.local [hbm:s5], s20  }
0x9e: {  	_ =	swait.ge [sflag:s22], s20  }
0x9f: {  	s4 =	ssub.s32 $0x0, s20;
	[sflag:s22] =	ssyncset.done $0x0  }
0xa0: {  	[sflag:s22] =	ssyncadd.s32 s4;
	_ =	sdelay $0x1  }
0xa1: {  	s23 =	simm.s32 $0x1B8B  }
0xa2: {  	_ =	swait.ge [sflag:s23], $0x1  }
0xa3: {  	[sflag:s23] =	ssyncset.done $0x0  }
0xa4: {  	s25 =	simm.s32 $0x1B8E;
	s24 =	sld [smem:$0x3FFE];
	[sflag:s23] =	ssyncadd.s32 $0xFFFFFFFF  }
0xa5: {  	s26 =	simm.s32 $execute0_lowered;
	[smem:$0x3FD2] =	sst s25  }
0xa6: {  	s5 =	sshll.u32 s26, $0x1;
	_ =	strace $0x80000046;
	[dreg:$0x1] =	wrdreg $0xFFFFFFFF  }
0xa7: {  	s28 =	simm.s32 $_size_execute0_lowered;
	s3 =	sadd.s32 s3, s5;
	[dreg:$0x0] =	wrdreg $0x0  }
0xa8: {  	s5 =	sshll.u32 s28, $0x1;
	[dreg:$0x2] =	wrdreg s3  }
0xa9: {  	[dreg:$0x3] =	wrdreg s5  }
0xaa: {  	[dreg:$0x4] =	wrdreg $0xC0  }
0xab: {  	_ =	task [dreg:s7], $0x5FFFF  }
0xac: {  	[dreg:$0x1] =	wrdreg $0xFFFFFFFF  }
0xad: {  	[dreg:$0x0] =	wrdreg $0x60  }
0xae: {  	[dreg:$0x2] =	wrdreg s24  }
0xaf: {  	[dreg:$0x3] =	wrdreg s2  }
0xb0: {  	[dreg:$0x4] =	wrdreg $0x0  }
0xb1: {  	[dreg:$0x5] =	wrdreg $0x9  }
0xb2: {  	_ =	task.clear_ibuf [dreg:s7], $0x6FFFF;
	_ =	strace $0x90000046  }
0xb3: {  	s29 =	simm.s32 $0x9;
	_ =	strace $0x80000048  }
0xb4: {  	_ =	swait.ge [sflag:s29], $0x1  }
0xb5: {  	[sflag:s29] =	ssyncadd.s32 $0xFFFFFFFF  }
0xb6: {  	_ =	strace $0x90000048  }
0xb7: {  	_ =	sfence  }
0xb8: {  	s30 =	sld [smem:$0x0];
	_ =	sdelay $0x2  }
0xb9: {  	s31 =	sshll.u32 s1, $0xD;
	s1 =	sshrl.u32 s1, $0x2  }
0xba: {  	s3 =	sand.u32 $0x4000, s31;
	s1 =	sadd.s32 s1, s30  }
0xbb: {  	s0 =	sor.u32 s3, s0;
	s1 =	sshll.u32 s1, $0x11  }
0xbc: {  	s0 =	sor.u32 s1, s0  }
0xbd: {  	s0 =	sadd.s32 $0x8F2B, s0  }
0xbe: {  	[sflag:s0] =	ssyncadd.remote.s32 $0x1  }
0xbf: {  	_ =	sfence.sel $0xFFFF  }
0xc0: {  	[dreg:$0x0] =	wrdreg $0xFFFFFFFF;
	(pc) =	sbr.abs _section_cstart, $3  }
0xc1: {  	[dreg:$0x1] =	wrdreg $0xFFFFFFFF  }
0xc2: {  	_ =	task.clear_ibuf [dreg:s7], $0x2FFFF;
	_ =	strace $0x9FFFFFFF  }
0xc3: {  	(tm) =	ssettm $0x7FFFFFFF  }
tec
execute0_lowered:
.L_overlay_start_1:
0x0: {  	(tag) =	ssettag $0x1  }
0x1: {  	s3 =	rddreg [dreg:$0x0]  }
0x2: {  	s4 =	rddreg [dreg:$0x1]  }
0x3: {  	s1 =	rddreg [dreg:$0x2];
	s2 =	simm.s32 $0x0  }
0x4: {  	s11 =	simm.s32 $0x13900;
	[smem:$0x7FF] =	sst s2  }
0x5: {  	s12 =	simm.s32 $0x13980;
	_ =	strace $0x80000047;
	[dreg:$0xc] =	wrdreg s11  }
0x6: {  	s13 =	simm.s32 $0x13A00;
	[dreg:$0xd] =	wrdreg s12  }
0x7: {  	s14 =	simm.s32 $0x13A80;
	[dreg:$0xe] =	wrdreg s13  }
0x8: {  	s15 =	simm.s32 $0x13B00;
	[dreg:$0xf] =	wrdreg s14  }
0x9: {  	s16 =	simm.s32 $0x13B80;
	[dreg:$0x10] =	wrdreg s15  }
0xa: {  	s17 =	simm.s32 $0x13C00;
	[dreg:$0x11] =	wrdreg s16  }
0xb: {  	s18 =	simm.s32 $0x13C80;
	[dreg:$0x12] =	wrdreg s17  }
0xc: {  	s0 =	srdreg.scid;
	s19 =	simm.s32 $0x13D00;
	[dreg:$0x13] =	wrdreg s18  }
0xd: {  	s6 =	stileid.u32;
	s20 =	simm.s32 $0x13D80;
	[dreg:$0x14] =	wrdreg s19  }
0xe: {  	s21 =	simm.s32 $0x13E00;
	s22 =	simm.s32 $0x13E80;
	[dreg:$0x15] =	wrdreg s20  }
0xf: {  	s23 =	simm.s32 $0x13F00;
	s28 =	sand.u32 $0x1, s0;
	[dreg:$0x16] =	wrdreg s21  }
0x10: {  	s24 =	sshll.u32 s6, $0x1;
	s7 =	smul.u32 $0x13800, s6;
	[dreg:$0x17] =	wrdreg s22  }
0x11: {  	s5 =	sor.u32 s28, s24;
	[dreg:$0x18] =	wrdreg s23;
	s24 =	simm.s32 $0x13F80  }
0x12: {  	s8 =	sadd.s32 $0x6600, s3;
	s11 =	simm.s32 $0x14480;
	[dreg:$0x19] =	wrdreg s24  }
0x13: {  	s13 =	simm.s32 $0x14500;
	s26 =	sshrl.u32 s7, $0x3;
	[smem:$0x7FC] =	sst s11  }
0x14: {  	s5 =	smul.u32 $0x280, s5;
	[smem:$0x7FD] =	sst s13;
	s31 =	sadd.s32 s8, s26  }
0x15: {  	s9 =	smul.u32 $0x138800, s28;
	s26 =	simm.s32 $0x14000;
	[dreg:$0x6] =	wrdreg s31  }
0x16: {  	s5 =	sadd.s32 s5, s3;
	s3 =	sadd.s32 $0x5E00, s3;
	[dreg:$0x1a] =	wrdreg s26  }
0x17: {  	s31 =	simm.s32 $0x14080;
	[dreg:$0x4] =	wrdreg s3  }
0x18: {  	s0 =	sadd.s32 s7, s9;
	s25 =	sadd.s32 $0xE00, s5;
	[dreg:$0x1b] =	wrdreg s31  }
0x19: {  	s5 =	sshrl.u32 s0, $0x3;
	s0 =	simm.s32 $0x14100;
	[dreg:$0x5] =	wrdreg s25  }
0x1a: {  	p0 =	sne.s32 s6, $0x0;
	s29 =	sadd.s32 $0x138400, s1;
	[dreg:$0x1c] =	wrdreg s0  }
0x1b: {  	p1 =	sgt.u32 s6, $0x1;
	s3 =	sadd.s32 s4, s5;
	s12 =	rddreg [dreg:$0x4]  }
0x1c: {  	s7 =	sshrl.u32 s9, $0x3;
	s5 =	simm.s32 $0x14200;
	[dreg:$0x7] =	wrdreg s3  }
0x1d: {  	s4 =	sadd.s32 s4, s7;
	s7 =	simm.s32 $0x14280;
	[dreg:$0x1e] =	wrdreg s5  }
0x1e: {  	s25 =	sadd.s32 $0x138000, s1;
	s9 =	sadd.s32 $0x27000, s4;
	[dreg:$0x1f] =	wrdreg s7  }
0x1f: {  	s10 =	sadd.s32 $0x27080, s4;
	s4 =	simm.s32 $0x27080;
	[dreg:$0x8] =	wrdreg s9  }
0x20: {  	s3 =	smov.u32 s25;
	[dreg:$0x9] =	wrdreg s10;
	s9 =	simm.s32 $0x14380  }
0x21: {  	s4 =	simm.s32 @!p0 $0x27000;
	s10 =	simm.s32 $0x14400;
	[smem:$0x7FA] =	sst s9  }
0x22: {  	s3 =	smov.u32 @p0 s29;
	s4 =	sadd.s32 s4, s8;
	[smem:$0x7FB] =	sst s10  }
0x23: {  	s3 =	sshrl.u32 @!p1 s3, $0x3;
	[dreg:$0xa] =	wrdreg s4  }
0x24: {  	s8 =	simm.s32 $0x14300;
	[dreg:$0xb] =	wrdreg s3  }
0x25: {  	s4 =	simm.s32 $0x14180;
	[smem:$0x7F9] =	sst s8  }
0x26: {  	s3 =	simm.s32 $0x14C80;
	[dreg:$0x1d] =	wrdreg s4;
	s4 =	simm.s32 $0x2  }
0x27: {  	[tilespmem:s3], [sflag:$0x2] =	stream.linear.gather [hbm4b:s12+s2], $0x3E80, $0x38;
	[tilespmem:$0x18C80] =	vst v63  }
0x28: {  	_ =	swait.ge [sflag:s4], $0x3E80  }
0x29: {  	s15 =	smul.u32 $0x4E000, s6;
	[sflag:s4] =	ssyncset.done $0x0  }
0x2a: {  	s5 =	simm.s32 $0x13880;
	s14 =	rddreg [dreg:$0x5];
	[sflag:s4] =	ssyncadd.s32 $0xFFFFC180  }
0x2b: {  	[tilespmem:s5], [sflag:$0x2] =	stream.linear.gather [hbm4b:s14+s2], $0x1400, $0x38;
	[tilespmem:$0x18C80] =	vst v63  }
0x2c: {  	s6 =	sshll.u32 s6, $0x6;
	s16 =	sshrl.u32 s15, $0x2;
	_ =	swait.ge [sflag:s4], $0x1400  }
0x2d: {  	s6 =	sor.u32 $0x1C02, s6;
	s7 =	sadd.s32 s16, s1;
	[sflag:s4] =	ssyncset.done $0x0  }
0x2e: {  	s7 =	sshrl.u32 s7, $0x3;
	s17 =	rddreg [dreg:$0x6];
	[sflag:s4] =	ssyncadd.s32 $0xFFFFEC00  }
0x2f: {  	[spmem:s7], [sflag:s6] =	dma.local [hbm:s17], $0x2700  }
0x30: {  	_ =	swait.ge [sflag:s4], $0x2700  }
0x31: {  	s9 =	rddreg [dreg:$0xa];
	[sflag:s4] =	ssyncset.done $0x0  }
0x32: {  	s8 =	simm.s32 @!p1 $0x2;
	s10 =	rddreg [dreg:$0xb];
	[sflag:s4] =	ssyncadd.s32 $0xFFFFD900  }
0x33: {  	[spmem:s10], [sflag:s6] =	dma.local @!p1 [hbm:s9], $0x80  }
0x34: {  	_ =	swait.ge @!p1 [sflag:s8], $0x80  }
0x35: {  	[sflag:s8] =	ssyncset.done @!p1 $0x0  }
0x36: {  	[sflag:s8] =	ssyncadd.s32 @!p1 $0xFFFFFF80  }
0x37: {  	[bflag:$0x0] =	sbarrier.arrive $0xFFFF  }
0x38: {  	s9 =	simm.s32 $0x7D;
	s18 =	rddreg [dreg:$0xc]  }
0x39: {  	[spmem:s1] =	stream.indirect.scatter.add.f32 [tilespmem:s3], [sflag:$0x1], $0x80, s5, s9, $0xb8;
	[tilespmem:$0x18C80] =	vst v63  }
0x3a: {  	s11 =	rddreg [dreg:$0xd]  }
0x3b: {  	[spmem:s1] =	stream.indirect.scatter.add.f32 [tilespmem:s3], [sflag:$0x1], $0x80, s18, s9, $0xb8;
	[tilespmem:$0x18C80] =	vst v63  }
0x3c: {  	s19 =	rddreg [dreg:$0xe]  }
0x3d: {  	[spmem:s1] =	stream.indirect.scatter.add.f32 [tilespmem:s3], [sflag:$0x1], $0x80, s11, s9, $0xb8;
	[tilespmem:$0x18C80] =	vst v63  }
0x3e: {  	s20 =	rddreg [dreg:$0xf]  }
0x3f: {  	[spmem:s1] =	stream.indirect.scatter.add.f32 [tilespmem:s3], [sflag:$0x1], $0x80, s19, s9, $0xb8;
	[tilespmem:$0x18C80] =	vst v63  }
0x40: {  	s21 =	rddreg [dreg:$0x10]  }
0x41: {  	[spmem:s1] =	stream.indirect.scatter.add.f32 [tilespmem:s3], [sflag:$0x1], $0x80, s20, s9, $0xb8;
	[tilespmem:$0x18C80] =	vst v63  }
0x42: {  	s22 =	rddreg [dreg:$0x11]  }
0x43: {  	[spmem:s1] =	stream.indirect.scatter.add.f32 [tilespmem:s3], [sflag:$0x1], $0x80, s21, s9, $0xb8;
	[tilespmem:$0x18C80] =	vst v63  }
0x44: {  	s23 =	rddreg [dreg:$0x12]  }
0x45: {  	[spmem:s1] =	stream.indirect.scatter.add.f32 [tilespmem:s3], [sflag:$0x1], $0x80, s22, s9, $0xb8;
	[tilespmem:$0x18C80] =	vst v63  }
0x46: {  	s24 =	rddreg [dreg:$0x13]  }
0x47: {  	[spmem:s1] =	stream.indirect.scatter.add.f32 [tilespmem:s3], [sflag:$0x1], $0x80, s23, s9, $0xb8;
	[tilespmem:$0x18C80] =	vst v63  }
0x48: {  	s26 =	rddreg [dreg:$0x14]  }
0x49: {  	[spmem:s1] =	stream.indirect.scatter.add.f32 [tilespmem:s3], [sflag:$0x1], $0x80, s24, s9, $0xb8;
	[tilespmem:$0x18C80] =	vst v63  }
0x4a: {  	s31 =	rddreg [dreg:$0x15]  }
0x4b: {  	[spmem:s1] =	stream.indirect.scatter.add.f32 [tilespmem:s3], [sflag:$0x1], $0x80, s26, s9, $0xb8;
	[tilespmem:$0x18C80] =	vst v63  }
0x4c: {  	s0 =	rddreg [dreg:$0x16]  }
0x4d: {  	[spmem:s1] =	stream.indirect.scatter.add.f32 [tilespmem:s3], [sflag:$0x1], $0x80, s31, s9, $0xb8;
	[tilespmem:$0x18C80] =	vst v63  }
0x4e: {  	s12 =	rddreg [dreg:$0x17]  }
0x4f: {  	[spmem:s1] =	stream.indirect.scatter.add.f32 [tilespmem:s3], [sflag:$0x1], $0x80, s0, s9, $0xb8;
	[tilespmem:$0x18C80] =	vst v63  }
0x50: {  	s13 =	rddreg [dreg:$0x18]  }
0x51: {  	[spmem:s1] =	stream.indirect.scatter.add.f32 [tilespmem:s3], [sflag:$0x1], $0x80, s12, s9, $0xb8;
	[tilespmem:$0x18C80] =	vst v63  }
0x52: {  	s14 =	rddreg [dreg:$0x19]  }
0x53: {  	[spmem:s1] =	stream.indirect.scatter.add.f32 [tilespmem:s3], [sflag:$0x1], $0x80, s13, s9, $0xb8;
	[tilespmem:$0x18C80] =	vst v63  }
0x54: {  	s15 =	rddreg [dreg:$0x1a]  }
0x55: {  	[spmem:s1] =	stream.indirect.scatter.add.f32 [tilespmem:s3], [sflag:$0x1], $0x80, s14, s9, $0xb8;
	[tilespmem:$0x18C80] =	vst v63  }
0x56: {  	s16 =	rddreg [dreg:$0x1b]  }
0x57: {  	[spmem:s1] =	stream.indirect.scatter.add.f32 [tilespmem:s3], [sflag:$0x1], $0x80, s15, s9, $0xb8;
	[tilespmem:$0x18C80] =	vst v63  }
0x58: {  	s17 =	rddreg [dreg:$0x1c]  }
0x59: {  	[spmem:s1] =	stream.indirect.scatter.add.f32 [tilespmem:s3], [sflag:$0x1], $0x80, s16, s9, $0xb8;
	[tilespmem:$0x18C80] =	vst v63  }
0x5a: {  	s18 =	rddreg [dreg:$0x1d]  }
0x5b: {  	[spmem:s1] =	stream.indirect.scatter.add.f32 [tilespmem:s3], [sflag:$0x1], $0x80, s17, s9, $0xb8;
	[tilespmem:$0x18C80] =	vst v63  }
0x5c: {  	s19 =	rddreg [dreg:$0x1e]  }
0x5d: {  	[spmem:s1] =	stream.indirect.scatter.add.f32 [tilespmem:s3], [sflag:$0x1], $0x80, s18, s9, $0xb8;
	[tilespmem:$0x18C80] =	vst v63  }
0x5e: {  	s20 =	rddreg [dreg:$0x1f]  }
0x5f: {  	[spmem:s1] =	stream.indirect.scatter.add.f32 [tilespmem:s3], [sflag:$0x1], $0x80, s19, s9, $0xb8;
	[tilespmem:$0x18C80] =	vst v63  }
0x60: {  	s21 =	sld [smem:$0x7F9]  }
0x61: {  	[spmem:s1] =	stream.indirect.scatter.add.f32 [tilespmem:s3], [sflag:$0x1], $0x80, s20, s9, $0xb8;
	[tilespmem:$0x18C80] =	vst v63  }
0x62: {  	s22 =	sld [smem:$0x7FA]  }
0x63: {  	[spmem:s1] =	stream.indirect.scatter.add.f32 [tilespmem:s3], [sflag:$0x1], $0x80, s21, s9, $0xb8;
	[tilespmem:$0x18C80] =	vst v63  }
0x64: {  	s23 =	sld [smem:$0x7FB]  }
0x65: {  	[spmem:s1] =	stream.indirect.scatter.add.f32 [tilespmem:s3], [sflag:$0x1], $0x80, s22, s9, $0xb8;
	[tilespmem:$0x18C80] =	vst v63  }
0x66: {  	s24 =	sld [smem:$0x7FC]  }
0x67: {  	[spmem:s1] =	stream.indirect.scatter.add.f32 [tilespmem:s3], [sflag:$0x1], $0x80, s23, s9, $0xb8;
	[tilespmem:$0x18C80] =	vst v63  }
0x68: {  	s26 =	sld [smem:$0x7FD]  }
0x69: {  	[spmem:s1] =	stream.indirect.scatter.add.f32 [tilespmem:s3], [sflag:$0x1], $0x80, s24, s9, $0xb8;
	[tilespmem:$0x18C80] =	vst v63  }
0x6a: {  	_ = 	snop  }
0x6b: {  	[spmem:s1] =	stream.indirect.scatter.add.f32 [tilespmem:s3], [sflag:$0x1], $0x80, s26, s9, $0xb8;
	[tilespmem:$0x18C80] =	vst v63  }
0x6c: {  	s31 =	simm.s32 $0x14580  }
0x6d: {  	[spmem:s1] =	stream.indirect.scatter.add.f32 [tilespmem:s3], [sflag:$0x1], $0x80, s31, s9, $0xb8;
	[tilespmem:$0x18C80] =	vst v63  }
0x6e: {  	s11 =	simm.s32 $0x14600  }
0x6f: {  	[spmem:s1] =	stream.indirect.scatter.add.f32 [tilespmem:s3], [sflag:$0x1], $0x80, s11, s9, $0xb8;
	[tilespmem:$0x18C80] =	vst v63  }
0x70: {  	s12 =	simm.s32 $0x14680  }
0x71: {  	[spmem:s1] =	stream.indirect.scatter.add.f32 [tilespmem:s3], [sflag:$0x1], $0x80, s12, s9, $0xb8;
	[tilespmem:$0x18C80] =	vst v63  }
0x72: {  	s13 =	simm.s32 $0x14700  }
0x73: {  	[spmem:s1] =	stream.indirect.scatter.add.f32 [tilespmem:s3], [sflag:$0x1], $0x80, s13, s9, $0xb8;
	[tilespmem:$0x18C80] =	vst v63  }
0x74: {  	s14 =	simm.s32 $0x14780  }
0x75: {  	[spmem:s1] =	stream.indirect.scatter.add.f32 [tilespmem:s3], [sflag:$0x1], $0x80, s14, s9, $0xb8;
	[tilespmem:$0x18C80] =	vst v63  }
0x76: {  	s15 =	simm.s32 $0x14800  }
0x77: {  	[spmem:s1] =	stream.indirect.scatter.add.f32 [tilespmem:s3], [sflag:$0x1], $0x80, s15, s9, $0xb8;
	[tilespmem:$0x18C80] =	vst v63  }
0x78: {  	s16 =	simm.s32 $0x14880  }
0x79: {  	[spmem:s1] =	stream.indirect.scatter.add.f32 [tilespmem:s3], [sflag:$0x1], $0x80, s16, s9, $0xb8;
	[tilespmem:$0x18C80] =	vst v63  }
0x7a: {  	s17 =	simm.s32 $0x14900  }
0x7b: {  	[spmem:s1] =	stream.indirect.scatter.add.f32 [tilespmem:s3], [sflag:$0x1], $0x80, s17, s9, $0xb8;
	[tilespmem:$0x18C80] =	vst v63  }
0x7c: {  	s18 =	simm.s32 $0x14980  }
0x7d: {  	[spmem:s1] =	stream.indirect.scatter.add.f32 [tilespmem:s3], [sflag:$0x1], $0x80, s18, s9, $0xb8;
	[tilespmem:$0x18C80] =	vst v63  }
0x7e: {  	s19 =	simm.s32 $0x14A00  }
0x7f: {  	[spmem:s1] =	stream.indirect.scatter.add.f32 [tilespmem:s3], [sflag:$0x1], $0x80, s19, s9, $0xb8;
	[tilespmem:$0x18C80] =	vst v63  }
0x80: {  	s20 =	simm.s32 $0x14A80  }
0x81: {  	[spmem:s1] =	stream.indirect.scatter.add.f32 [tilespmem:s3], [sflag:$0x1], $0x80, s20, s9, $0xb8;
	[tilespmem:$0x18C80] =	vst v63  }
0x82: {  	s21 =	simm.s32 $0x14B00  }
0x83: {  	[spmem:s1] =	stream.indirect.scatter.add.f32 [tilespmem:s3], [sflag:$0x1], $0x80, s21, s9, $0xb8;
	[tilespmem:$0x18C80] =	vst v63  }
0x84: {  	s22 =	simm.s32 $0x14B80  }
0x85: {  	[spmem:s1] =	stream.indirect.scatter.add.f32 [tilespmem:s3], [sflag:$0x1], $0x80, s22, s9, $0xb8;
	[tilespmem:$0x18C80] =	vst v63  }
0x86: {  	s23 =	simm.s32 $0x14C00;
	s24 =	simm.s32 $0x1  }
0x87: {  	[spmem:s1] =	stream.indirect.scatter.add.f32 [tilespmem:s3], [sflag:$0x1], $0x80, s23, s9, $0xb8;
	[tilespmem:$0x18C80] =	vst v63  }
0x88: {  	_ =	swait.ge [sflag:s24], $0x3E80  }
0x89: {  	[sflag:s24] =	ssyncset.done $0x0  }
0x8a: {  	[sflag:s24] =	ssyncadd.s32 $0xFFFFC180  }
0x8b: {  	_ =	swait.ge [sflag:s24], $0x3E80  }
0x8c: {  	[sflag:s24] =	ssyncset.done $0x0  }
0x8d: {  	[sflag:s24] =	ssyncadd.s32 $0xFFFFC180  }
0x8e: {  	_ =	swait.ge [sflag:s24], $0x3E80  }
0x8f: {  	[sflag:s24] =	ssyncset.done $0x0  }
0x90: {  	[sflag:s24] =	ssyncadd.s32 $0xFFFFC180  }
0x91: {  	_ =	swait.ge [sflag:s24], $0x3E80  }
0x92: {  	[sflag:s24] =	ssyncset.done $0x0  }
0x93: {  	[sflag:s24] =	ssyncadd.s32 $0xFFFFC180  }
0x94: {  	_ =	swait.ge [sflag:s24], $0x3E80  }
0x95: {  	[sflag:s24] =	ssyncset.done $0x0  }
0x96: {  	[sflag:s24] =	ssyncadd.s32 $0xFFFFC180  }
0x97: {  	_ =	swait.ge [sflag:s24], $0x3E80  }
0x98: {  	[sflag:s24] =	ssyncset.done $0x0  }
0x99: {  	[sflag:s24] =	ssyncadd.s32 $0xFFFFC180  }
0x9a: {  	_ =	swait.ge [sflag:s24], $0x3E80  }
0x9b: {  	[sflag:s24] =	ssyncset.done $0x0  }
0x9c: {  	[sflag:s24] =	ssyncadd.s32 $0xFFFFC180  }
0x9d: {  	_ =	swait.ge [sflag:s24], $0x3E80  }
0x9e: {  	[sflag:s24] =	ssyncset.done $0x0  }
0x9f: {  	[sflag:s24] =	ssyncadd.s32 $0xFFFFC180  }
0xa0: {  	_ =	swait.ge [sflag:s24], $0x3E80  }
0xa1: {  	[sflag:s24] =	ssyncset.done $0x0  }
0xa2: {  	[sflag:s24] =	ssyncadd.s32 $0xFFFFC180  }
0xa3: {  	_ =	swait.ge [sflag:s24], $0x3E80  }
0xa4: {  	[sflag:s24] =	ssyncset.done $0x0  }
0xa5: {  	[sflag:s24] =	ssyncadd.s32 $0xFFFFC180  }
0xa6: {  	_ =	swait.ge [sflag:s24], $0x3E80  }
0xa7: {  	[sflag:s24] =	ssyncset.done $0x0  }
0xa8: {  	[sflag:s24] =	ssyncadd.s32 $0xFFFFC180  }
0xa9: {  	_ =	swait.ge [sflag:s24], $0x3E80  }
0xaa: {  	[sflag:s24] =	ssyncset.done $0x0  }
0xab: {  	[sflag:s24] =	ssyncadd.s32 $0xFFFFC180  }
0xac: {  	_ =	swait.ge [sflag:s24], $0x3E80  }
0xad: {  	[sflag:s24] =	ssyncset.done $0x0  }
0xae: {  	[sflag:s24] =	ssyncadd.s32 $0xFFFFC180  }
0xaf: {  	_ =	swait.ge [sflag:s24], $0x3E80  }
0xb0: {  	[sflag:s24] =	ssyncset.done $0x0  }
0xb1: {  	[sflag:s24] =	ssyncadd.s32 $0xFFFFC180  }
0xb2: {  	_ =	swait.ge [sflag:s24], $0x3E80  }
0xb3: {  	[sflag:s24] =	ssyncset.done $0x0  }
0xb4: {  	[sflag:s24] =	ssyncadd.s32 $0xFFFFC180  }
0xb5: {  	_ =	swait.ge [sflag:s24], $0x3E80  }
0xb6: {  	[sflag:s24] =	ssyncset.done $0x0  }
0xb7: {  	[sflag:s24] =	ssyncadd.s32 $0xFFFFC180  }
0xb8: {  	_ =	swait.ge [sflag:s24], $0x3E80  }
0xb9: {  	[sflag:s24] =	ssyncset.done $0x0  }
0xba: {  	[sflag:s24] =	ssyncadd.s32 $0xFFFFC180  }
0xbb: {  	_ =	swait.ge [sflag:s24], $0x3E80  }
0xbc: {  	[sflag:s24] =	ssyncset.done $0x0  }
0xbd: {  	[sflag:s24] =	ssyncadd.s32 $0xFFFFC180  }
0xbe: {  	_ =	swait.ge [sflag:s24], $0x3E80  }
0xbf: {  	[sflag:s24] =	ssyncset.done $0x0  }
0xc0: {  	[sflag:s24] =	ssyncadd.s32 $0xFFFFC180  }
0xc1: {  	_ =	swait.ge [sflag:s24], $0x3E80  }
0xc2: {  	[sflag:s24] =	ssyncset.done $0x0  }
0xc3: {  	[sflag:s24] =	ssyncadd.s32 $0xFFFFC180  }
0xc4: {  	_ =	swait.ge [sflag:s24], $0x3E80  }
0xc5: {  	[sflag:s24] =	ssyncset.done $0x0  }
0xc6: {  	[sflag:s24] =	ssyncadd.s32 $0xFFFFC180  }
0xc7: {  	_ =	swait.ge [sflag:s24], $0x3E80  }
0xc8: {  	[sflag:s24] =	ssyncset.done $0x0  }
0xc9: {  	[sflag:s24] =	ssyncadd.s32 $0xFFFFC180  }
0xca: {  	_ =	swait.ge [sflag:s24], $0x3E80  }
0xcb: {  	[sflag:s24] =	ssyncset.done $0x0  }
0xcc: {  	[sflag:s24] =	ssyncadd.s32 $0xFFFFC180  }
0xcd: {  	_ =	swait.ge [sflag:s24], $0x3E80  }
0xce: {  	[sflag:s24] =	ssyncset.done $0x0  }
0xcf: {  	[sflag:s24] =	ssyncadd.s32 $0xFFFFC180  }
0xd0: {  	_ =	swait.ge [sflag:s24], $0x3E80  }
0xd1: {  	[sflag:s24] =	ssyncset.done $0x0  }
0xd2: {  	[sflag:s24] =	ssyncadd.s32 $0xFFFFC180  }
0xd3: {  	_ =	swait.ge [sflag:s24], $0x3E80  }
0xd4: {  	[sflag:s24] =	ssyncset.done $0x0  }
0xd5: {  	[sflag:s24] =	ssyncadd.s32 $0xFFFFC180  }
0xd6: {  	_ =	swait.ge [sflag:s24], $0x3E80  }
0xd7: {  	[sflag:s24] =	ssyncset.done $0x0  }
0xd8: {  	[sflag:s24] =	ssyncadd.s32 $0xFFFFC180  }
0xd9: {  	_ =	swait.ge [sflag:s24], $0x3E80  }
0xda: {  	[sflag:s24] =	ssyncset.done $0x0  }
0xdb: {  	[sflag:s24] =	ssyncadd.s32 $0xFFFFC180  }
0xdc: {  	_ =	swait.ge [sflag:s24], $0x3E80  }
0xdd: {  	[sflag:s24] =	ssyncset.done $0x0  }
0xde: {  	[sflag:s24] =	ssyncadd.s32 $0xFFFFC180  }
0xdf: {  	_ =	swait.ge [sflag:s24], $0x3E80  }
0xe0: {  	[sflag:s24] =	ssyncset.done $0x0  }
0xe1: {  	[sflag:s24] =	ssyncadd.s32 $0xFFFFC180  }
0xe2: {  	_ =	swait.ge [sflag:s24], $0x3E80  }
0xe3: {  	[sflag:s24] =	ssyncset.done $0x0  }
0xe4: {  	[sflag:s24] =	ssyncadd.s32 $0xFFFFC180  }
0xe5: {  	_ =	swait.ge [sflag:s24], $0x3E80  }
0xe6: {  	[sflag:s24] =	ssyncset.done $0x0  }
0xe7: {  	[sflag:s24] =	ssyncadd.s32 $0xFFFFC180  }
0xe8: {  	_ =	swait.ge [sflag:s24], $0x3E80  }
0xe9: {  	[sflag:s24] =	ssyncset.done $0x0  }
0xea: {  	[sflag:s24] =	ssyncadd.s32 $0xFFFFC180  }
0xeb: {  	_ =	swait.ge [sflag:s24], $0x3E80  }
0xec: {  	[sflag:s24] =	ssyncset.done $0x0  }
0xed: {  	[sflag:s24] =	ssyncadd.s32 $0xFFFFC180  }
0xee: {  	_ =	swait.ge [sflag:s24], $0x3E80  }
0xef: {  	[sflag:s24] =	ssyncset.done $0x0  }
0xf0: {  	[sflag:s24] =	ssyncadd.s32 $0xFFFFC180  }
0xf1: {  	_ =	swait.ge [sflag:s24], $0x3E80  }
0xf2: {  	[sflag:s24] =	ssyncset.done $0x0  }
0xf3: {  	[sflag:s24] =	ssyncadd.s32 $0xFFFFC180  }
0xf4: {  	_ =	swait.ge [sflag:s24], $0x3E80  }
0xf5: {  	[sflag:s24] =	ssyncset.done $0x0  }
0xf6: {  	[sflag:s24] =	ssyncadd.s32 $0xFFFFC180  }
0xf7: {  	_ =	swait.ge [sflag:s24], $0x3E80  }
0xf8: {  	[sflag:s24] =	ssyncset.done $0x0  }
0xf9: {  	[sflag:s24] =	ssyncadd.s32 $0xFFFFC180  }
0xfa: {  	_ =	swait.ge [sflag:s24], $0x3E80  }
0xfb: {  	[sflag:s24] =	ssyncset.done $0x0  }
0xfc: {  	[sflag:s24] =	ssyncadd.s32 $0xFFFFC180  }
0xfd: {  	_ =	swait.ge [sflag:s24], $0x3E80  }
0xfe: {  	[sflag:s24] =	ssyncset.done $0x0  }
0xff: {  	[sflag:s24] =	ssyncadd.s32 $0xFFFFC180  }
0x100: {  	[bflag:$0x0] =	sbarrier.arrive $0xFFFF  }
0x101: {  	s26 =	rddreg [dreg:$0x7]  }
0x102: {  	[hbm:s26], [sflag:s6] =	dma.local [spmem:s7], $0x2700  }
0x103: {  	_ =	swait.ge [sflag:s4], $0x2700  }
0x104: {  	[sflag:s4] =	ssyncset.done $0x0  }
0x105: {  	s25 =	sshrl.u32 @!p0 s25, $0x3;
	s26 =	rddreg [dreg:$0x8];
	[sflag:s4] =	ssyncadd.s32 $0xFFFFD900  }
0x106: {  	[hbm:s26], [sflag:s6] =	dma.local @!p0 [spmem:s25], $0x80  }
0x107: {  	p2 =	por $0x0, $0x0;
	s28 =	ssub.s32 $0x2, s28;
	s26 =	simm.s32 @!p0 $0x2  }
0x108: {  	p2 =	por @!p1 p0, p0;
	s31 =	sshrl.u32 s28, $0x1;
	_ =	swait.ge @!p0 [sflag:s26], $0x80  }
0x109: {  	s29 =	sshrl.u32 @p2 s29, $0x3;
	s28 =	ssub.s32 s28, s31;
	[sflag:s26] =	ssyncset.done @!p0 $0x0  }
0x10a: {  	s28 =	smax.u32 s28, $0x1;
	s30 =	rddreg [dreg:$0x9];
	[sflag:s26] =	ssyncadd.s32 @!p0 $0xFFFFFF80  }
0x10b: {  	[hbm:s30], [sflag:s6] =	dma.local @p2 [spmem:s29], $0x80  }
0x10c: {  	s30 =	sadd.s32 $0xFFFFFFFF, s28  }
0x10d: {  	p3 =	sne.s32 s30, $0x0  }
.Ltmp0:
0x10e: {  	_ = 	snop;
	(pc) =	sbr.rel @!p3 .LBB2_2-.Ltmp0, $2  }
0x10f: {  	_ =	sdelay $0x2  }
0x110: {  	s28 =	simm.s32 @p2 $0x2  }
.LBB2_1:
0x111: {  	_ =	swait.ge @p2 [sflag:s28], $0x80  }
0x112: {  	[sflag:s28] =	ssyncset.done @p2 $0x0  }
0x113: {  	s31 =	rddreg [dreg:$0x4];
	[sflag:s28] =	ssyncadd.s32 @p2 $0xFFFFFF80  }
0x114: {  	[tilespmem:s3], [sflag:$0x2] =	stream.linear.gather [hbm4b:s31+s2], $0x3E80, $0x38;
	[tilespmem:$0x18C80] =	vst v63  }
0x115: {  	_ =	swait.ge [sflag:s4], $0x3E80  }
0x116: {  	[sflag:s4] =	ssyncset.done $0x0  }
0x117: {  	s10 =	rddreg [dreg:$0x5];
	[sflag:s4] =	ssyncadd.s32 $0xFFFFC180  }
0x118: {  	[tilespmem:s5], [sflag:$0x2] =	stream.linear.gather [hbm4b:s10+s2], $0x1400, $0x38;
	[tilespmem:$0x18C80] =	vst v63  }
0x119: {  	_ =	swait.ge [sflag:s4], $0x1400  }
0x11a: {  	[sflag:s4] =	ssyncset.done $0x0  }
0x11b: {  	s0 =	rddreg [dreg:$0x6];
	[sflag:s4] =	ssyncadd.s32 $0xFFFFEC00  }
0x11c: {  	[spmem:s7], [sflag:s6] =	dma.local [hbm:s0], $0x2700  }
0x11d: {  	_ =	swait.ge [sflag:s4], $0x2700  }
0x11e: {  	[sflag:s4] =	ssyncset.done $0x0;
	s31 =	rddreg [dreg:$0xa]  }
0x11f: {  	s0 =	rddreg [dreg:$0xb];
	[sflag:s4] =	ssyncadd.s32 $0xFFFFD900  }
0x120: {  	[spmem:s0], [sflag:s6] =	dma.local @!p1 [hbm:s31], $0x80  }
0x121: {  	_ =	swait.ge @!p1 [sflag:s8], $0x80  }
0x122: {  	[sflag:s8] =	ssyncset.done @!p1 $0x0  }
0x123: {  	[sflag:s8] =	ssyncadd.s32 @!p1 $0xFFFFFF80  }
0x124: {  	[bflag:$0x0] =	sbarrier.arrive $0xFFFF  }
0x125: {  	[spmem:s1] =	stream.indirect.scatter.add.f32 [tilespmem:s3], [sflag:$0x1], $0x80, s5, s9, $0xb8;
	[tilespmem:$0x18C80] =	vst v63  }
0x126: {  	s0 =	rddreg [dreg:$0xc]  }
0x127: {  	s31 =	rddreg [dreg:$0xe]  }
0x128: {  	[spmem:s1] =	stream.indirect.scatter.add.f32 [tilespmem:s3], [sflag:$0x1], $0x80, s0, s9, $0xb8;
	[tilespmem:$0x18C80] =	vst v63  }
0x129: {  	s10 =	rddreg [dreg:$0xd]  }
0x12a: {  	[spmem:s1] =	stream.indirect.scatter.add.f32 [tilespmem:s3], [sflag:$0x1], $0x80, s10, s9, $0xb8;
	[tilespmem:$0x18C80] =	vst v63  }
0x12b: {  	s0 =	rddreg [dreg:$0xf]  }
0x12c: {  	[spmem:s1] =	stream.indirect.scatter.add.f32 [tilespmem:s3], [sflag:$0x1], $0x80, s31, s9, $0xb8;
	[tilespmem:$0x18C80] =	vst v63  }
0x12d: {  	s10 =	rddreg [dreg:$0x10]  }
0x12e: {  	[spmem:s1] =	stream.indirect.scatter.add.f32 [tilespmem:s3], [sflag:$0x1], $0x80, s0, s9, $0xb8;
	[tilespmem:$0x18C80] =	vst v63  }
0x12f: {  	s31 =	rddreg [dreg:$0x11]  }
0x130: {  	[spmem:s1] =	stream.indirect.scatter.add.f32 [tilespmem:s3], [sflag:$0x1], $0x80, s10, s9, $0xb8;
	[tilespmem:$0x18C80] =	vst v63  }
0x131: {  	s0 =	rddreg [dreg:$0x12]  }
0x132: {  	[spmem:s1] =	stream.indirect.scatter.add.f32 [tilespmem:s3], [sflag:$0x1], $0x80, s31, s9, $0xb8;
	[tilespmem:$0x18C80] =	vst v63  }
0x133: {  	s10 =	rddreg [dreg:$0x13]  }
0x134: {  	[spmem:s1] =	stream.indirect.scatter.add.f32 [tilespmem:s3], [sflag:$0x1], $0x80, s0, s9, $0xb8;
	[tilespmem:$0x18C80] =	vst v63  }
0x135: {  	s31 =	rddreg [dreg:$0x14]  }
0x136: {  	[spmem:s1] =	stream.indirect.scatter.add.f32 [tilespmem:s3], [sflag:$0x1], $0x80, s10, s9, $0xb8;
	[tilespmem:$0x18C80] =	vst v63  }
0x137: {  	s0 =	rddreg [dreg:$0x15]  }
0x138: {  	[spmem:s1] =	stream.indirect.scatter.add.f32 [tilespmem:s3], [sflag:$0x1], $0x80, s31, s9, $0xb8;
	[tilespmem:$0x18C80] =	vst v63  }
0x139: {  	s10 =	rddreg [dreg:$0x16]  }
0x13a: {  	[spmem:s1] =	stream.indirect.scatter.add.f32 [tilespmem:s3], [sflag:$0x1], $0x80, s0, s9, $0xb8;
	[tilespmem:$0x18C80] =	vst v63  }
0x13b: {  	s31 =	rddreg [dreg:$0x17]  }
0x13c: {  	[spmem:s1] =	stream.indirect.scatter.add.f32 [tilespmem:s3], [sflag:$0x1], $0x80, s10, s9, $0xb8;
	[tilespmem:$0x18C80] =	vst v63  }
0x13d: {  	s0 =	rddreg [dreg:$0x18]  }
0x13e: {  	[spmem:s1] =	stream.indirect.scatter.add.f32 [tilespmem:s3], [sflag:$0x1], $0x80, s31, s9, $0xb8;
	[tilespmem:$0x18C80] =	vst v63  }
0x13f: {  	s10 =	rddreg [dreg:$0x19]  }
0x140: {  	[spmem:s1] =	stream.indirect.scatter.add.f32 [tilespmem:s3], [sflag:$0x1], $0x80, s0, s9, $0xb8;
	[tilespmem:$0x18C80] =	vst v63  }
0x141: {  	s31 =	rddreg [dreg:$0x1a]  }
0x142: {  	[spmem:s1] =	stream.indirect.scatter.add.f32 [tilespmem:s3], [sflag:$0x1], $0x80, s10, s9, $0xb8;
	[tilespmem:$0x18C80] =	vst v63  }
0x143: {  	s0 =	rddreg [dreg:$0x1b]  }
0x144: {  	[spmem:s1] =	stream.indirect.scatter.add.f32 [tilespmem:s3], [sflag:$0x1], $0x80, s31, s9, $0xb8;
	[tilespmem:$0x18C80] =	vst v63  }
0x145: {  	s10 =	rddreg [dreg:$0x1c]  }
0x146: {  	[spmem:s1] =	stream.indirect.scatter.add.f32 [tilespmem:s3], [sflag:$0x1], $0x80, s0, s9, $0xb8;
	[tilespmem:$0x18C80] =	vst v63  }
0x147: {  	s31 =	rddreg [dreg:$0x1d]  }
0x148: {  	[spmem:s1] =	stream.indirect.scatter.add.f32 [tilespmem:s3], [sflag:$0x1], $0x80, s10, s9, $0xb8;
	[tilespmem:$0x18C80] =	vst v63  }
0x149: {  	s0 =	rddreg [dreg:$0x1e]  }
0x14a: {  	[spmem:s1] =	stream.indirect.scatter.add.f32 [tilespmem:s3], [sflag:$0x1], $0x80, s31, s9, $0xb8;
	[tilespmem:$0x18C80] =	vst v63  }
0x14b: {  	s10 =	rddreg [dreg:$0x1f]  }
0x14c: {  	[spmem:s1] =	stream.indirect.scatter.add.f32 [tilespmem:s3], [sflag:$0x1], $0x80, s0, s9, $0xb8;
	[tilespmem:$0x18C80] =	vst v63  }
0x14d: {  	s31 =	sld [smem:$0x7F9]  }
0x14e: {  	[spmem:s1] =	stream.indirect.scatter.add.f32 [tilespmem:s3], [sflag:$0x1], $0x80, s10, s9, $0xb8;
	[tilespmem:$0x18C80] =	vst v63  }
0x14f: {  	s0 =	sld [smem:$0x7FA]  }
0x150: {  	[spmem:s1] =	stream.indirect.scatter.add.f32 [tilespmem:s3], [sflag:$0x1], $0x80, s31, s9, $0xb8;
	[tilespmem:$0x18C80] =	vst v63  }
0x151: {  	s10 =	sld [smem:$0x7FB]  }
0x152: {  	[spmem:s1] =	stream.indirect.scatter.add.f32 [tilespmem:s3], [sflag:$0x1], $0x80, s0, s9, $0xb8;
	[tilespmem:$0x18C80] =	vst v63  }
0x153: {  	s31 =	sld [smem:$0x7FC]  }
0x154: {  	[spmem:s1] =	stream.indirect.scatter.add.f32 [tilespmem:s3], [sflag:$0x1], $0x80, s10, s9, $0xb8;
	[tilespmem:$0x18C80] =	vst v63  }
0x155: {  	s0 =	sld [smem:$0x7FD]  }
0x156: {  	[spmem:s1] =	stream.indirect.scatter.add.f32 [tilespmem:s3], [sflag:$0x1], $0x80, s31, s9, $0xb8;
	[tilespmem:$0x18C80] =	vst v63  }
0x157: {  	_ = 	snop  }
0x158: {  	[spmem:s1] =	stream.indirect.scatter.add.f32 [tilespmem:s3], [sflag:$0x1], $0x80, s0, s9, $0xb8;
	[tilespmem:$0x18C80] =	vst v63  }
0x159: {  	s10 =	simm.s32 $0x14580  }
0x15a: {  	[spmem:s1] =	stream.indirect.scatter.add.f32 [tilespmem:s3], [sflag:$0x1], $0x80, s10, s9, $0xb8;
	[tilespmem:$0x18C80] =	vst v63  }
0x15b: {  	_ = 	snop  }
0x15c: {  	[spmem:s1] =	stream.indirect.scatter.add.f32 [tilespmem:s3], [sflag:$0x1], $0x80, s11, s9, $0xb8;
	[tilespmem:$0x18C80] =	vst v63  }
0x15d: {  	_ = 	snop  }
0x15e: {  	[spmem:s1] =	stream.indirect.scatter.add.f32 [tilespmem:s3], [sflag:$0x1], $0x80, s12, s9, $0xb8;
	[tilespmem:$0x18C80] =	vst v63  }
0x15f: {  	_ = 	snop  }
0x160: {  	[spmem:s1] =	stream.indirect.scatter.add.f32 [tilespmem:s3], [sflag:$0x1], $0x80, s13, s9, $0xb8;
	[tilespmem:$0x18C80] =	vst v63  }
0x161: {  	_ = 	snop  }
0x162: {  	[spmem:s1] =	stream.indirect.scatter.add.f32 [tilespmem:s3], [sflag:$0x1], $0x80, s14, s9, $0xb8;
	[tilespmem:$0x18C80] =	vst v63  }
0x163: {  	_ = 	snop  }
0x164: {  	[spmem:s1] =	stream.indirect.scatter.add.f32 [tilespmem:s3], [sflag:$0x1], $0x80, s15, s9, $0xb8;
	[tilespmem:$0x18C80] =	vst v63  }
0x165: {  	_ = 	snop  }
0x166: {  	[spmem:s1] =	stream.indirect.scatter.add.f32 [tilespmem:s3], [sflag:$0x1], $0x80, s16, s9, $0xb8;
	[tilespmem:$0x18C80] =	vst v63  }
0x167: {  	_ = 	snop  }
0x168: {  	[spmem:s1] =	stream.indirect.scatter.add.f32 [tilespmem:s3], [sflag:$0x1], $0x80, s17, s9, $0xb8;
	[tilespmem:$0x18C80] =	vst v63  }
0x169: {  	_ = 	snop  }
0x16a: {  	[spmem:s1] =	stream.indirect.scatter.add.f32 [tilespmem:s3], [sflag:$0x1], $0x80, s18, s9, $0xb8;
	[tilespmem:$0x18C80] =	vst v63  }
0x16b: {  	_ = 	snop  }
0x16c: {  	[spmem:s1] =	stream.indirect.scatter.add.f32 [tilespmem:s3], [sflag:$0x1], $0x80, s19, s9, $0xb8;
	[tilespmem:$0x18C80] =	vst v63  }
0x16d: {  	_ = 	snop  }
0x16e: {  	[spmem:s1] =	stream.indirect.scatter.add.f32 [tilespmem:s3], [sflag:$0x1], $0x80, s20, s9, $0xb8;
	[tilespmem:$0x18C80] =	vst v63  }
0x16f: {  	_ = 	snop  }
0x170: {  	[spmem:s1] =	stream.indirect.scatter.add.f32 [tilespmem:s3], [sflag:$0x1], $0x80, s21, s9, $0xb8;
	[tilespmem:$0x18C80] =	vst v63  }
0x171: {  	_ = 	snop  }
0x172: {  	[spmem:s1] =	stream.indirect.scatter.add.f32 [tilespmem:s3], [sflag:$0x1], $0x80, s22, s9, $0xb8;
	[tilespmem:$0x18C80] =	vst v63  }
0x173: {  	_ = 	snop  }
0x174: {  	[spmem:s1] =	stream.indirect.scatter.add.f32 [tilespmem:s3], [sflag:$0x1], $0x80, s23, s9, $0xb8;
	[tilespmem:$0x18C80] =	vst v63  }
0x175: {  	_ =	swait.ge [sflag:s24], $0x3E80  }
0x176: {  	[sflag:s24] =	ssyncset.done $0x0  }
0x177: {  	[sflag:s24] =	ssyncadd.s32 $0xFFFFC180  }
0x178: {  	_ =	swait.ge [sflag:s24], $0x3E80  }
0x179: {  	[sflag:s24] =	ssyncset.done $0x0  }
0x17a: {  	[sflag:s24] =	ssyncadd.s32 $0xFFFFC180  }
0x17b: {  	_ =	swait.ge [sflag:s24], $0x3E80  }
0x17c: {  	[sflag:s24] =	ssyncset.done $0x0  }
0x17d: {  	[sflag:s24] =	ssyncadd.s32 $0xFFFFC180  }
0x17e: {  	_ =	swait.ge [sflag:s24], $0x3E80  }
0x17f: {  	[sflag:s24] =	ssyncset.done $0x0  }
0x180: {  	[sflag:s24] =	ssyncadd.s32 $0xFFFFC180  }
0x181: {  	_ =	swait.ge [sflag:s24], $0x3E80  }
0x182: {  	[sflag:s24] =	ssyncset.done $0x0  }
0x183: {  	[sflag:s24] =	ssyncadd.s32 $0xFFFFC180  }
0x184: {  	_ =	swait.ge [sflag:s24], $0x3E80  }
0x185: {  	[sflag:s24] =	ssyncset.done $0x0  }
0x186: {  	[sflag:s24] =	ssyncadd.s32 $0xFFFFC180  }
0x187: {  	_ =	swait.ge [sflag:s24], $0x3E80  }
0x188: {  	[sflag:s24] =	ssyncset.done $0x0  }
0x189: {  	[sflag:s24] =	ssyncadd.s32 $0xFFFFC180  }
0x18a: {  	_ =	swait.ge [sflag:s24], $0x3E80  }
0x18b: {  	[sflag:s24] =	ssyncset.done $0x0  }
0x18c: {  	[sflag:s24] =	ssyncadd.s32 $0xFFFFC180  }
0x18d: {  	_ =	swait.ge [sflag:s24], $0x3E80  }
0x18e: {  	[sflag:s24] =	ssyncset.done $0x0  }
0x18f: {  	[sflag:s24] =	ssyncadd.s32 $0xFFFFC180  }
0x190: {  	_ =	swait.ge [sflag:s24], $0x3E80  }
0x191: {  	[sflag:s24] =	ssyncset.done $0x0  }
0x192: {  	[sflag:s24] =	ssyncadd.s32 $0xFFFFC180  }
0x193: {  	_ =	swait.ge [sflag:s24], $0x3E80  }
0x194: {  	[sflag:s24] =	ssyncset.done $0x0  }
0x195: {  	[sflag:s24] =	ssyncadd.s32 $0xFFFFC180  }
0x196: {  	_ =	swait.ge [sflag:s24], $0x3E80  }
0x197: {  	[sflag:s24] =	ssyncset.done $0x0  }
0x198: {  	[sflag:s24] =	ssyncadd.s32 $0xFFFFC180  }
0x199: {  	_ =	swait.ge [sflag:s24], $0x3E80  }
0x19a: {  	[sflag:s24] =	ssyncset.done $0x0  }
0x19b: {  	[sflag:s24] =	ssyncadd.s32 $0xFFFFC180  }
0x19c: {  	_ =	swait.ge [sflag:s24], $0x3E80  }
0x19d: {  	[sflag:s24] =	ssyncset.done $0x0  }
0x19e: {  	[sflag:s24] =	ssyncadd.s32 $0xFFFFC180  }
0x19f: {  	_ =	swait.ge [sflag:s24], $0x3E80  }
0x1a0: {  	[sflag:s24] =	ssyncset.done $0x0  }
0x1a1: {  	[sflag:s24] =	ssyncadd.s32 $0xFFFFC180  }
0x1a2: {  	_ =	swait.ge [sflag:s24], $0x3E80  }
0x1a3: {  	[sflag:s24] =	ssyncset.done $0x0  }
0x1a4: {  	[sflag:s24] =	ssyncadd.s32 $0xFFFFC180  }
0x1a5: {  	_ =	swait.ge [sflag:s24], $0x3E80  }
0x1a6: {  	[sflag:s24] =	ssyncset.done $0x0  }
0x1a7: {  	[sflag:s24] =	ssyncadd.s32 $0xFFFFC180  }
0x1a8: {  	_ =	swait.ge [sflag:s24], $0x3E80  }
0x1a9: {  	[sflag:s24] =	ssyncset.done $0x0  }
0x1aa: {  	[sflag:s24] =	ssyncadd.s32 $0xFFFFC180  }
0x1ab: {  	_ =	swait.ge [sflag:s24], $0x3E80  }
0x1ac: {  	[sflag:s24] =	ssyncset.done $0x0  }
0x1ad: {  	[sflag:s24] =	ssyncadd.s32 $0xFFFFC180  }
0x1ae: {  	_ =	swait.ge [sflag:s24], $0x3E80  }
0x1af: {  	[sflag:s24] =	ssyncset.done $0x0  }
0x1b0: {  	[sflag:s24] =	ssyncadd.s32 $0xFFFFC180  }
0x1b1: {  	_ =	swait.ge [sflag:s24], $0x3E80  }
0x1b2: {  	[sflag:s24] =	ssyncset.done $0x0  }
0x1b3: {  	[sflag:s24] =	ssyncadd.s32 $0xFFFFC180  }
0x1b4: {  	_ =	swait.ge [sflag:s24], $0x3E80  }
0x1b5: {  	[sflag:s24] =	ssyncset.done $0x0  }
0x1b6: {  	[sflag:s24] =	ssyncadd.s32 $0xFFFFC180  }
0x1b7: {  	_ =	swait.ge [sflag:s24], $0x3E80  }
0x1b8: {  	[sflag:s24] =	ssyncset.done $0x0  }
0x1b9: {  	[sflag:s24] =	ssyncadd.s32 $0xFFFFC180  }
0x1ba: {  	_ =	swait.ge [sflag:s24], $0x3E80  }
0x1bb: {  	[sflag:s24] =	ssyncset.done $0x0  }
0x1bc: {  	[sflag:s24] =	ssyncadd.s32 $0xFFFFC180  }
0x1bd: {  	_ =	swait.ge [sflag:s24], $0x3E80  }
0x1be: {  	[sflag:s24] =	ssyncset.done $0x0  }
0x1bf: {  	[sflag:s24] =	ssyncadd.s32 $0xFFFFC180  }
0x1c0: {  	_ =	swait.ge [sflag:s24], $0x3E80  }
0x1c1: {  	[sflag:s24] =	ssyncset.done $0x0  }
0x1c2: {  	[sflag:s24] =	ssyncadd.s32 $0xFFFFC180  }
0x1c3: {  	_ =	swait.ge [sflag:s24], $0x3E80  }
0x1c4: {  	[sflag:s24] =	ssyncset.done $0x0  }
0x1c5: {  	[sflag:s24] =	ssyncadd.s32 $0xFFFFC180  }
0x1c6: {  	_ =	swait.ge [sflag:s24], $0x3E80  }
0x1c7: {  	[sflag:s24] =	ssyncset.done $0x0  }
0x1c8: {  	[sflag:s24] =	ssyncadd.s32 $0xFFFFC180  }
0x1c9: {  	_ =	swait.ge [sflag:s24], $0x3E80  }
0x1ca: {  	[sflag:s24] =	ssyncset.done $0x0  }
0x1cb: {  	[sflag:s24] =	ssyncadd.s32 $0xFFFFC180  }
0x1cc: {  	_ =	swait.ge [sflag:s24], $0x3E80  }
0x1cd: {  	[sflag:s24] =	ssyncset.done $0x0  }
0x1ce: {  	[sflag:s24] =	ssyncadd.s32 $0xFFFFC180  }
0x1cf: {  	_ =	swait.ge [sflag:s24], $0x3E80  }
0x1d0: {  	[sflag:s24] =	ssyncset.done $0x0  }
0x1d1: {  	[sflag:s24] =	ssyncadd.s32 $0xFFFFC180  }
0x1d2: {  	_ =	swait.ge [sflag:s24], $0x3E80  }
0x1d3: {  	[sflag:s24] =	ssyncset.done $0x0  }
0x1d4: {  	[sflag:s24] =	ssyncadd.s32 $0xFFFFC180  }
0x1d5: {  	_ =	swait.ge [sflag:s24], $0x3E80  }
0x1d6: {  	[sflag:s24] =	ssyncset.done $0x0  }
0x1d7: {  	[sflag:s24] =	ssyncadd.s32 $0xFFFFC180  }
0x1d8: {  	_ =	swait.ge [sflag:s24], $0x3E80  }
0x1d9: {  	[sflag:s24] =	ssyncset.done $0x0  }
0x1da: {  	[sflag:s24] =	ssyncadd.s32 $0xFFFFC180  }
0x1db: {  	_ =	swait.ge [sflag:s24], $0x3E80  }
0x1dc: {  	[sflag:s24] =	ssyncset.done $0x0  }
0x1dd: {  	[sflag:s24] =	ssyncadd.s32 $0xFFFFC180  }
0x1de: {  	_ =	swait.ge [sflag:s24], $0x3E80  }
0x1df: {  	[sflag:s24] =	ssyncset.done $0x0  }
0x1e0: {  	[sflag:s24] =	ssyncadd.s32 $0xFFFFC180  }
0x1e1: {  	_ =	swait.ge [sflag:s24], $0x3E80  }
0x1e2: {  	[sflag:s24] =	ssyncset.done $0x0  }
0x1e3: {  	[sflag:s24] =	ssyncadd.s32 $0xFFFFC180  }
0x1e4: {  	_ =	swait.ge [sflag:s24], $0x3E80  }
0x1e5: {  	[sflag:s24] =	ssyncset.done $0x0  }
0x1e6: {  	[sflag:s24] =	ssyncadd.s32 $0xFFFFC180  }
0x1e7: {  	_ =	swait.ge [sflag:s24], $0x3E80  }
0x1e8: {  	[sflag:s24] =	ssyncset.done $0x0  }
0x1e9: {  	[sflag:s24] =	ssyncadd.s32 $0xFFFFC180  }
0x1ea: {  	_ =	swait.ge [sflag:s24], $0x3E80  }
0x1eb: {  	[sflag:s24] =	ssyncset.done $0x0  }
0x1ec: {  	[sflag:s24] =	ssyncadd.s32 $0xFFFFC180  }
0x1ed: {  	[bflag:$0x0] =	sbarrier.arrive $0xFFFF  }
0x1ee: {  	s31 =	rddreg [dreg:$0x7]  }
0x1ef: {  	[hbm:s31], [sflag:s6] =	dma.local [spmem:s7], $0x2700  }
0x1f0: {  	_ =	swait.ge [sflag:s4], $0x2700  }
0x1f1: {  	s30 =	sadd.s32 $0xFFFFFFFF, s30;
	[sflag:s4] =	ssyncset.done $0x0  }
0x1f2: {  	p3 =	sne.s32 s30, $0x0;
	s0 =	rddreg [dreg:$0x8];
	[sflag:s4] =	ssyncadd.s32 $0xFFFFD900  }
0x1f3: {  	[hbm:s0], [sflag:s6] =	dma.local @!p0 [spmem:s25], $0x80  }
.Ltmp1:
0x1f4: {  	_ = 	snop;
	(pc) =	sbr.rel @p3 .LBB2_1-.Ltmp1, $4  }
0x1f5: {  	_ =	swait.ge @!p0 [sflag:s26], $0x80  }
0x1f6: {  	[sflag:s26] =	ssyncset.done @!p0 $0x0  }
0x1f7: {  	s0 =	rddreg [dreg:$0x9];
	[sflag:s26] =	ssyncadd.s32 @!p0 $0xFFFFFF80  }
0x1f8: {  	[hbm:s0], [sflag:s6] =	dma.local @p2 [spmem:s29], $0x80  }
.LBB2_2:
0x1f9: {  	_ =	swait.ge @p2 [sflag:s28], $0x80  }
0x1fa: {  	[sflag:s28] =	ssyncset.done @p2 $0x0  }
0x1fb: {  	[sflag:s28] =	ssyncadd.s32 @p2 $0xFFFFFF80  }
0x1fc: {  	_ =	sfence.sel $0x180000  }
0x1fd: {  	[bflag:$0x0] =	sbarrier.arrive $0xFFFF  }
0x1fe: {  	_ =	strace $0x90000047  }
0x1ff: {  	[bflag:$0x2] =	sbarrier.arrive $0xFFFF  }
0x200: {  	s0 =	rddreg [dreg:$0x3]  }
0x201: {  	s0 =	sadd.s32 @!p0 $0x100000, s0  }
0x202: {  	[sflag:s0] =	ssyncadd.tile.s32 @!p0 $0x1;
	_ =	shalt  }
.Lfunc_end2:
_tile_overlayer_lowered:
.L_overlay_start_2:
0x203: {  	(tag) =	ssettag $0x2  }
0x204: {  	s0 =	rddreg [dreg:$0x0];
	s2 =	stileid.u32  }
0x205: {  	s1 =	rddreg [dreg:$0x1];
	p0 =	sne.s32 s2, $0x0  }
0x206: {  	s3 =	rddreg [dreg:$0x2];
	[bflag:$0x3] =	sbarrier.arrive $0xFFFF;
	s2 =	simm.s32 @!p0 $0x1C02  }
0x207: {  	[timem:s3], [sflag:s2] =	dma.local @!p0 [hbm:s0], s1  }
0x208: {  	s0 =	simm.s32 @!p0 $0x2  }
0x209: {  	_ =	swait.ge @!p0 [sflag:s0], s1  }
0x20a: {  	s1 =	ssub.s32 @!p0 $0x0, s1;
	[sflag:s0] =	ssyncset.done @!p0 $0x0  }
0x20b: {  	[sflag:s0] =	ssyncadd.s32 @!p0 s1  }
0x20c: {  	[bflag:$0x3] =	sbarrier.arrive $0xFFFF  }
0x20d: {  	_ =	shalt  }

// kernel: kernel.9.cloned.1.call-start
scs
__scs_entry_jumppad:
0x0: {  	(pc) =	sbr.rel $0x88, $3  }
0x1: {  	(tag) =	ssettag $0x0;
	lr =	simm.s32 $0x1  }
0x2: {  	[smem:$0x3F9B] =	sst lr;
	_ =	strace $0xD0000000  }
0x3: {  	_ = 	snop  }
0x4: {  	_ = 	snop  }
0x5: {  	_ = 	snop  }
0x6: {  	_ = 	snop  }
0x7: {  	_ = 	snop  }
__scs_overlays_trampoline_lowered:
0x8: {  	[smem:$0x3FAA] =	sst s0  }
0x9: {  	[smem:$0x3FAB] =	sst s1  }
0xa: {  	[smem:$0x3FAC] =	sst s2  }
0xb: {  	[smem:$0x3FAD] =	sst s3  }
0xc: {  	[smem:$0x3FAE] =	sst s4  }
0xd: {  	[smem:$0x3FAF] =	sst s5  }
0xe: {  	[smem:$0x3FB0] =	sst s6  }
0xf: {  	[smem:$0x3FB1] =	sst s7  }
0x10: {  	[smem:$0x3FB2] =	sst s8  }
0x11: {  	[smem:$0x3FB3] =	sst s9;
	s0 =	simm.s32 @!p0 $0x0  }
0x12: {  	s1 =	sld [smem:$0x3F99];
	s0 =	simm.s32 @p0 $0x1  }
0x13: {  	[smem:$0x3FB4] =	sst s0;
	s0 =	simm.s32 @!p1 $0x0  }
0x14: {  	s2 =	sld [smem:$0x3F98];
	s0 =	simm.s32 @p1 $0x1  }
0x15: {  	[smem:$0x3FB5] =	sst s0;
	s0 =	simm.s32 @!p2 $0x0  }
0x16: {  	s3 =	sld [smem:$0x3FDB];
	s0 =	simm.s32 @p2 $0x1  }
0x17: {  	s4 =	simm.s32 $0x1BF5;
	[smem:$0x3FB7] =	sst s0  }
0x18: {  	s0 =	sld [smem:$0x3F9A];
	_ =	swait.ge [sflag:s4], $0x0  }
0x19: {  	s7 =	sld [smem:$0x3F9B]  }
0x1a: {  	s8 =	sadd.s32 $0xFFFFE003, lr  }
0x1b: {  	s9 =	sadd.s32 $0xFFFFFEF7, lr;
	s5 =	simm.s32 $0xFFFFFFFF;
	p2 =	slt.u32 s8, $0xFFFFF086  }
0x1c: {  	p1 =	slt.u32 s9, $0xF7A;
	s5 =	simm.s32 @!p2 $0x0  }
0x1d: {  	s5 =	simm.s32 @p1 $0x1;
	p0 =	seq.s32 s7, s2  }
0x1e: {  	s7 =	smul.u32 @!p0 $0xF7A, s2;
	p2 =	seq.s32 @!p0 s5, $0x0  }
0x1f: {  	s9 =	smul.u32 $0xF7A, s1;
	s8 =	simm.s32 @!p0 $0x1BF5;
	p2 =	por !p2, p0  }
0x20: {  	[sflag:s8] =	ssyncset.s32 @!p0 $0xFFFFF086;
	s6 =	sadd.s32 @!p0 s3, s7;
	s7 =	simm.s32 @!p0 $0x108  }
0x21: {  	s3 =	sadd.s32 s3, s9;
	s6 =	sadd.s32 @!p0 $0x88, s6;
	s7 =	simm.s32 @p2 $0x1082  }
0x22: {  	[simem:s7], [sflag:s8] =	dma.local @!p0 [hbm:s6], $0xF7A  }
0x23: {  	s9 =	sor.u32 $0xD0000000, s2;
	s6 =	simm.s32 $0x108;
	_ =	swait.ge @!p0 [sflag:s8], $0x0  }
0x24: {  	s3 =	sadd.s32 $0x88, s3;
	s6 =	simm.s32 @!p1 $0x1082;
	[sflag:s4] =	ssyncset.s32 $0xFFFFF086  }
0x25: {  	[simem:s6], [sflag:s4] =	dma.local [hbm:s3], $0xF7A  }
0x26: {  	[smem:$0x3F9B] =	sst s1;
	(tag) =	ssettag s2;
	_ =	strace s9  }
0x27: {  	s1 =	sld [smem:$0x3FAB]  }
0x28: {  	s2 =	sld [smem:$0x3FAC]  }
0x29: {  	s4 =	sld [smem:$0x3FAE]  }
0x2a: {  	p0 =	seq.s32 s5, $0x0;
	s5 =	sld [smem:$0x3FAF]  }
0x2b: {  	s6 =	sld [smem:$0x3FB0]  }
0x2c: {  	s7 =	sld [smem:$0x3FB1]  }
0x2d: {  	s3 =	simm.s32 $0x108;
	s8 =	sld [smem:$0x3FB2]  }
0x2e: {  	s3 =	simm.s32 @!p0 $0x1082;
	s9 =	sld [smem:$0x3FB3]  }
0x2f: {  	lr =	sadd.s32 s0, s3;
	s0 =	sld [smem:$0x3FAA]  }
0x30: {  	s3 =	sld [smem:$0x3FAD]  }
0x31: {  	[smem:$0x3FB6] =	sst s10  }
0x32: {  	s10 =	sld [smem:$0x3FB4];
	_ =	sdelay $0x3  }
0x33: {  	p0 =	seq.s32 s10, $0x1;
	s10 =	sld [smem:$0x3FB6];
	_ =	sdelay $0x3  }
0x34: {  	[smem:$0x3FB6] =	sst s10  }
0x35: {  	s10 =	sld [smem:$0x3FB5];
	_ =	sdelay $0x3  }
0x36: {  	p1 =	seq.s32 s10, $0x1;
	s10 =	sld [smem:$0x3FB6];
	_ =	sdelay $0x3  }
0x37: {  	[smem:$0x3FB6] =	sst s10  }
0x38: {  	s10 =	sld [smem:$0x3FB7]  }
0x39: {  	_ = 	snop;
	(pc) =	sbr.ind lr, $3  }
0x3a: {  	_ = 	snop  }
0x3b: {  	_ = 	snop  }
0x3c: {  	p2 =	seq.s32 s10, $0x1;
	s10 =	sld [smem:$0x3FB6]  }
0x3d: {  	_ =	shalt  }
0x3e: {  	_ =	shalt  }
0x3f: {  	_ =	shalt  }
0x40: {  	_ =	shalt  }
0x41: {  	_ =	shalt  }
0x42: {  	_ =	shalt  }
0x43: {  	_ =	shalt  }
0x44: {  	_ =	shalt  }
0x45: {  	_ =	shalt  }
0x46: {  	_ =	shalt  }
0x47: {  	_ =	shalt  }
0x48: {  	_ =	shalt  }
0x49: {  	_ =	shalt  }
0x4a: {  	_ =	shalt  }
0x4b: {  	_ =	shalt  }
0x4c: {  	_ =	shalt  }
0x4d: {  	_ =	shalt  }
0x4e: {  	_ =	shalt  }
0x4f: {  	_ =	shalt  }
0x50: {  	_ =	shalt  }
0x51: {  	_ =	shalt  }
0x52: {  	_ =	shalt  }
0x53: {  	_ =	shalt  }
0x54: {  	_ =	shalt  }
0x55: {  	_ =	shalt  }
0x56: {  	_ =	shalt  }
0x57: {  	_ =	shalt  }
0x58: {  	_ =	shalt  }
0x59: {  	_ =	shalt  }
0x5a: {  	_ =	shalt  }
0x5b: {  	_ =	shalt  }
0x5c: {  	_ =	shalt  }
0x5d: {  	_ =	shalt  }
0x5e: {  	_ =	shalt  }
0x5f: {  	_ =	shalt  }
0x60: {  	_ =	shalt  }
0x61: {  	_ =	shalt  }
0x62: {  	_ =	shalt  }
0x63: {  	_ =	shalt  }
0x64: {  	_ =	shalt  }
0x65: {  	_ =	shalt  }
0x66: {  	_ =	shalt  }
0x67: {  	_ =	shalt  }
0x68: {  	_ =	shalt  }
0x69: {  	_ =	shalt  }
0x6a: {  	_ =	shalt  }
0x6b: {  	_ =	shalt  }
0x6c: {  	_ =	shalt  }
0x6d: {  	_ =	shalt  }
0x6e: {  	_ =	shalt  }
0x6f: {  	_ =	shalt  }
0x70: {  	_ =	shalt  }
0x71: {  	_ =	shalt  }
0x72: {  	_ =	shalt  }
0x73: {  	_ =	shalt  }
0x74: {  	_ =	shalt  }
0x75: {  	_ =	shalt  }
0x76: {  	_ =	shalt  }
0x77: {  	_ =	shalt  }
0x78: {  	_ =	shalt  }
0x79: {  	_ =	shalt  }
0x7a: {  	_ =	shalt  }
0x7b: {  	_ =	shalt  }
0x7c: {  	_ =	shalt  }
0x7d: {  	_ =	shalt  }
0x7e: {  	_ =	shalt  }
0x7f: {  	_ =	shalt  }
0x80: {  	_ =	shalt  }
0x81: {  	_ =	shalt  }
0x82: {  	_ =	shalt  }
0x83: {  	_ =	shalt  }
0x84: {  	_ =	shalt  }
0x85: {  	_ =	shalt  }
0x86: {  	_ =	shalt  }
0x87: {  	_ =	shalt  }
.Lfunc_end0:
.L_simem_size_0:
called_computation.1_lowered:
.L_overlay_start_0:
0x88: {  	s2 =	sld [smem:$0x3FD9]  }
0x89: {  	s3 =	sld [smem:$0x3FFE];
	_ =	sdelay $0x1  }
0x8a: {  	s1 =	srdreg.scid  }
0x8b: {  	s0 =	sand.u32 $0x1, s1  }
0x8c: {  	s17 =	sshll.u32 s0, $0xA;
	s2 =	sadd.s32 s3, s2  }
0x8d: {  	s2 =	sadd.s32 s2, s17  }
0x8e: {  	[smem:$0x3FC2] =	sst s2  }
0x8f: {  	_ = 	snop  }
0x90: {  	s2 =	sld [smem:$0x3FD0];
	(tm) =	ssettm $0x1  }
0x91: {  	s18 =	sld [smem:$0x3FFB];
	_ =	sdelay $0x3  }
0x92: {  	_ =	strace s18  }
0x93: {  	s3 =	sld [smem:$0x3FFC];
	_ =	sdelay $0x3  }
0x94: {  	_ =	strace s3  }
0x95: {  	s3 =	sld [smem:$0x3FFD];
	_ =	sdelay $0x3  }
0x96: {  	_ =	strace s3  }
0x97: {  	_ =	strace $0x8FFFFFFF  }
0x98: {  	s19 =	sld [smem:$0x3FDB];
	_ =	sdelay $0x1  }
0x99: {  	s4 =	simm.s32 $_scs_section_size  }
0x9a: {  	s5 =	simm.s32 $_size__tile_overlayer_lowered;
	s6 =	simm.s32 $_tile_overlayer_lowered  }
0x9b: {  	s22 =	simm.s32 $0x1BFF;
	s21 =	sshll.u32 s6, $0x1;
	s3 =	sadd.s32 s4, s19  }
0x9c: {  	s7 =	simm.s32 $0x0;
	s20 =	sshll.u32 s5, $0x1;
	s5 =	sadd.s32 s21, s3  }
0x9d: {  	[timem:s7], [sflag:s22] =	dma.local [hbm:s5], s20  }
0x9e: {  	_ =	swait.ge [sflag:s22], s20  }
0x9f: {  	s4 =	ssub.s32 $0x0, s20;
	[sflag:s22] =	ssyncset.done $0x0  }
0xa0: {  	[sflag:s22] =	ssyncadd.s32 s4;
	_ =	sdelay $0x1  }
0xa1: {  	s23 =	simm.s32 $0x1B8B  }
0xa2: {  	_ =	swait.ge [sflag:s23], $0x1  }
0xa3: {  	[sflag:s23] =	ssyncset.done $0x0  }
0xa4: {  	s25 =	simm.s32 $0x1B8E;
	s24 =	sld [smem:$0x3FFE];
	[sflag:s23] =	ssyncadd.s32 $0xFFFFFFFF  }
0xa5: {  	s26 =	simm.s32 $execute0_lowered;
	[smem:$0x3FD2] =	sst s25  }
0xa6: {  	s5 =	sshll.u32 s26, $0x1;
	_ =	strace $0x80000049;
	[dreg:$0x1] =	wrdreg $0xFFFFFFFF  }
0xa7: {  	s28 =	simm.s32 $_size_execute0_lowered;
	s3 =	sadd.s32 s3, s5;
	[dreg:$0x0] =	wrdreg $0x0  }
0xa8: {  	s5 =	sshll.u32 s28, $0x1;
	[dreg:$0x2] =	wrdreg s3  }
0xa9: {  	[dreg:$0x3] =	wrdreg s5  }
0xaa: {  	[dreg:$0x4] =	wrdreg $0xC0  }
0xab: {  	_ =	task [dreg:s7], $0x5FFFF  }
0xac: {  	[dreg:$0x1] =	wrdreg $0xFFFFFFFF  }
0xad: {  	[dreg:$0x0] =	wrdreg $0x60  }
0xae: {  	[dreg:$0x2] =	wrdreg s2  }
0xaf: {  	[dreg:$0x3] =	wrdreg s24  }
0xb0: {  	[dreg:$0x4] =	wrdreg $0x0  }
0xb1: {  	[dreg:$0x5] =	wrdreg $0x9  }
0xb2: {  	_ =	task.clear_ibuf [dreg:s7], $0x6FFFF;
	_ =	strace $0x90000049  }
0xb3: {  	s29 =	simm.s32 $0x9;
	_ =	strace $0x8000004B  }
0xb4: {  	_ =	swait.ge [sflag:s29], $0x1  }
0xb5: {  	[sflag:s29] =	ssyncadd.s32 $0xFFFFFFFF  }
0xb6: {  	_ =	strace $0x9000004B  }
0xb7: {  	_ =	sfence  }
0xb8: {  	s30 =	sld [smem:$0x0];
	_ =	sdelay $0x2  }
0xb9: {  	s31 =	sshll.u32 s1, $0xD;
	s1 =	sshrl.u32 s1, $0x2  }
0xba: {  	s3 =	sand.u32 $0x4000, s31;
	s1 =	sadd.s32 s1, s30  }
0xbb: {  	s0 =	sor.u32 s3, s0;
	s1 =	sshll.u32 s1, $0x11  }
0xbc: {  	s0 =	sor.u32 s1, s0  }
0xbd: {  	s0 =	sadd.s32 $0x8F2B, s0  }
0xbe: {  	[sflag:s0] =	ssyncadd.remote.s32 $0x1  }
0xbf: {  	_ =	sfence.sel $0xFFFF  }
0xc0: {  	[dreg:$0x0] =	wrdreg $0xFFFFFFFF;
	(pc) =	sbr.abs _section_cstart, $3  }
0xc1: {  	[dreg:$0x1] =	wrdreg $0xFFFFFFFF  }
0xc2: {  	_ =	task.clear_ibuf [dreg:s7], $0x2FFFF;
	_ =	strace $0x9FFFFFFF  }
0xc3: {  	(tm) =	ssettm $0x7FFFFFFF  }
tec
execute0_lowered:
.L_overlay_start_1:
0x0: {  	(tag) =	ssettag $0x1  }
0x1: {  	s0 =	rddreg [dreg:$0x0]  }
0x2: {  	s5 =	rddreg [dreg:$0x1]  }
0x3: {  	s1 =	rddreg [dreg:$0x2];
	s7 =	stileid.u32  }
0x4: {  	s4 =	srdreg.scid;
	s2 =	simm.s32 $0x0;
	s15 =	simm.s32 $0x3  }
0x5: {  	p2 =	por $0x0, $0x0;
	s21 =	simm.s32 $0x7D;
	s22 =	simm.s32 $0x16180  }
0x6: {  	s28 =	simm.s32 $0x2;
	s29 =	simm.s32 $0x16000;
	s3 =	smul.u32 $0x2800, s7  }
0x7: {  	s30 =	simm.s32 $0x0;
	s6 =	sand.u32 $0x1, s4;
	s9 =	smul.u32 $0x4E000, s7  }
0x8: {  	[smem:$0x7FF] =	sst s2;
	s4 =	sadd.s32 $0x2D800, s5;
	s13 =	smul.u32 $0x2700, s7  }
0x9: {  	p0 =	sne.s32 s7, $0x0;
	p1 =	sgt.u32 s7, $0x1;
	s7 =	sshll.u32 s7, $0x6  }
0xa: {  	s8 =	smul.u32 $0x27100, s6;
	_ =	strace $0x8000004A;
	s6 =	ssub.s32 $0x2, s6  }
0xb: {  	s17 =	sor.u32 $0x1C03, s7;
	p2 =	por @!p1 p0, p0;
	s10 =	sshrl.u32 s3, $0x3  }
0xc: {  	s12 =	sshrl.u32 s6, $0x1;
	s9 =	sshrl.u32 s9, $0x2;
	s11 =	sadd.s32 s10, s5  }
0xd: {  	s5 =	sadd.s32 s8, s5;
	s12 =	ssub.s32 s6, s12;
	s24 =	sadd.s32 s9, s1  }
0xe: {  	s6 =	sadd.s32 s0, s8;
	s8 =	sadd.s32 $0x138400, s1;
	s9 =	sadd.s32 $0x138000, s1  }
0xf: {  	s25 =	sadd.s32 s4, s10;
	s23 =	sadd.s32 $0x32800, s11;
	s10 =	sadd.s32 $0x37800, s5  }
0x10: {  	s26 =	smax.u32 s12, $0x1;
	s31 =	sadd.s32 $0x4E0, s25;
	s5 =	smov.u32 s9  }
0x11: {  	s0 =	sadd.s32 $0x4F0, s25;
	s14 =	smov.u32 s8;
	[dreg:$0x4] =	wrdreg s23  }
0x12: {  	s16 =	sadd.s32 s13, s6;
	s18 =	sshrl.u32 s24, $0x3;
	[dreg:$0x5] =	wrdreg s26  }
0x13: {  	s24 =	simm.s32 $0x16080;
	s25 =	simm.s32 $0x1;
	[dreg:$0x6] =	wrdreg s31  }
0x14: {  	[dreg:$0x7] =	wrdreg s0;
	s5 =	smov.u32 @p0 s8;
	s0 =	simm.s32 $0x27080  }
0x15: {  	s8 =	smov.u32 s13;
	s23 =	simm.s32 $0x1A180;
	s0 =	simm.s32 @!p0 $0x27000  }
0x16: {  	s26 =	simm.s32 $0x16100;
	s20 =	sshrl.u32 @!p1 s5, $0x3;
	s19 =	sadd.s32 @!p1 s0, s6  }
.LBB2_1:
0x17: {  	s0 =	rddreg [dreg:$0x4];
	s5 =	simm.s32 $0x13880  }
0x18: {  	[tilespmem:s5], [sflag:$0x3] =	stream.linear.gather [hbm4b:s0+s2], $0x2800, $0x38;
	[tilespmem:$0x1E180] =	vst v63  }
0x19: {  	_ =	swait.ge [sflag:s15], $0x2800  }
0x1a: {  	[sflag:s15] =	ssyncset.done $0x0  }
0x1b: {  	[sflag:s15] =	ssyncadd.s32 $0xFFFFD800  }
0x1c: {  	[spmem:s18], [sflag:s17] =	dma.local [hbm:s16], $0x2700  }
0x1d: {  	_ =	swait.ge [sflag:s15], $0x2700  }
0x1e: {  	[sflag:s15] =	ssyncset.done $0x0  }
0x1f: {  	s0 =	simm.s32 @!p1 $0x3;
	[sflag:s15] =	ssyncadd.s32 $0xFFFFD900  }
0x20: {  	[spmem:s20], [sflag:s17] =	dma.local @!p1 [hbm:s19], $0x80  }
0x21: {  	_ =	swait.ge @!p1 [sflag:s0], $0x80  }
0x22: {  	[sflag:s0] =	ssyncset.done @!p1 $0x0  }
0x23: {  	s7 =	simm.s32 $0x0;
	[sflag:s0] =	ssyncadd.s32 @!p1 $0xFFFFFF80  }
0x24: {  	s11 =	sand.u32 $0x3C00, s7;
	[bflag:$0x0] =	sbarrier.arrive $0xFFFF  }
0x25: {  	[tilespmem:s22], [sflag:$0x1] =	stream.indirect.gather [hbm4b:s6+s21], $0x80, s5, s21, $0xb8;
	[tilespmem:$0x1E180] =	vst v63  }
0x26: {  	s0 =	sand.u32 $0x300, s7;
	s5 =	sadd.s32 s3, s11  }
0x27: {  	s0 =	sor.u32 s0, s5  }
0x28: {  	s7 =	simm.s32 $0x13900;
	s0 =	sshrl.u32 s0, $0x3  }
0x29: {  	[tilespmem:s23], [sflag:$0x2] =	stream.indirect.gather [hbm4b:s6+s21], $0x80, s7, s21, $0xb8;
	[tilespmem:$0x1E180] =	vst v63  }
0x2a: {  	s0 =	sadd.s32 s4, s0  }
0x2b: {  	[tilespmem:s24], [sflag:$0x3] =	stream.linear.gather [hbm4b:s0+s2], $0x80, $0x38;
	[tilespmem:$0x1E180] =	vst v63  }
0x2c: {  	_ =	swait.ge [sflag:s15], $0x80  }
0x2d: {  	[sflag:s15] =	ssyncset.done $0x0  }
0x2e: {  	[sflag:s15] =	ssyncadd.s32 $0xFFFFFF80  }
0x2f: {  	_ =	swait.ge [sflag:s25], $0x3E80  }
0x30: {  	[sflag:s25] =	ssyncset.done $0x0  }
0x31: {  	s12 =	simm.s32 $0x80;
	[sflag:s25] =	ssyncadd.s32 $0xFFFFC180  }
0x32: {  	[spmem:s1] =	stream.indirect.scatter.add.f32 [tilespmem:s22], [sflag:$0x3], $0x80, s24, s21, $0xb8;
	[tilespmem:$0x1E180] =	vst v63  }
0x33: {  	s0 =	sand.u32 $0x380, s12;
	_ =	swait.ge [sflag:s15], $0x3E80  }
0x34: {  	s0 =	sor.u32 s5, s0;
	[sflag:s15] =	ssyncset.done $0x0  }
0x35: {  	s13 =	simm.s32 $0x13980;
	s0 =	sshrl.u32 s0, $0x3;
	[sflag:s15] =	ssyncadd.s32 $0xFFFFC180  }
0x36: {  	[tilespmem:s22], [sflag:$0x1] =	stream.indirect.gather [hbm4b:s6+s21], $0x80, s13, s21, $0xb8;
	[tilespmem:$0x1E180] =	vst v63  }
0x37: {  	s0 =	sadd.s32 s4, s0  }
0x38: {  	[tilespmem:s26], [sflag:$0x3] =	stream.linear.gather [hbm4b:s0+s2], $0x80, $0x38;
	[tilespmem:$0x1E180] =	vst v63  }
0x39: {  	_ =	swait.ge [sflag:s15], $0x80  }
0x3a: {  	[sflag:s15] =	ssyncset.done $0x0  }
0x3b: {  	[sflag:s15] =	ssyncadd.s32 $0xFFFFFF80  }
0x3c: {  	s31 =	simm.s32 $0x13A80;
	s11 =	simm.s32 $0x100;
	_ =	swait.ge [sflag:s28], $0x3E80  }
0x3d: {  	s7 =	sand.u32 $0x3C00, s11;
	s12 =	sand.u32 $0x300, s11;
	[sflag:s28] =	ssyncset.done $0x0  }
0x3e: {  	s5 =	simm.s32 $0x280;
	s0 =	simm.s32 $0x180;
	[sflag:s28] =	ssyncadd.s32 $0xFFFFC180  }
.LBB2_2:
0x3f: {  	s7 =	sadd.s32 s3, s7  }
0x40: {  	s13 =	sand.u32 $0x380, s0;
	s0 =	smov.u32 s5;
	s11 =	sadd.s32 $0x100, s5  }
0x41: {  	[spmem:s1] =	stream.indirect.scatter.add.f32 [tilespmem:s23], [sflag:$0x3], $0x80, s26, s21, $0xb8;
	[tilespmem:$0x1E180] =	vst v63  }
0x42: {  	s12 =	sor.u32 s12, s7;
	s7 =	sor.u32 s7, s13;
	_ =	swait.ge [sflag:s15], $0x3E80  }
0x43: {  	s12 =	sshrl.u32 s12, $0x3;
	s7 =	sshrl.u32 s7, $0x3;
	[sflag:s15] =	ssyncset.done $0x0  }
0x44: {  	s13 =	sadd.s32 $0xFFFFFF80, s31;
	s12 =	sadd.s32 s4, s12;
	[sflag:s15] =	ssyncadd.s32 $0xFFFFC180  }
0x45: {  	[tilespmem:s23], [sflag:$0x2] =	stream.indirect.gather [hbm4b:s6+s21], $0x80, s13, s21, $0xb8;
	[tilespmem:$0x1E180] =	vst v63  }
0x46: {  	p3 =	sne.s32 s5, $0x2680  }
0x47: {  	[tilespmem:s24], [sflag:$0x3] =	stream.linear.gather [hbm4b:s12+s2], $0x80, $0x38;
	[tilespmem:$0x1E180] =	vst v63  }
0x48: {  	_ =	swait.ge [sflag:s15], $0x80  }
0x49: {  	[sflag:s15] =	ssyncset.done $0x0  }
0x4a: {  	[sflag:s15] =	ssyncadd.s32 $0xFFFFFF80  }
0x4b: {  	_ =	swait.ge [sflag:s25], $0x3E80  }
0x4c: {  	[sflag:s25] =	ssyncset.done $0x0  }
0x4d: {  	[sflag:s25] =	ssyncadd.s32 $0xFFFFC180  }
0x4e: {  	[spmem:s1] =	stream.indirect.scatter.add.f32 [tilespmem:s22], [sflag:$0x3], $0x80, s24, s21, $0xb8;
	[tilespmem:$0x1E180] =	vst v63  }
0x4f: {  	_ =	swait.ge [sflag:s15], $0x3E80  }
0x50: {  	[sflag:s15] =	ssyncset.done $0x0  }
0x51: {  	[sflag:s15] =	ssyncadd.s32 $0xFFFFC180  }
0x52: {  	[tilespmem:s22], [sflag:$0x1] =	stream.indirect.gather [hbm4b:s6+s21], $0x80, s31, s21, $0xb8;
	[tilespmem:$0x1E180] =	vst v63  }
0x53: {  	s5 =	sadd.s32 s4, s7  }
0x54: {  	[tilespmem:s26], [sflag:$0x3] =	stream.linear.gather [hbm4b:s5+s2], $0x80, $0x38;
	[tilespmem:$0x1E180] =	vst v63  }
0x55: {  	_ =	swait.ge [sflag:s15], $0x80  }
.Ltmp0:
0x56: {  	[sflag:s15] =	ssyncset.done $0x0;
	(pc) =	sbr.rel @p3 .LBB2_2-.Ltmp0, $4  }
0x57: {  	[sflag:s15] =	ssyncadd.s32 $0xFFFFFF80  }
0x58: {  	s5 =	sadd.s32 $0xFFFFFF80, s0;
	_ =	swait.ge [sflag:s28], $0x3E80  }
0x59: {  	s31 =	sadd.s32 $0x100, s31;
	s7 =	sand.u32 $0x3C00, s5;
	[sflag:s28] =	ssyncset.done $0x0  }
0x5a: {  	s12 =	sand.u32 $0x300, s5;
	s5 =	smov.u32 s11;
	[sflag:s28] =	ssyncadd.s32 $0xFFFFC180  }
0x5b: {  	[spmem:s1] =	stream.indirect.scatter.add.f32 [tilespmem:s23], [sflag:$0x3], $0x80, s26, s21, $0xb8;
	[tilespmem:$0x1E180] =	vst v63  }
0x5c: {  	s13 =	sadd.s32 s3, s7;
	_ =	swait.ge [sflag:s15], $0x3E80  }
0x5d: {  	s7 =	sor.u32 s12, s13;
	[sflag:s15] =	ssyncset.done $0x0  }
0x5e: {  	s5 =	sadd.s32 $0xFFFFFF80, s31;
	s7 =	sshrl.u32 s7, $0x3;
	[sflag:s15] =	ssyncadd.s32 $0xFFFFC180  }
0x5f: {  	[tilespmem:s23], [sflag:$0x2] =	stream.indirect.gather [hbm4b:s6+s21], $0x80, s5, s21, $0xb8;
	[tilespmem:$0x1E180] =	vst v63  }
0x60: {  	s7 =	sadd.s32 s4, s7  }
0x61: {  	[tilespmem:s24], [sflag:$0x3] =	stream.linear.gather [hbm4b:s7+s2], $0x80, $0x38;
	[tilespmem:$0x1E180] =	vst v63  }
0x62: {  	_ =	swait.ge [sflag:s15], $0x80  }
0x63: {  	[sflag:s15] =	ssyncset.done $0x0  }
0x64: {  	[sflag:s15] =	ssyncadd.s32 $0xFFFFFF80  }
0x65: {  	_ =	swait.ge [sflag:s25], $0x3E80  }
0x66: {  	[sflag:s25] =	ssyncset.done $0x0  }
0x67: {  	[sflag:s25] =	ssyncadd.s32 $0xFFFFC180  }
0x68: {  	[spmem:s1] =	stream.indirect.scatter.add.f32 [tilespmem:s22], [sflag:$0x3], $0x80, s24, s21, $0xb8;
	[tilespmem:$0x1E180] =	vst v63  }
0x69: {  	s0 =	sand.u32 $0x380, s0;
	_ =	swait.ge [sflag:s15], $0x3E80  }
0x6a: {  	s0 =	sor.u32 s13, s0;
	[sflag:s15] =	ssyncset.done $0x0  }
0x6b: {  	s0 =	sshrl.u32 s0, $0x3;
	[sflag:s15] =	ssyncadd.s32 $0xFFFFC180  }
0x6c: {  	[tilespmem:s22], [sflag:$0x1] =	stream.indirect.gather [hbm4b:s6+s21], $0x80, s31, s21, $0xb8;
	[tilespmem:$0x1E180] =	vst v63  }
0x6d: {  	s0 =	sadd.s32 s4, s0  }
0x6e: {  	[tilespmem:s26], [sflag:$0x3] =	stream.linear.gather [hbm4b:s0+s2], $0x80, $0x38;
	[tilespmem:$0x1E180] =	vst v63  }
0x6f: {  	_ =	swait.ge [sflag:s15], $0x80  }
0x70: {  	[sflag:s15] =	ssyncset.done $0x0  }
0x71: {  	[sflag:s15] =	ssyncadd.s32 $0xFFFFFF80  }
0x72: {  	_ =	swait.ge [sflag:s28], $0x3E80  }
0x73: {  	[sflag:s28] =	ssyncset.done $0x0  }
0x74: {  	[sflag:s28] =	ssyncadd.s32 $0xFFFFC180  }
0x75: {  	[spmem:s1] =	stream.indirect.scatter.add.f32 [tilespmem:s23], [sflag:$0x3], $0x80, s26, s21, $0xb8;
	[tilespmem:$0x1E180] =	vst v63  }
0x76: {  	_ =	swait.ge [sflag:s15], $0x3E80  }
0x77: {  	[sflag:s15] =	ssyncset.done $0x0  }
0x78: {  	[sflag:s15] =	ssyncadd.s32 $0xFFFFC180  }
0x79: {  	[tilespmem:s23], [sflag:$0x2] =	stream.indirect.gather [hbm4b:s6+s21], $0x80, s29, s21, $0xb8;
	[tilespmem:$0x1E180] =	vst v63  }
0x7a: {  	s11 =	rddreg [dreg:$0x6]  }
0x7b: {  	[tilespmem:s24], [sflag:$0x3] =	stream.linear.gather [hbm4b:s11+s2], $0x80, $0x38;
	[tilespmem:$0x1E180] =	vst v63  }
0x7c: {  	_ =	swait.ge [sflag:s15], $0x80  }
0x7d: {  	[sflag:s15] =	ssyncset.done $0x0  }
0x7e: {  	[sflag:s15] =	ssyncadd.s32 $0xFFFFFF80  }
0x7f: {  	_ =	swait.ge [sflag:s25], $0x3E80  }
0x80: {  	[sflag:s25] =	ssyncset.done $0x0  }
0x81: {  	[sflag:s25] =	ssyncadd.s32 $0xFFFFC180  }
0x82: {  	[spmem:s1] =	stream.indirect.scatter.add.f32 [tilespmem:s22], [sflag:$0x3], $0x80, s24, s21, $0xb8;
	[tilespmem:$0x1E180] =	vst v63  }
0x83: {  	_ =	swait.ge [sflag:s15], $0x3E80  }
0x84: {  	[sflag:s15] =	ssyncset.done $0x0  }
0x85: {  	[sflag:s15] =	ssyncadd.s32 $0xFFFFC180  }
0x86: {  	[tilespmem:s22], [sflag:$0x1] =	stream.indirect.gather [hbm4b:s6+s21], $0x80, s29, s21, $0xb8;
	[tilespmem:$0x1E180] =	vst v63  }
0x87: {  	s12 =	rddreg [dreg:$0x7]  }
0x88: {  	[tilespmem:s26], [sflag:$0x3] =	stream.linear.gather [hbm4b:s12+s2], $0x80, $0x38;
	[tilespmem:$0x1E180] =	vst v63  }
0x89: {  	_ =	swait.ge [sflag:s15], $0x80  }
0x8a: {  	[sflag:s15] =	ssyncset.done $0x0  }
0x8b: {  	[sflag:s15] =	ssyncadd.s32 $0xFFFFFF80  }
0x8c: {  	_ =	swait.ge [sflag:s28], $0x3E80  }
0x8d: {  	[sflag:s28] =	ssyncset.done $0x0  }
0x8e: {  	[sflag:s28] =	ssyncadd.s32 $0xFFFFC180  }
0x8f: {  	[spmem:s1] =	stream.indirect.scatter.add.f32 [tilespmem:s23], [sflag:$0x3], $0x80, s26, s21, $0xb8;
	[tilespmem:$0x1E180] =	vst v63  }
0x90: {  	_ =	swait.ge [sflag:s15], $0x3E80  }
0x91: {  	[sflag:s15] =	ssyncset.done $0x0  }
0x92: {  	[sflag:s15] =	ssyncadd.s32 $0xFFFFC180  }
0x93: {  	_ =	swait.ge [sflag:s25], $0x3E80  }
0x94: {  	[sflag:s25] =	ssyncset.done $0x0  }
0x95: {  	[sflag:s25] =	ssyncadd.s32 $0xFFFFC180  }
0x96: {  	s13 =	sadd.s32 s8, s10;
	[bflag:$0x0] =	sbarrier.arrive $0xFFFF  }
0x97: {  	[hbm:s13], [sflag:s17] =	dma.local [spmem:s18], $0x2700  }
0x98: {  	_ =	swait.ge [sflag:s15], $0x2700  }
0x99: {  	[sflag:s15] =	ssyncset.done $0x0  }
0x9a: {  	s5 =	sshrl.u32 @!p0 s9, $0x3;
	s0 =	sadd.s32 @!p0 $0x27000, s10;
	[sflag:s15] =	ssyncadd.s32 $0xFFFFD900  }
0x9b: {  	[hbm:s0], [sflag:s17] =	dma.local @!p0 [spmem:s5], $0x80  }
0x9c: {  	s0 =	simm.s32 @!p0 $0x3  }
0x9d: {  	_ =	swait.ge @!p0 [sflag:s0], $0x80  }
0x9e: {  	[sflag:s0] =	ssyncset.done @!p0 $0x0  }
0x9f: {  	s5 =	sshrl.u32 @p2 s14, $0x3;
	[sflag:s0] =	ssyncadd.s32 @!p0 $0xFFFFFF80;
	s0 =	sadd.s32 @p2 $0x27080, s10  }
0xa0: {  	[hbm:s0], [sflag:s17] =	dma.local @p2 [spmem:s5], $0x80  }
0xa1: {  	s0 =	simm.s32 @p2 $0x3  }
0xa2: {  	_ =	swait.ge @p2 [sflag:s0], $0x80  }
0xa3: {  	s30 =	sadd.s32 $0x1, s30;
	s31 =	rddreg [dreg:$0x5]  }
0xa4: {  	p3 =	sne.s32 s30, s31  }
.Ltmp1:
0xa5: {  	_ = 	snop;
	(pc) =	sbr.rel @p3 .LBB2_1-.Ltmp1, $3  }
0xa6: {  	_ =	sdelay $0x1  }
0xa7: {  	[sflag:s0] =	ssyncset.done @p2 $0x0  }
0xa8: {  	[sflag:s0] =	ssyncadd.s32 @p2 $0xFFFFFF80  }
0xa9: {  	_ =	sfence.sel $0x180000  }
0xaa: {  	[bflag:$0x0] =	sbarrier.arrive $0xFFFF  }
0xab: {  	_ =	strace $0x9000004A  }
0xac: {  	[bflag:$0x2] =	sbarrier.arrive $0xFFFF  }
0xad: {  	s0 =	rddreg [dreg:$0x3]  }
0xae: {  	s0 =	sadd.s32 @!p0 $0x100000, s0  }
0xaf: {  	[sflag:s0] =	ssyncadd.tile.s32 @!p0 $0x1;
	_ =	shalt  }
.Lfunc_end2:
_tile_overlayer_lowered:
.L_overlay_start_2:
0xb0: {  	(tag) =	ssettag $0x2  }
0xb1: {  	s0 =	rddreg [dreg:$0x0];
	s2 =	stileid.u32  }
0xb2: {  	s1 =	rddreg [dreg:$0x1];
	p0 =	sne.s32 s2, $0x0  }
0xb3: {  	s3 =	rddreg [dreg:$0x2];
	[bflag:$0x3] =	sbarrier.arrive $0xFFFF;
	s2 =	simm.s32 @!p0 $0x1C03  }
0xb4: {  	[timem:s3], [sflag:s2] =	dma.local @!p0 [hbm:s0], s1  }
0xb5: {  	s0 =	simm.s32 @!p0 $0x3  }
0xb6: {  	_ =	swait.ge @!p0 [sflag:s0], s1  }
0xb7: {  	s1 =	ssub.s32 @!p0 $0x0, s1;
	[sflag:s0] =	ssyncset.done @!p0 $0x0  }
0xb8: {  	[sflag:s0] =	ssyncadd.s32 @!p0 s1  }
0xb9: {  	[bflag:$0x3] =	sbarrier.arrive $0xFFFF  }
0xba: {  	_ =	shalt  }

</sc_bundles>
